<compile_context>
chip_gen: v7x
topology: tpu7x:2x2x1
jax: 0.10.2.dev20260603
libtpu: 0.0.44.dev20260713+nightly
codegen_flags: <defaults>
</compile_context>

<pallas_src>
import jax
import jax.numpy as jnp
from jax import lax
from jax.experimental import pallas as pl
from jax.experimental.pallas import tpu as pltpu
from jax.experimental.pallas import tpu_sc as plsc

DEPTH = 1000
T = 16384

_INFO = plsc.get_sparse_core_info()
NC = _INFO.num_cores
NS = _INFO.num_subcores
L = _INFO.num_lanes
NW = NC * NS
TPW = T // NW
COLS = 128
NBC = TPW // COLS
R0 = 504
R1 = DEPTH - R0
SUBS = [(c, r) for c in range(NBC) for r in range(2)]


def _body(x_hbm, out_hbm, idx_v, buf0, buf1, sem0, sem1, isem):
    wid = lax.axis_index("s") * NC + lax.axis_index("c")
    base = wid * TPW

    idx_cp = pltpu.make_async_copy(x_hbm.at[0, pl.ds(base, TPW)], idx_v, isem)
    idx_cp.start()

    def _zero(buf, nrows):
        def body(i, carry):
            z = jnp.zeros((L,), jnp.float32)
            for r in range(8):
                for c in range(COLS // L):
                    buf[i * 8 + r, pl.ds(c * L, L)] = z
            return carry

        lax.fori_loop(0, nrows // 8, body, 0)

    _zero(buf0, R0)
    idx_cp.wait()

    iota = lax.iota(jnp.int32, L)
    onesv = jnp.full((L,), 1.0, jnp.float32)
    zerov = jnp.zeros((L,), jnp.float32)
    bufs = (buf0, buf1)
    sems = (sem0, sem1)

    def _scatter(buf, cblk, rhalf, val):
        lo = rhalf * R0
        nrows = R1 if rhalf else R0
        for c in range(COLS // L):
            colv = iota + c * L
            xv = idx_v[pl.ds(cblk * COLS + c * L, L)]
            xl = xv - lo
            mask = (xl >= 0) & (xl < nrows)
            plsc.store_scatter(buf, [xl, colv], val, mask=mask)

    copies = [None] * len(SUBS)
    for k, (cblk, rhalf) in enumerate(SUBS):
        buf = bufs[k % 2]
        sem = sems[k % 2]
        if k >= 2:
            copies[k - 2].wait()
            pc, pr = SUBS[k - 2]
            _scatter(buf, pc, pr, zerov)
        _scatter(buf, cblk, rhalf, onesv)
        nrows = R1 if rhalf else R0
        dst = out_hbm.at[pl.ds(rhalf * R0, nrows),
                         pl.ds(base + cblk * COLS, COLS)]
        copies[k] = pltpu.make_async_copy(buf.at[pl.ds(0, nrows), :], dst, sem)
        copies[k].start()
        if k == 0:
            _zero(buf1, R0)
    copies[len(SUBS) - 2].wait()
    copies[len(SUBS) - 1].wait()


@jax.jit
def _onehot_sc(x):
    k = pl.kernel(
        _body,
        out_type=jax.ShapeDtypeStruct((DEPTH, T), jnp.float32),
        mesh=plsc.VectorSubcoreMesh(core_axis_name="c", subcore_axis_name="s"),
        scratch_types=[
            pltpu.VMEM((TPW,), jnp.int32),
            pltpu.VMEM((R0, COLS), jnp.float32),
            pltpu.VMEM((R0, COLS), jnp.float32),
            pltpu.SemaphoreType.DMA,
            pltpu.SemaphoreType.DMA,
            pltpu.SemaphoreType.DMA,
        ],
        compiler_params=pltpu.CompilerParams(
            needs_layout_passes=False,
            disable_bounds_checks=True,
            disable_semaphore_checks=True,
            skip_device_barrier=True,
        ),
    )
    out_t = k(x)
    return out_t.T[None, :, :]


def kernel(x, ones):
    del ones
    return _onehot_sc(x)

# --- scband reference (transcript-rebuilt; emitter-appended) ---
"""Pipeline reference for scband-one-hot-9388798509143 (READ-ONLY COPY).

The authoritative reference and input builder live on the scoring server;
editing this copy changes nothing except your own understanding.
"""

import jax, jax.numpy as jnp
import numpy as np

DEPTH = 1000
T = 16384

def setup_inputs(seed: int = 0) -> dict:
    key = jax.random.key(seed)
    x = jax.random.randint(key, (1, T), 0, DEPTH, dtype=jnp.int64 if jax.config.jax_enable_x64 else jnp.int32).astype(jnp.int32)
    ones = jnp.eye(DEPTH, dtype=jnp.float32)
    return {"x": x, "ones": ones}

def reference(x, ones):
    # Faithful translation of OneHot.forward:
    # x_onehot = self.ones.index_select(0, x.data[0]).unsqueeze(0)
    idx = x[0]
    x_onehot = jnp.take(ones, idx, axis=0)  # (T, depth)
    return x_onehot[None, :, :]  # (1, T, depth)

if __name__ == "__main__":
    import jax
    _d = setup_inputs()
    print(jax.jit(kernel)(*tuple(_d.values())))

</pallas_src>

<mosaic_0001>
#map = affine_map<(d0, d1) -> (0, 0)>
module attributes {stable_mosaic.version = 14 : i64} {
  func.func @_body(%arg0: i32, %arg1: i32, %arg2: memref<1x16384xi32, #tpu.memory_space<hbm>>, %arg3: memref<1000x16384xf32, #tpu.memory_space<hbm>>, %arg4: memref<512xi32, #tpu.memory_space<vmem>>, %arg5: memref<504x128xf32, #tpu.memory_space<vmem>>, %arg6: memref<504x128xf32, #tpu.memory_space<vmem>>, %arg7: memref<!tpu.dma_semaphore, #tpu.memory_space<semaphore_mem>>, %arg8: memref<!tpu.dma_semaphore, #tpu.memory_space<semaphore_mem>>, %arg9: memref<!tpu.dma_semaphore, #tpu.memory_space<semaphore_mem>>) attributes {dimension_semantics = [#tpu.dimension_semantics<core_parallel>, #tpu.dimension_semantics<subcore_parallel>], iteration_bounds = array<i64: 2, 16>, scalar_prefetch = 0 : i64, scratch_operands = 6 : i64, tpu.core_type = #tpu.core_type<sc_vector_subcore>, window_params = [{transform_indices = #map}, {transform_indices = #map}]} {
    %mul3A = arith.constant 2 : i32
    %mul3A_0 = arith.muli %arg1, %mul3A : i32
    %add3A = arith.addi %mul3A_0, %arg0 : i32
    %mul3A_1 = arith.constant 512 : i32
    %mul3A_2 = arith.muli %add3A, %mul3A_1 : i32
    %dma_start3A = arith.constant 0 : i32
    %dma_start3A_3 = tpu.memref_slice %arg2[%dma_start3A, %mul3A_2] : memref<1x16384xi32, #tpu.memory_space<hbm>> -> memref<1x512xi32, #tpu.memory_space<hbm>>
    %dma_start3A_4 = tpu.memref_squeeze %dma_start3A_3 : memref<1x512xi32, #tpu.memory_space<hbm>> -> memref<512xi32, #tpu.memory_space<hbm>>
    %dma_start3A_5 = tpu.memref_slice %arg2[%dma_start3A, %mul3A_2] : memref<1x16384xi32, #tpu.memory_space<hbm>> -> memref<1x512xi32, #tpu.memory_space<hbm>>
    %dma_start3A_6 = tpu.memref_squeeze %dma_start3A_5 : memref<1x512xi32, #tpu.memory_space<hbm>> -> memref<512xi32, #tpu.memory_space<hbm>>
    tpu.enqueue_dma source(%dma_start3A_6 : memref<512xi32, #tpu.memory_space<hbm>>) target(%arg4 : memref<512xi32, #tpu.memory_space<vmem>>) target_semaphore(%arg9 : memref<!tpu.dma_semaphore, #tpu.memory_space<semaphore_mem>>)
    %scan3A = arith.constant 0 : i32
    %scan3A_7 = arith.constant 0 : i32
    %scan3A_8 = arith.constant 63 : i32
    %scan3A_9 = arith.addi %scan3A_7, %scan3A_8 : i32
    %scan3A_10 = arith.constant 1 : i32
    scf.for %scan3A_1876 = %scan3A_7 to %scan3A_9 step %scan3A_10  : i32 {
      %broadcast_in_dim3A_1877 = arith.constant 0.000000e+00 : f32
      %broadcast_in_dim3A_1878 = vector.broadcast %broadcast_in_dim3A_1877 : f32 to vector<16xf32>
      %mul3A_1879 = arith.constant 8 : i32
      %mul3A_1880 = arith.muli %scan3A_1876, %mul3A_1879 : i32
      %add3A_1881 = arith.constant 0 : i32
      %add3A_1882 = arith.addi %mul3A_1880, %add3A_1881 : i32
      %swap3A = arith.index_cast %add3A_1882 : i32 to index
      %swap3A_1883 = arith.constant 0 : index
      %swap3A_1884 = tpu.vector_load %arg5[%swap3A, %swap3A_1883] {strides = array<i32>} : memref<504x128xf32, #tpu.memory_space<vmem>>, vector<16xf32>,
      tpu.vector_store %arg5[%swap3A, %swap3A_1883], %broadcast_in_dim3A_1878 {strides = array<i32>} : memref<504x128xf32, #tpu.memory_space<vmem>>, vector<16xf32>,
      %mul3A_1885 = arith.constant 8 : i32
      %mul3A_1886 = arith.muli %scan3A_1876, %mul3A_1885 : i32
      %add3A_1887 = arith.constant 0 : i32
      %add3A_1888 = arith.addi %mul3A_1886, %add3A_1887 : i32
      %swap3A_1889 = arith.index_cast %add3A_1888 : i32 to index
      %swap3A_1890 = arith.constant 16 : index
      %swap3A_1891 = tpu.vector_load %arg5[%swap3A_1889, %swap3A_1890] {strides = array<i32>} : memref<504x128xf32, #tpu.memory_space<vmem>>, vector<16xf32>,
      tpu.vector_store %arg5[%swap3A_1889, %swap3A_1890], %broadcast_in_dim3A_1878 {strides = array<i32>} : memref<504x128xf32, #tpu.memory_space<vmem>>, vector<16xf32>,
      %mul3A_1892 = arith.constant 8 : i32
      %mul3A_1893 = arith.muli %scan3A_1876, %mul3A_1892 : i32
      %add3A_1894 = arith.constant 0 : i32
      %add3A_1895 = arith.addi %mul3A_1893, %add3A_1894 : i32
      %swap3A_1896 = arith.index_cast %add3A_1895 : i32 to index
      %swap3A_1897 = arith.constant 32 : index
      %swap3A_1898 = tpu.vector_load %arg5[%swap3A_1896, %swap3A_1897] {strides = array<i32>} : memref<504x128xf32, #tpu.memory_space<vmem>>, vector<16xf32>,
      tpu.vector_store %arg5[%swap3A_1896, %swap3A_1897], %broadcast_in_dim3A_1878 {strides = array<i32>} : memref<504x128xf32, #tpu.memory_space<vmem>>, vector<16xf32>,
      %mul3A_1899 = arith.constant 8 : i32
      %mul3A_1900 = arith.muli %scan3A_1876, %mul3A_1899 : i32
      %add3A_1901 = arith.constant 0 : i32
      %add3A_1902 = arith.addi %mul3A_1900, %add3A_1901 : i32
      %swap3A_1903 = arith.index_cast %add3A_1902 : i32 to index
      %swap3A_1904 = arith.constant 48 : index
      %swap3A_1905 = tpu.vector_load %arg5[%swap3A_1903, %swap3A_1904] {strides = array<i32>} : memref<504x128xf32, #tpu.memory_space<vmem>>, vector<16xf32>,
      tpu.vector_store %arg5[%swap3A_1903, %swap3A_1904], %broadcast_in_dim3A_1878 {strides = array<i32>} : memref<504x128xf32, #tpu.memory_space<vmem>>, vector<16xf32>,
      %mul3A_1906 = arith.constant 8 : i32
      %mul3A_1907 = arith.muli %scan3A_1876, %mul3A_1906 : i32
      %add3A_1908 = arith.constant 0 : i32
      %add3A_1909 = arith.addi %mul3A_1907, %add3A_1908 : i32
      %swap3A_1910 = arith.index_cast %add3A_1909 : i32 to index
      %swap3A_1911 = arith.constant 64 : index
      %swap3A_1912 = tpu.vector_load %arg5[%swap3A_1910, %swap3A_1911] {strides = array<i32>} : memref<504x128xf32, #tpu.memory_space<vmem>>, vector<16xf32>,
      tpu.vector_store %arg5[%swap3A_1910, %swap3A_1911], %broadcast_in_dim3A_1878 {strides = array<i32>} : memref<504x128xf32, #tpu.memory_space<vmem>>, vector<16xf32>,
      %mul3A_1913 = arith.constant 8 : i32
      %mul3A_1914 = arith.muli %scan3A_1876, %mul3A_1913 : i32
      %add3A_1915 = arith.constant 0 : i32
      %add3A_1916 = arith.addi %mul3A_1914, %add3A_1915 : i32
      %swap3A_1917 = arith.index_cast %add3A_1916 : i32 to index
      %swap3A_1918 = arith.constant 80 : index
      %swap3A_1919 = tpu.vector_load %arg5[%swap3A_1917, %swap3A_1918] {strides = array<i32>} : memref<504x128xf32, #tpu.memory_space<vmem>>, vector<16xf32>,
      tpu.vector_store %arg5[%swap3A_1917, %swap3A_1918], %broadcast_in_dim3A_1878 {strides = array<i32>} : memref<504x128xf32, #tpu.memory_space<vmem>>, vector<16xf32>,
      %mul3A_1920 = arith.constant 8 : i32
      %mul3A_1921 = arith.muli %scan3A_1876, %mul3A_1920 : i32
      %add3A_1922 = arith.constant 0 : i32
      %add3A_1923 = arith.addi %mul3A_1921, %add3A_1922 : i32
      %swap3A_1924 = arith.index_cast %add3A_1923 : i32 to index
      %swap3A_1925 = arith.constant 96 : index
      %swap3A_1926 = tpu.vector_load %arg5[%swap3A_1924, %swap3A_1925] {strides = array<i32>} : memref<504x128xf32, #tpu.memory_space<vmem>>, vector<16xf32>,
      tpu.vector_store %arg5[%swap3A_1924, %swap3A_1925], %broadcast_in_dim3A_1878 {strides = array<i32>} : memref<504x128xf32, #tpu.memory_space<vmem>>, vector<16xf32>,
      %mul3A_1927 = arith.constant 8 : i32
      %mul3A_1928 = arith.muli %scan3A_1876, %mul3A_1927 : i32
      %add3A_1929 = arith.constant 0 : i32
      %add3A_1930 = arith.addi %mul3A_1928, %add3A_1929 : i32
      %swap3A_1931 = arith.index_cast %add3A_1930 : i32 to index
      %swap3A_1932 = arith.constant 112 : index
      %swap3A_1933 = tpu.vector_load %arg5[%swap3A_1931, %swap3A_1932] {strides = array<i32>} : memref<504x128xf32, #tpu.memory_space<vmem>>, vector<16xf32>,
      tpu.vector_store %arg5[%swap3A_1931, %swap3A_1932], %broadcast_in_dim3A_1878 {strides = array<i32>} : memref<504x128xf32, #tpu.memory_space<vmem>>, vector<16xf32>,
      %mul3A_1934 = arith.constant 8 : i32
      %mul3A_1935 = arith.muli %scan3A_1876, %mul3A_1934 : i32
      %add3A_1936 = arith.constant 1 : i32
      %add3A_1937 = arith.addi %mul3A_1935, %add3A_1936 : i32
      %swap3A_1938 = arith.index_cast %add3A_1937 : i32 to index
      %swap3A_1939 = arith.constant 0 : index
      %swap3A_1940 = tpu.vector_load %arg5[%swap3A_1938, %swap3A_1939] {strides = array<i32>} : memref<504x128xf32, #tpu.memory_space<vmem>>, vector<16xf32>,
      tpu.vector_store %arg5[%swap3A_1938, %swap3A_1939], %broadcast_in_dim3A_1878 {strides = array<i32>} : memref<504x128xf32, #tpu.memory_space<vmem>>, vector<16xf32>,
      %mul3A_1941 = arith.constant 8 : i32
      %mul3A_1942 = arith.muli %scan3A_1876, %mul3A_1941 : i32
      %add3A_1943 = arith.constant 1 : i32
      %add3A_1944 = arith.addi %mul3A_1942, %add3A_1943 : i32
      %swap3A_1945 = arith.index_cast %add3A_1944 : i32 to index
      %swap3A_1946 = arith.constant 16 : index
      %swap3A_1947 = tpu.vector_load %arg5[%swap3A_1945, %swap3A_1946] {strides = array<i32>} : memref<504x128xf32, #tpu.memory_space<vmem>>, vector<16xf32>,
      tpu.vector_store %arg5[%swap3A_1945, %swap3A_1946], %broadcast_in_dim3A_1878 {strides = array<i32>} : memref<504x128xf32, #tpu.memory_space<vmem>>, vector<16xf32>,
      %mul3A_1948 = arith.constant 8 : i32
      %mul3A_1949 = arith.muli %scan3A_1876, %mul3A_1948 : i32
      %add3A_1950 = arith.constant 1 : i32
      %add3A_1951 = arith.addi %mul3A_1949, %add3A_1950 : i32
      %swap3A_1952 = arith.index_cast %add3A_1951 : i32 to index
      %swap3A_1953 = arith.constant 32 : index
      %swap3A_1954 = tpu.vector_load %arg5[%swap3A_1952, %swap3A_1953] {strides = array<i32>} : memref<504x128xf32, #tpu.memory_space<vmem>>, vector<16xf32>,
      tpu.vector_store %arg5[%swap3A_1952, %swap3A_1953], %broadcast_in_dim3A_1878 {strides = array<i32>} : memref<504x128xf32, #tpu.memory_space<vmem>>, vector<16xf32>,
      %mul3A_1955 = arith.constant 8 : i32
      %mul3A_1956 = arith.muli %scan3A_1876, %mul3A_1955 : i32
      %add3A_1957 = arith.constant 1 : i32
      %add3A_1958 = arith.addi %mul3A_1956, %add3A_1957 : i32
      %swap3A_1959 = arith.index_cast %add3A_1958 : i32 to index
      %swap3A_1960 = arith.constant 48 : index
      %swap3A_1961 = tpu.vector_load %arg5[%swap3A_1959, %swap3A_1960] {strides = array<i32>} : memref<504x128xf32, #tpu.memory_space<vmem>>, vector<16xf32>,
      tpu.vector_store %arg5[%swap3A_1959, %swap3A_1960], %broadcast_in_dim3A_1878 {strides = array<i32>} : memref<504x128xf32, #tpu.memory_space<vmem>>, vector<16xf32>,
      %mul3A_1962 = arith.constant 8 : i32
      %mul3A_1963 = arith.muli %scan3A_1876, %mul3A_1962 : i32
      %add3A_1964 = arith.constant 1 : i32
      %add3A_1965 = arith.addi %mul3A_1963, %add3A_1964 : i32
      %swap3A_1966 = arith.index_cast %add3A_1965 : i32 to index
      %swap3A_1967 = arith.constant 64 : index
      %swap3A_1968 = tpu.vector_load %arg5[%swap3A_1966, %swap3A_1967] {strides = array<i32>} : memref<504x128xf32, #tpu.memory_space<vmem>>, vector<16xf32>,
      tpu.vector_store %arg5[%swap3A_1966, %swap3A_1967], %broadcast_in_dim3A_1878 {strides = array<i32>} : memref<504x128xf32, #tpu.memory_space<vmem>>, vector<16xf32>,
      %mul3A_1969 = arith.constant 8 : i32
      %mul3A_1970 = arith.muli %scan3A_1876, %mul3A_1969 : i32
      %add3A_1971 = arith.constant 1 : i32
      %add3A_1972 = arith.addi %mul3A_1970, %add3A_1971 : i32
      %swap3A_1973 = arith.index_cast %add3A_1972 : i32 to index
      %swap3A_1974 = arith.constant 80 : index
      %swap3A_1975 = tpu.vector_load %arg5[%swap3A_1973, %swap3A_1974] {strides = array<i32>} : memref<504x128xf32, #tpu.memory_space<vmem>>, vector<16xf32>,
      tpu.vector_store %arg5[%swap3A_1973, %swap3A_1974], %broadcast_in_dim3A_1878 {strides = array<i32>} : memref<504x128xf32, #tpu.memory_space<vmem>>, vector<16xf32>,
      %mul3A_1976 = arith.constant 8 : i32
      %mul3A_1977 = arith.muli %scan3A_1876, %mul3A_1976 : i32
      %add3A_1978 = arith.constant 1 : i32
      %add3A_1979 = arith.addi %mul3A_1977, %add3A_1978 : i32
      %swap3A_1980 = arith.index_cast %add3A_1979 : i32 to index
      %swap3A_1981 = arith.constant 96 : index
      %swap3A_1982 = tpu.vector_load %arg5[%swap3A_1980, %swap3A_1981] {strides = array<i32>} : memref<504x128xf32, #tpu.memory_space<vmem>>, vector<16xf32>,
      tpu.vector_store %arg5[%swap3A_1980, %swap3A_1981], %broadcast_in_dim3A_1878 {strides = array<i32>} : memref<504x128xf32, #tpu.memory_space<vmem>>, vector<16xf32>,
      %mul3A_1983 = arith.constant 8 : i32
      %mul3A_1984 = arith.muli %scan3A_1876, %mul3A_1983 : i32
      %add3A_1985 = arith.constant 1 : i32
      %add3A_1986 = arith.addi %mul3A_1984, %add3A_1985 : i32
      %swap3A_1987 = arith.index_cast %add3A_1986 : i32 to index
      %swap3A_1988 = arith.constant 112 : index
      %swap3A_1989 = tpu.vector_load %arg5[%swap3A_1987, %swap3A_1988] {strides = array<i32>} : memref<504x128xf32, #tpu.memory_space<vmem>>, vector<16xf32>,
      tpu.vector_store %arg5[%swap3A_1987, %swap3A_1988], %broadcast_in_dim3A_1878 {strides = array<i32>} : memref<504x128xf32, #tpu.memory_space<vmem>>, vector<16xf32>,
      %mul3A_1990 = arith.constant 8 : i32
      %mul3A_1991 = arith.muli %scan3A_1876, %mul3A_1990 : i32
      %add3A_1992 = arith.constant 2 : i32
      %add3A_1993 = arith.addi %mul3A_1991, %add3A_1992 : i32
      %swap3A_1994 = arith.index_cast %add3A_1993 : i32 to index
      %swap3A_1995 = arith.constant 0 : index
      %swap3A_1996 = tpu.vector_load %arg5[%swap3A_1994, %swap3A_1995] {strides = array<i32>} : memref<504x128xf32, #tpu.memory_space<vmem>>, vector<16xf32>,
      tpu.vector_store %arg5[%swap3A_1994, %swap3A_1995], %broadcast_in_dim3A_1878 {strides = array<i32>} : memref<504x128xf32, #tpu.memory_space<vmem>>, vector<16xf32>,
      %mul3A_1997 = arith.constant 8 : i32
      %mul3A_1998 = arith.muli %scan3A_1876, %mul3A_1997 : i32
      %add3A_1999 = arith.constant 2 : i32
      %add3A_2000 = arith.addi %mul3A_1998, %add3A_1999 : i32
      %swap3A_2001 = arith.index_cast %add3A_2000 : i32 to index
      %swap3A_2002 = arith.constant 16 : index
      %swap3A_2003 = tpu.vector_load %arg5[%swap3A_2001, %swap3A_2002] {strides = array<i32>} : memref<504x128xf32, #tpu.memory_space<vmem>>, vector<16xf32>,
      tpu.vector_store %arg5[%swap3A_2001, %swap3A_2002], %broadcast_in_dim3A_1878 {strides = array<i32>} : memref<504x128xf32, #tpu.memory_space<vmem>>, vector<16xf32>,
      %mul3A_2004 = arith.constant 8 : i32
      %mul3A_2005 = arith.muli %scan3A_1876, %mul3A_2004 : i32
      %add3A_2006 = arith.constant 2 : i32
      %add3A_2007 = arith.addi %mul3A_2005, %add3A_2006 : i32
      %swap3A_2008 = arith.index_cast %add3A_2007 : i32 to index
      %swap3A_2009 = arith.constant 32 : index
      %swap3A_2010 = tpu.vector_load %arg5[%swap3A_2008, %swap3A_2009] {strides = array<i32>} : memref<504x128xf32, #tpu.memory_space<vmem>>, vector<16xf32>,
      tpu.vector_store %arg5[%swap3A_2008, %swap3A_2009], %broadcast_in_dim3A_1878 {strides = array<i32>} : memref<504x128xf32, #tpu.memory_space<vmem>>, vector<16xf32>,
      %mul3A_2011 = arith.constant 8 : i32
      %mul3A_2012 = arith.muli %scan3A_1876, %mul3A_2011 : i32
      %add3A_2013 = arith.constant 2 : i32
      %add3A_2014 = arith.addi %mul3A_2012, %add3A_2013 : i32
      %swap3A_2015 = arith.index_cast %add3A_2014 : i32 to index
      %swap3A_2016 = arith.constant 48 : index
      %swap3A_2017 = tpu.vector_load %arg5[%swap3A_2015, %swap3A_2016] {strides = array<i32>} : memref<504x128xf32, #tpu.memory_space<vmem>>, vector<16xf32>,
      tpu.vector_store %arg5[%swap3A_2015, %swap3A_2016], %broadcast_in_dim3A_1878 {strides = array<i32>} : memref<504x128xf32, #tpu.memory_space<vmem>>, vector<16xf32>,
      %mul3A_2018 = arith.constant 8 : i32
      %mul3A_2019 = arith.muli %scan3A_1876, %mul3A_2018 : i32
      %add3A_2020 = arith.constant 2 : i32
      %add3A_2021 = arith.addi %mul3A_2019, %add3A_2020 : i32
      %swap3A_2022 = arith.index_cast %add3A_2021 : i32 to index
      %swap3A_2023 = arith.constant 64 : index
      %swap3A_2024 = tpu.vector_load %arg5[%swap3A_2022, %swap3A_2023] {strides = array<i32>} : memref<504x128xf32, #tpu.memory_space<vmem>>, vector<16xf32>,
      tpu.vector_store %arg5[%swap3A_2022, %swap3A_2023], %broadcast_in_dim3A_1878 {strides = array<i32>} : memref<504x128xf32, #tpu.memory_space<vmem>>, vector<16xf32>,
      %mul3A_2025 = arith.constant 8 : i32
      %mul3A_2026 = arith.muli %scan3A_1876, %mul3A_2025 : i32
      %add3A_2027 = arith.constant 2 : i32
      %add3A_2028 = arith.addi %mul3A_2026, %add3A_2027 : i32
      %swap3A_2029 = arith.index_cast %add3A_2028 : i32 to index
      %swap3A_2030 = arith.constant 80 : index
      %swap3A_2031 = tpu.vector_load %arg5[%swap3A_2029, %swap3A_2030] {strides = array<i32>} : memref<504x128xf32, #tpu.memory_space<vmem>>, vector<16xf32>,
      tpu.vector_store %arg5[%swap3A_2029, %swap3A_2030], %broadcast_in_dim3A_1878 {strides = array<i32>} : memref<504x128xf32, #tpu.memory_space<vmem>>, vector<16xf32>,
      %mul3A_2032 = arith.constant 8 : i32
      %mul3A_2033 = arith.muli %scan3A_1876, %mul3A_2032 : i32
      %add3A_2034 = arith.constant 2 : i32
      %add3A_2035 = arith.addi %mul3A_2033, %add3A_2034 : i32
      %swap3A_2036 = arith.index_cast %add3A_2035 : i32 to index
      %swap3A_2037 = arith.constant 96 : index
      %swap3A_2038 = tpu.vector_load %arg5[%swap3A_2036, %swap3A_2037] {strides = array<i32>} : memref<504x128xf32, #tpu.memory_space<vmem>>, vector<16xf32>,
      tpu.vector_store %arg5[%swap3A_2036, %swap3A_2037], %broadcast_in_dim3A_1878 {strides = array<i32>} : memref<504x128xf32, #tpu.memory_space<vmem>>, vector<16xf32>,
      %mul3A_2039 = arith.constant 8 : i32
      %mul3A_2040 = arith.muli %scan3A_1876, %mul3A_2039 : i32
      %add3A_2041 = arith.constant 2 : i32
      %add3A_2042 = arith.addi %mul3A_2040, %add3A_2041 : i32
      %swap3A_2043 = arith.index_cast %add3A_2042 : i32 to index
      %swap3A_2044 = arith.constant 112 : index
      %swap3A_2045 = tpu.vector_load %arg5[%swap3A_2043, %swap3A_2044] {strides = array<i32>} : memref<504x128xf32, #tpu.memory_space<vmem>>, vector<16xf32>,
      tpu.vector_store %arg5[%swap3A_2043, %swap3A_2044], %broadcast_in_dim3A_1878 {strides = array<i32>} : memref<504x128xf32, #tpu.memory_space<vmem>>, vector<16xf32>,
      %mul3A_2046 = arith.constant 8 : i32
      %mul3A_2047 = arith.muli %scan3A_1876, %mul3A_2046 : i32
      %add3A_2048 = arith.constant 3 : i32
      %add3A_2049 = arith.addi %mul3A_2047, %add3A_2048 : i32
      %swap3A_2050 = arith.index_cast %add3A_2049 : i32 to index
      %swap3A_2051 = arith.constant 0 : index
      %swap3A_2052 = tpu.vector_load %arg5[%swap3A_2050, %swap3A_2051] {strides = array<i32>} : memref<504x128xf32, #tpu.memory_space<vmem>>, vector<16xf32>,
      tpu.vector_store %arg5[%swap3A_2050, %swap3A_2051], %broadcast_in_dim3A_1878 {strides = array<i32>} : memref<504x128xf32, #tpu.memory_space<vmem>>, vector<16xf32>,
      %mul3A_2053 = arith.constant 8 : i32
      %mul3A_2054 = arith.muli %scan3A_1876, %mul3A_2053 : i32
      %add3A_2055 = arith.constant 3 : i32
      %add3A_2056 = arith.addi %mul3A_2054, %add3A_2055 : i32
      %swap3A_2057 = arith.index_cast %add3A_2056 : i32 to index
      %swap3A_2058 = arith.constant 16 : index
      %swap3A_2059 = tpu.vector_load %arg5[%swap3A_2057, %swap3A_2058] {strides = array<i32>} : memref<504x128xf32, #tpu.memory_space<vmem>>, vector<16xf32>,
      tpu.vector_store %arg5[%swap3A_2057, %swap3A_2058], %broadcast_in_dim3A_1878 {strides = array<i32>} : memref<504x128xf32, #tpu.memory_space<vmem>>, vector<16xf32>,
      %mul3A_2060 = arith.constant 8 : i32
      %mul3A_2061 = arith.muli %scan3A_1876, %mul3A_2060 : i32
      %add3A_2062 = arith.constant 3 : i32
      %add3A_2063 = arith.addi %mul3A_2061, %add3A_2062 : i32
      %swap3A_2064 = arith.index_cast %add3A_2063 : i32 to index
      %swap3A_2065 = arith.constant 32 : index
      %swap3A_2066 = tpu.vector_load %arg5[%swap3A_2064, %swap3A_2065] {strides = array<i32>} : memref<504x128xf32, #tpu.memory_space<vmem>>, vector<16xf32>,
      tpu.vector_store %arg5[%swap3A_2064, %swap3A_2065], %broadcast_in_dim3A_1878 {strides = array<i32>} : memref<504x128xf32, #tpu.memory_space<vmem>>, vector<16xf32>,
      %mul3A_2067 = arith.constant 8 : i32
      %mul3A_2068 = arith.muli %scan3A_1876, %mul3A_2067 : i32
      %add3A_2069 = arith.constant 3 : i32
      %add3A_2070 = arith.addi %mul3A_2068, %add3A_2069 : i32
      %swap3A_2071 = arith.index_cast %add3A_2070 : i32 to index
      %swap3A_2072 = arith.constant 48 : index
      %swap3A_2073 = tpu.vector_load %arg5[%swap3A_2071, %swap3A_2072] {strides = array<i32>} : memref<504x128xf32, #tpu.memory_space<vmem>>, vector<16xf32>,
      tpu.vector_store %arg5[%swap3A_2071, %swap3A_2072], %broadcast_in_dim3A_1878 {strides = array<i32>} : memref<504x128xf32, #tpu.memory_space<vmem>>, vector<16xf32>,
      %mul3A_2074 = arith.constant 8 : i32
      %mul3A_2075 = arith.muli %scan3A_1876, %mul3A_2074 : i32
      %add3A_2076 = arith.constant 3 : i32
      %add3A_2077 = arith.addi %mul3A_2075, %add3A_2076 : i32
      %swap3A_2078 = arith.index_cast %add3A_2077 : i32 to index
      %swap3A_2079 = arith.constant 64 : index
      %swap3A_2080 = tpu.vector_load %arg5[%swap3A_2078, %swap3A_2079] {strides = array<i32>} : memref<504x128xf32, #tpu.memory_space<vmem>>, vector<16xf32>,
      tpu.vector_store %arg5[%swap3A_2078, %swap3A_2079], %broadcast_in_dim3A_1878 {strides = array<i32>} : memref<504x128xf32, #tpu.memory_space<vmem>>, vector<16xf32>,
      %mul3A_2081 = arith.constant 8 : i32
      %mul3A_2082 = arith.muli %scan3A_1876, %mul3A_2081 : i32
      %add3A_2083 = arith.constant 3 : i32
      %add3A_2084 = arith.addi %mul3A_2082, %add3A_2083 : i32
      %swap3A_2085 = arith.index_cast %add3A_2084 : i32 to index
      %swap3A_2086 = arith.constant 80 : index
      %swap3A_2087 = tpu.vector_load %arg5[%swap3A_2085, %swap3A_2086] {strides = array<i32>} : memref<504x128xf32, #tpu.memory_space<vmem>>, vector<16xf32>,
      tpu.vector_store %arg5[%swap3A_2085, %swap3A_2086], %broadcast_in_dim3A_1878 {strides = array<i32>} : memref<504x128xf32, #tpu.memory_space<vmem>>, vector<16xf32>,
      %mul3A_2088 = arith.constant 8 : i32
      %mul3A_2089 = arith.muli %scan3A_1876, %mul3A_2088 : i32
      %add3A_2090 = arith.constant 3 : i32
      %add3A_2091 = arith.addi %mul3A_2089, %add3A_2090 : i32
      %swap3A_2092 = arith.index_cast %add3A_2091 : i32 to index
      %swap3A_2093 = arith.constant 96 : index
      %swap3A_2094 = tpu.vector_load %arg5[%swap3A_2092, %swap3A_2093] {strides = array<i32>} : memref<504x128xf32, #tpu.memory_space<vmem>>, vector<16xf32>,
      tpu.vector_store %arg5[%swap3A_2092, %swap3A_2093], %broadcast_in_dim3A_1878 {strides = array<i32>} : memref<504x128xf32, #tpu.memory_space<vmem>>, vector<16xf32>,
      %mul3A_2095 = arith.constant 8 : i32
      %mul3A_2096 = arith.muli %scan3A_1876, %mul3A_2095 : i32
      %add3A_2097 = arith.constant 3 : i32
      %add3A_2098 = arith.addi %mul3A_2096, %add3A_2097 : i32
      %swap3A_2099 = arith.index_cast %add3A_2098 : i32 to index
      %swap3A_2100 = arith.constant 112 : index
      %swap3A_2101 = tpu.vector_load %arg5[%swap3A_2099, %swap3A_2100] {strides = array<i32>} : memref<504x128xf32, #tpu.memory_space<vmem>>, vector<16xf32>,
      tpu.vector_store %arg5[%swap3A_2099, %swap3A_2100], %broadcast_in_dim3A_1878 {strides = array<i32>} : memref<504x128xf32, #tpu.memory_space<vmem>>, vector<16xf32>,
      %mul3A_2102 = arith.constant 8 : i32
      %mul3A_2103 = arith.muli %scan3A_1876, %mul3A_2102 : i32
      %add3A_2104 = arith.constant 4 : i32
      %add3A_2105 = arith.addi %mul3A_2103, %add3A_2104 : i32
      %swap3A_2106 = arith.index_cast %add3A_2105 : i32 to index
      %swap3A_2107 = arith.constant 0 : index
      %swap3A_2108 = tpu.vector_load %arg5[%swap3A_2106, %swap3A_2107] {strides = array<i32>} : memref<504x128xf32, #tpu.memory_space<vmem>>, vector<16xf32>,
      tpu.vector_store %arg5[%swap3A_2106, %swap3A_2107], %broadcast_in_dim3A_1878 {strides = array<i32>} : memref<504x128xf32, #tpu.memory_space<vmem>>, vector<16xf32>,
      %mul3A_2109 = arith.constant 8 : i32
      %mul3A_2110 = arith.muli %scan3A_1876, %mul3A_2109 : i32
      %add3A_2111 = arith.constant 4 : i32
      %add3A_2112 = arith.addi %mul3A_2110, %add3A_2111 : i32
      %swap3A_2113 = arith.index_cast %add3A_2112 : i32 to index
      %swap3A_2114 = arith.constant 16 : index
      %swap3A_2115 = tpu.vector_load %arg5[%swap3A_2113, %swap3A_2114] {strides = array<i32>} : memref<504x128xf32, #tpu.memory_space<vmem>>, vector<16xf32>,
      tpu.vector_store %arg5[%swap3A_2113, %swap3A_2114], %broadcast_in_dim3A_1878 {strides = array<i32>} : memref<504x128xf32, #tpu.memory_space<vmem>>, vector<16xf32>,
      %mul3A_2116 = arith.constant 8 : i32
      %mul3A_2117 = arith.muli %scan3A_1876, %mul3A_2116 : i32
      %add3A_2118 = arith.constant 4 : i32
      %add3A_2119 = arith.addi %mul3A_2117, %add3A_2118 : i32
      %swap3A_2120 = arith.index_cast %add3A_2119 : i32 to index
      %swap3A_2121 = arith.constant 32 : index
      %swap3A_2122 = tpu.vector_load %arg5[%swap3A_2120, %swap3A_2121] {strides = array<i32>} : memref<504x128xf32, #tpu.memory_space<vmem>>, vector<16xf32>,
      tpu.vector_store %arg5[%swap3A_2120, %swap3A_2121], %broadcast_in_dim3A_1878 {strides = array<i32>} : memref<504x128xf32, #tpu.memory_space<vmem>>, vector<16xf32>,
      %mul3A_2123 = arith.constant 8 : i32
      %mul3A_2124 = arith.muli %scan3A_1876, %mul3A_2123 : i32
      %add3A_2125 = arith.constant 4 : i32
      %add3A_2126 = arith.addi %mul3A_2124, %add3A_2125 : i32
      %swap3A_2127 = arith.index_cast %add3A_2126 : i32 to index
      %swap3A_2128 = arith.constant 48 : index
      %swap3A_2129 = tpu.vector_load %arg5[%swap3A_2127, %swap3A_2128] {strides = array<i32>} : memref<504x128xf32, #tpu.memory_space<vmem>>, vector<16xf32>,
      tpu.vector_store %arg5[%swap3A_2127, %swap3A_2128], %broadcast_in_dim3A_1878 {strides = array<i32>} : memref<504x128xf32, #tpu.memory_space<vmem>>, vector<16xf32>,
      %mul3A_2130 = arith.constant 8 : i32
      %mul3A_2131 = arith.muli %scan3A_1876, %mul3A_2130 : i32
      %add3A_2132 = arith.constant 4 : i32
      %add3A_2133 = arith.addi %mul3A_2131, %add3A_2132 : i32
      %swap3A_2134 = arith.index_cast %add3A_2133 : i32 to index
      %swap3A_2135 = arith.constant 64 : index
      %swap3A_2136 = tpu.vector_load %arg5[%swap3A_2134, %swap3A_2135] {strides = array<i32>} : memref<504x128xf32, #tpu.memory_space<vmem>>, vector<16xf32>,
      tpu.vector_store %arg5[%swap3A_2134, %swap3A_2135], %broadcast_in_dim3A_1878 {strides = array<i32>} : memref<504x128xf32, #tpu.memory_space<vmem>>, vector<16xf32>,
      %mul3A_2137 = arith.constant 8 : i32
      %mul3A_2138 = arith.muli %scan3A_1876, %mul3A_2137 : i32
      %add3A_2139 = arith.constant 4 : i32
      %add3A_2140 = arith.addi %mul3A_2138, %add3A_2139 : i32
      %swap3A_2141 = arith.index_cast %add3A_2140 : i32 to index
      %swap3A_2142 = arith.constant 80 : index
      %swap3A_2143 = tpu.vector_load %arg5[%swap3A_2141, %swap3A_2142] {strides = array<i32>} : memref<504x128xf32, #tpu.memory_space<vmem>>, vector<16xf32>,
      tpu.vector_store %arg5[%swap3A_2141, %swap3A_2142], %broadcast_in_dim3A_1878 {strides = array<i32>} : memref<504x128xf32, #tpu.memory_space<vmem>>, vector<16xf32>,
      %mul3A_2144 = arith.constant 8 : i32
      %mul3A_2145 = arith.muli %scan3A_1876, %mul3A_2144 : i32
      %add3A_2146 = arith.constant 4 : i32
      %add3A_2147 = arith.addi %mul3A_2145, %add3A_2146 : i32
      %swap3A_2148 = arith.index_cast %add3A_2147 : i32 to index
      %swap3A_2149 = arith.constant 96 : index
      %swap3A_2150 = tpu.vector_load %arg5[%swap3A_2148, %swap3A_2149] {strides = array<i32>} : memref<504x128xf32, #tpu.memory_space<vmem>>, vector<16xf32>,
      tpu.vector_store %arg5[%swap3A_2148, %swap3A_2149], %broadcast_in_dim3A_1878 {strides = array<i32>} : memref<504x128xf32, #tpu.memory_space<vmem>>, vector<16xf32>,
      %mul3A_2151 = arith.constant 8 : i32
      %mul3A_2152 = arith.muli %scan3A_1876, %mul3A_2151 : i32
      %add3A_2153 = arith.constant 4 : i32
      %add3A_2154 = arith.addi %mul3A_2152, %add3A_2153 : i32
      %swap3A_2155 = arith.index_cast %add3A_2154 : i32 to index
      %swap3A_2156 = arith.constant 112 : index
      %swap3A_2157 = tpu.vector_load %arg5[%swap3A_2155, %swap3A_2156] {strides = array<i32>} : memref<504x128xf32, #tpu.memory_space<vmem>>, vector<16xf32>,
      tpu.vector_store %arg5[%swap3A_2155, %swap3A_2156], %broadcast_in_dim3A_1878 {strides = array<i32>} : memref<504x128xf32, #tpu.memory_space<vmem>>, vector<16xf32>,
      %mul3A_2158 = arith.constant 8 : i32
      %mul3A_2159 = arith.muli %scan3A_1876, %mul3A_2158 : i32
      %add3A_2160 = arith.constant 5 : i32
      %add3A_2161 = arith.addi %mul3A_2159, %add3A_2160 : i32
      %swap3A_2162 = arith.index_cast %add3A_2161 : i32 to index
      %swap3A_2163 = arith.constant 0 : index
      %swap3A_2164 = tpu.vector_load %arg5[%swap3A_2162, %swap3A_2163] {strides = array<i32>} : memref<504x128xf32, #tpu.memory_space<vmem>>, vector<16xf32>,
      tpu.vector_store %arg5[%swap3A_2162, %swap3A_2163], %broadcast_in_dim3A_1878 {strides = array<i32>} : memref<504x128xf32, #tpu.memory_space<vmem>>, vector<16xf32>,
      %mul3A_2165 = arith.constant 8 : i32
      %mul3A_2166 = arith.muli %scan3A_1876, %mul3A_2165 : i32
      %add3A_2167 = arith.constant 5 : i32
      %add3A_2168 = arith.addi %mul3A_2166, %add3A_2167 : i32
      %swap3A_2169 = arith.index_cast %add3A_2168 : i32 to index
      %swap3A_2170 = arith.constant 16 : index
      %swap3A_2171 = tpu.vector_load %arg5[%swap3A_2169, %swap3A_2170] {strides = array<i32>} : memref<504x128xf32, #tpu.memory_space<vmem>>, vector<16xf32>,
      tpu.vector_store %arg5[%swap3A_2169, %swap3A_2170], %broadcast_in_dim3A_1878 {strides = array<i32>} : memref<504x128xf32, #tpu.memory_space<vmem>>, vector<16xf32>,
      %mul3A_2172 = arith.constant 8 : i32
      %mul3A_2173 = arith.muli %scan3A_1876, %mul3A_2172 : i32
      %add3A_2174 = arith.constant 5 : i32
      %add3A_2175 = arith.addi %mul3A_2173, %add3A_2174 : i32
      %swap3A_2176 = arith.index_cast %add3A_2175 : i32 to index
      %swap3A_2177 = arith.constant 32 : index
      %swap3A_2178 = tpu.vector_load %arg5[%swap3A_2176, %swap3A_2177] {strides = array<i32>} : memref<504x128xf32, #tpu.memory_space<vmem>>, vector<16xf32>,
      tpu.vector_store %arg5[%swap3A_2176, %swap3A_2177], %broadcast_in_dim3A_1878 {strides = array<i32>} : memref<504x128xf32, #tpu.memory_space<vmem>>, vector<16xf32>,
      %mul3A_2179 = arith.constant 8 : i32
      %mul3A_2180 = arith.muli %scan3A_1876, %mul3A_2179 : i32
      %add3A_2181 = arith.constant 5 : i32
      %add3A_2182 = arith.addi %mul3A_2180, %add3A_2181 : i32
      %swap3A_2183 = arith.index_cast %add3A_2182 : i32 to index
      %swap3A_2184 = arith.constant 48 : index
      %swap3A_2185 = tpu.vector_load %arg5[%swap3A_2183, %swap3A_2184] {strides = array<i32>} : memref<504x128xf32, #tpu.memory_space<vmem>>, vector<16xf32>,
      tpu.vector_store %arg5[%swap3A_2183, %swap3A_2184], %broadcast_in_dim3A_1878 {strides = array<i32>} : memref<504x128xf32, #tpu.memory_space<vmem>>, vector<16xf32>,
      %mul3A_2186 = arith.constant 8 : i32
      %mul3A_2187 = arith.muli %scan3A_1876, %mul3A_2186 : i32
      %add3A_2188 = arith.constant 5 : i32
      %add3A_2189 = arith.addi %mul3A_2187, %add3A_2188 : i32
      %swap3A_2190 = arith.index_cast %add3A_2189 : i32 to index
      %swap3A_2191 = arith.constant 64 : index
      %swap3A_2192 = tpu.vector_load %arg5[%swap3A_2190, %swap3A_2191] {strides = array<i32>} : memref<504x128xf32, #tpu.memory_space<vmem>>, vector<16xf32>,
      tpu.vector_store %arg5[%swap3A_2190, %swap3A_2191], %broadcast_in_dim3A_1878 {strides = array<i32>} : memref<504x128xf32, #tpu.memory_space<vmem>>, vector<16xf32>,
      %mul3A_2193 = arith.constant 8 : i32
      %mul3A_2194 = arith.muli %scan3A_1876, %mul3A_2193 : i32
      %add3A_2195 = arith.constant 5 : i32
      %add3A_2196 = arith.addi %mul3A_2194, %add3A_2195 : i32
      %swap3A_2197 = arith.index_cast %add3A_2196 : i32 to index
      %swap3A_2198 = arith.constant 80 : index
      %swap3A_2199 = tpu.vector_load %arg5[%swap3A_2197, %swap3A_2198] {strides = array<i32>} : memref<504x128xf32, #tpu.memory_space<vmem>>, vector<16xf32>,
      tpu.vector_store %arg5[%swap3A_2197, %swap3A_2198], %broadcast_in_dim3A_1878 {strides = array<i32>} : memref<504x128xf32, #tpu.memory_space<vmem>>, vector<16xf32>,
      %mul3A_2200 = arith.constant 8 : i32
      %mul3A_2201 = arith.muli %scan3A_1876, %mul3A_2200 : i32
      %add3A_2202 = arith.constant 5 : i32
      %add3A_2203 = arith.addi %mul3A_2201, %add3A_2202 : i32
      %swap3A_2204 = arith.index_cast %add3A_2203 : i32 to index
      %swap3A_2205 = arith.constant 96 : index
      %swap3A_2206 = tpu.vector_load %arg5[%swap3A_2204, %swap3A_2205] {strides = array<i32>} : memref<504x128xf32, #tpu.memory_space<vmem>>, vector<16xf32>,
      tpu.vector_store %arg5[%swap3A_2204, %swap3A_2205], %broadcast_in_dim3A_1878 {strides = array<i32>} : memref<504x128xf32, #tpu.memory_space<vmem>>, vector<16xf32>,
      %mul3A_2207 = arith.constant 8 : i32
      %mul3A_2208 = arith.muli %scan3A_1876, %mul3A_2207 : i32
      %add3A_2209 = arith.constant 5 : i32
      %add3A_2210 = arith.addi %mul3A_2208, %add3A_2209 : i32
      %swap3A_2211 = arith.index_cast %add3A_2210 : i32 to index
      %swap3A_2212 = arith.constant 112 : index
      %swap3A_2213 = tpu.vector_load %arg5[%swap3A_2211, %swap3A_2212] {strides = array<i32>} : memref<504x128xf32, #tpu.memory_space<vmem>>, vector<16xf32>,
      tpu.vector_store %arg5[%swap3A_2211, %swap3A_2212], %broadcast_in_dim3A_1878 {strides = array<i32>} : memref<504x128xf32, #tpu.memory_space<vmem>>, vector<16xf32>,
      %mul3A_2214 = arith.constant 8 : i32
      %mul3A_2215 = arith.muli %scan3A_1876, %mul3A_2214 : i32
      %add3A_2216 = arith.constant 6 : i32
      %add3A_2217 = arith.addi %mul3A_2215, %add3A_2216 : i32
      %swap3A_2218 = arith.index_cast %add3A_2217 : i32 to index
      %swap3A_2219 = arith.constant 0 : index
      %swap3A_2220 = tpu.vector_load %arg5[%swap3A_2218, %swap3A_2219] {strides = array<i32>} : memref<504x128xf32, #tpu.memory_space<vmem>>, vector<16xf32>,
      tpu.vector_store %arg5[%swap3A_2218, %swap3A_2219], %broadcast_in_dim3A_1878 {strides = array<i32>} : memref<504x128xf32, #tpu.memory_space<vmem>>, vector<16xf32>,
      %mul3A_2221 = arith.constant 8 : i32
      %mul3A_2222 = arith.muli %scan3A_1876, %mul3A_2221 : i32
      %add3A_2223 = arith.constant 6 : i32
      %add3A_2224 = arith.addi %mul3A_2222, %add3A_2223 : i32
      %swap3A_2225 = arith.index_cast %add3A_2224 : i32 to index
      %swap3A_2226 = arith.constant 16 : index
      %swap3A_2227 = tpu.vector_load %arg5[%swap3A_2225, %swap3A_2226] {strides = array<i32>} : memref<504x128xf32, #tpu.memory_space<vmem>>, vector<16xf32>,
      tpu.vector_store %arg5[%swap3A_2225, %swap3A_2226], %broadcast_in_dim3A_1878 {strides = array<i32>} : memref<504x128xf32, #tpu.memory_space<vmem>>, vector<16xf32>,
      %mul3A_2228 = arith.constant 8 : i32
      %mul3A_2229 = arith.muli %scan3A_1876, %mul3A_2228 : i32
      %add3A_2230 = arith.constant 6 : i32
      %add3A_2231 = arith.addi %mul3A_2229, %add3A_2230 : i32
      %swap3A_2232 = arith.index_cast %add3A_2231 : i32 to index
      %swap3A_2233 = arith.constant 32 : index
      %swap3A_2234 = tpu.vector_load %arg5[%swap3A_2232, %swap3A_2233] {strides = array<i32>} : memref<504x128xf32, #tpu.memory_space<vmem>>, vector<16xf32>,
      tpu.vector_store %arg5[%swap3A_2232, %swap3A_2233], %broadcast_in_dim3A_1878 {strides = array<i32>} : memref<504x128xf32, #tpu.memory_space<vmem>>, vector<16xf32>,
      %mul3A_2235 = arith.constant 8 : i32
      %mul3A_2236 = arith.muli %scan3A_1876, %mul3A_2235 : i32
      %add3A_2237 = arith.constant 6 : i32
      %add3A_2238 = arith.addi %mul3A_2236, %add3A_2237 : i32
      %swap3A_2239 = arith.index_cast %add3A_2238 : i32 to index
      %swap3A_2240 = arith.constant 48 : index
      %swap3A_2241 = tpu.vector_load %arg5[%swap3A_2239, %swap3A_2240] {strides = array<i32>} : memref<504x128xf32, #tpu.memory_space<vmem>>, vector<16xf32>,
      tpu.vector_store %arg5[%swap3A_2239, %swap3A_2240], %broadcast_in_dim3A_1878 {strides = array<i32>} : memref<504x128xf32, #tpu.memory_space<vmem>>, vector<16xf32>,
      %mul3A_2242 = arith.constant 8 : i32
      %mul3A_2243 = arith.muli %scan3A_1876, %mul3A_2242 : i32
      %add3A_2244 = arith.constant 6 : i32
      %add3A_2245 = arith.addi %mul3A_2243, %add3A_2244 : i32
      %swap3A_2246 = arith.index_cast %add3A_2245 : i32 to index
      %swap3A_2247 = arith.constant 64 : index
      %swap3A_2248 = tpu.vector_load %arg5[%swap3A_2246, %swap3A_2247] {strides = array<i32>} : memref<504x128xf32, #tpu.memory_space<vmem>>, vector<16xf32>,
      tpu.vector_store %arg5[%swap3A_2246, %swap3A_2247], %broadcast_in_dim3A_1878 {strides = array<i32>} : memref<504x128xf32, #tpu.memory_space<vmem>>, vector<16xf32>,
      %mul3A_2249 = arith.constant 8 : i32
      %mul3A_2250 = arith.muli %scan3A_1876, %mul3A_2249 : i32
      %add3A_2251 = arith.constant 6 : i32
      %add3A_2252 = arith.addi %mul3A_2250, %add3A_2251 : i32
      %swap3A_2253 = arith.index_cast %add3A_2252 : i32 to index
      %swap3A_2254 = arith.constant 80 : index
      %swap3A_2255 = tpu.vector_load %arg5[%swap3A_2253, %swap3A_2254] {strides = array<i32>} : memref<504x128xf32, #tpu.memory_space<vmem>>, vector<16xf32>,
      tpu.vector_store %arg5[%swap3A_2253, %swap3A_2254], %broadcast_in_dim3A_1878 {strides = array<i32>} : memref<504x128xf32, #tpu.memory_space<vmem>>, vector<16xf32>,
      %mul3A_2256 = arith.constant 8 : i32
      %mul3A_2257 = arith.muli %scan3A_1876, %mul3A_2256 : i32
      %add3A_2258 = arith.constant 6 : i32
      %add3A_2259 = arith.addi %mul3A_2257, %add3A_2258 : i32
      %swap3A_2260 = arith.index_cast %add3A_2259 : i32 to index
      %swap3A_2261 = arith.constant 96 : index
      %swap3A_2262 = tpu.vector_load %arg5[%swap3A_2260, %swap3A_2261] {strides = array<i32>} : memref<504x128xf32, #tpu.memory_space<vmem>>, vector<16xf32>,
      tpu.vector_store %arg5[%swap3A_2260, %swap3A_2261], %broadcast_in_dim3A_1878 {strides = array<i32>} : memref<504x128xf32, #tpu.memory_space<vmem>>, vector<16xf32>,
      %mul3A_2263 = arith.constant 8 : i32
      %mul3A_2264 = arith.muli %scan3A_1876, %mul3A_2263 : i32
      %add3A_2265 = arith.constant 6 : i32
      %add3A_2266 = arith.addi %mul3A_2264, %add3A_2265 : i32
      %swap3A_2267 = arith.index_cast %add3A_2266 : i32 to index
      %swap3A_2268 = arith.constant 112 : index
      %swap3A_2269 = tpu.vector_load %arg5[%swap3A_2267, %swap3A_2268] {strides = array<i32>} : memref<504x128xf32, #tpu.memory_space<vmem>>, vector<16xf32>,
      tpu.vector_store %arg5[%swap3A_2267, %swap3A_2268], %broadcast_in_dim3A_1878 {strides = array<i32>} : memref<504x128xf32, #tpu.memory_space<vmem>>, vector<16xf32>,
      %mul3A_2270 = arith.constant 8 : i32
      %mul3A_2271 = arith.muli %scan3A_1876, %mul3A_2270 : i32
      %add3A_2272 = arith.constant 7 : i32
      %add3A_2273 = arith.addi %mul3A_2271, %add3A_2272 : i32
      %swap3A_2274 = arith.index_cast %add3A_2273 : i32 to index
      %swap3A_2275 = arith.constant 0 : index
      %swap3A_2276 = tpu.vector_load %arg5[%swap3A_2274, %swap3A_2275] {strides = array<i32>} : memref<504x128xf32, #tpu.memory_space<vmem>>, vector<16xf32>,
      tpu.vector_store %arg5[%swap3A_2274, %swap3A_2275], %broadcast_in_dim3A_1878 {strides = array<i32>} : memref<504x128xf32, #tpu.memory_space<vmem>>, vector<16xf32>,
      %mul3A_2277 = arith.constant 8 : i32
      %mul3A_2278 = arith.muli %scan3A_1876, %mul3A_2277 : i32
      %add3A_2279 = arith.constant 7 : i32
      %add3A_2280 = arith.addi %mul3A_2278, %add3A_2279 : i32
      %swap3A_2281 = arith.index_cast %add3A_2280 : i32 to index
      %swap3A_2282 = arith.constant 16 : index
      %swap3A_2283 = tpu.vector_load %arg5[%swap3A_2281, %swap3A_2282] {strides = array<i32>} : memref<504x128xf32, #tpu.memory_space<vmem>>, vector<16xf32>,
      tpu.vector_store %arg5[%swap3A_2281, %swap3A_2282], %broadcast_in_dim3A_1878 {strides = array<i32>} : memref<504x128xf32, #tpu.memory_space<vmem>>, vector<16xf32>,
      %mul3A_2284 = arith.constant 8 : i32
      %mul3A_2285 = arith.muli %scan3A_1876, %mul3A_2284 : i32
      %add3A_2286 = arith.constant 7 : i32
      %add3A_2287 = arith.addi %mul3A_2285, %add3A_2286 : i32
      %swap3A_2288 = arith.index_cast %add3A_2287 : i32 to index
      %swap3A_2289 = arith.constant 32 : index
      %swap3A_2290 = tpu.vector_load %arg5[%swap3A_2288, %swap3A_2289] {strides = array<i32>} : memref<504x128xf32, #tpu.memory_space<vmem>>, vector<16xf32>,
      tpu.vector_store %arg5[%swap3A_2288, %swap3A_2289], %broadcast_in_dim3A_1878 {strides = array<i32>} : memref<504x128xf32, #tpu.memory_space<vmem>>, vector<16xf32>,
      %mul3A_2291 = arith.constant 8 : i32
      %mul3A_2292 = arith.muli %scan3A_1876, %mul3A_2291 : i32
      %add3A_2293 = arith.constant 7 : i32
      %add3A_2294 = arith.addi %mul3A_2292, %add3A_2293 : i32
      %swap3A_2295 = arith.index_cast %add3A_2294 : i32 to index
      %swap3A_2296 = arith.constant 48 : index
      %swap3A_2297 = tpu.vector_load %arg5[%swap3A_2295, %swap3A_2296] {strides = array<i32>} : memref<504x128xf32, #tpu.memory_space<vmem>>, vector<16xf32>,
      tpu.vector_store %arg5[%swap3A_2295, %swap3A_2296], %broadcast_in_dim3A_1878 {strides = array<i32>} : memref<504x128xf32, #tpu.memory_space<vmem>>, vector<16xf32>,
      %mul3A_2298 = arith.constant 8 : i32
      %mul3A_2299 = arith.muli %scan3A_1876, %mul3A_2298 : i32
      %add3A_2300 = arith.constant 7 : i32
      %add3A_2301 = arith.addi %mul3A_2299, %add3A_2300 : i32
      %swap3A_2302 = arith.index_cast %add3A_2301 : i32 to index
      %swap3A_2303 = arith.constant 64 : index
      %swap3A_2304 = tpu.vector_load %arg5[%swap3A_2302, %swap3A_2303] {strides = array<i32>} : memref<504x128xf32, #tpu.memory_space<vmem>>, vector<16xf32>,
      tpu.vector_store %arg5[%swap3A_2302, %swap3A_2303], %broadcast_in_dim3A_1878 {strides = array<i32>} : memref<504x128xf32, #tpu.memory_space<vmem>>, vector<16xf32>,
      %mul3A_2305 = arith.constant 8 : i32
      %mul3A_2306 = arith.muli %scan3A_1876, %mul3A_2305 : i32
      %add3A_2307 = arith.constant 7 : i32
      %add3A_2308 = arith.addi %mul3A_2306, %add3A_2307 : i32
      %swap3A_2309 = arith.index_cast %add3A_2308 : i32 to index
      %swap3A_2310 = arith.constant 80 : index
      %swap3A_2311 = tpu.vector_load %arg5[%swap3A_2309, %swap3A_2310] {strides = array<i32>} : memref<504x128xf32, #tpu.memory_space<vmem>>, vector<16xf32>,
      tpu.vector_store %arg5[%swap3A_2309, %swap3A_2310], %broadcast_in_dim3A_1878 {strides = array<i32>} : memref<504x128xf32, #tpu.memory_space<vmem>>, vector<16xf32>,
      %mul3A_2312 = arith.constant 8 : i32
      %mul3A_2313 = arith.muli %scan3A_1876, %mul3A_2312 : i32
      %add3A_2314 = arith.constant 7 : i32
      %add3A_2315 = arith.addi %mul3A_2313, %add3A_2314 : i32
      %swap3A_2316 = arith.index_cast %add3A_2315 : i32 to index
      %swap3A_2317 = arith.constant 96 : index
      %swap3A_2318 = tpu.vector_load %arg5[%swap3A_2316, %swap3A_2317] {strides = array<i32>} : memref<504x128xf32, #tpu.memory_space<vmem>>, vector<16xf32>,
      tpu.vector_store %arg5[%swap3A_2316, %swap3A_2317], %broadcast_in_dim3A_1878 {strides = array<i32>} : memref<504x128xf32, #tpu.memory_space<vmem>>, vector<16xf32>,
      %mul3A_2319 = arith.constant 8 : i32
      %mul3A_2320 = arith.muli %scan3A_1876, %mul3A_2319 : i32
      %add3A_2321 = arith.constant 7 : i32
      %add3A_2322 = arith.addi %mul3A_2320, %add3A_2321 : i32
      %swap3A_2323 = arith.index_cast %add3A_2322 : i32 to index
      %swap3A_2324 = arith.constant 112 : index
      %swap3A_2325 = tpu.vector_load %arg5[%swap3A_2323, %swap3A_2324] {strides = array<i32>} : memref<504x128xf32, #tpu.memory_space<vmem>>, vector<16xf32>,
      tpu.vector_store %arg5[%swap3A_2323, %swap3A_2324], %broadcast_in_dim3A_1878 {strides = array<i32>} : memref<504x128xf32, #tpu.memory_space<vmem>>, vector<16xf32>,
    }
    %scan3A_11 = arith.constant 63 : i32
    %dma_wait3A = arith.constant 0 : i32
    %dma_wait3A_12 = tpu.memref_slice %arg2[%dma_wait3A, %mul3A_2] : memref<1x16384xi32, #tpu.memory_space<hbm>> -> memref<1x512xi32, #tpu.memory_space<hbm>>
    %dma_wait3A_13 = tpu.memref_squeeze %dma_wait3A_12 : memref<1x512xi32, #tpu.memory_space<hbm>> -> memref<512xi32, #tpu.memory_space<hbm>>
    %dma_wait3A_14 = tpu.memref_slice %arg2[%dma_wait3A, %mul3A_2] : memref<1x16384xi32, #tpu.memory_space<hbm>> -> memref<1x512xi32, #tpu.memory_space<hbm>>
    %dma_wait3A_15 = tpu.memref_squeeze %dma_wait3A_14 : memref<1x512xi32, #tpu.memory_space<hbm>> -> memref<512xi32, #tpu.memory_space<hbm>>
    tpu.wait_dma2 semaphore(%arg9 : memref<!tpu.dma_semaphore, #tpu.memory_space<semaphore_mem>>) src(%dma_wait3A_15 : memref<512xi32, #tpu.memory_space<hbm>>) dst(%arg4 : memref<512xi32, #tpu.memory_space<vmem>>)
    %iota3A = tpu.iota {dimensions = array<i32: 0>} : vector<16xi32>
    %broadcast_in_dim3A = arith.constant 1.000000e+00 : f32
    %broadcast_in_dim3A_16 = vector.broadcast %broadcast_in_dim3A : f32 to vector<16xf32>
    %broadcast_in_dim3A_17 = arith.constant 0.000000e+00 : f32
    %broadcast_in_dim3A_18 = vector.broadcast %broadcast_in_dim3A_17 : f32 to vector<16xf32>
    %add3A_19 = arith.constant 0 : i32
    %add3A_20 = vector.broadcast %add3A_19 : i32 to vector<16xi32>
    %add3A_21 = arith.addi %iota3A, %add3A_20 : vector<16xi32>
    %get3A = arith.constant 0 : index
    %get3A_22 = tpu.vector_load %arg4[%get3A] {strides = array<i32>} : memref<512xi32, #tpu.memory_space<vmem>>, vector<16xi32>,
    %sub3A = arith.constant 0 : i32
    %sub3A_23 = vector.broadcast %sub3A : i32 to vector<16xi32>
    %sub3A_24 = arith.subi %get3A_22, %sub3A_23 : vector<16xi32>
    %ge3A = arith.constant 0 : i32
    %ge3A_25 = vector.broadcast %ge3A : i32 to vector<16xi32>
    %ge3A_26 = arith.cmpi sge, %sub3A_24, %ge3A_25 : vector<16xi32>
    %lt3A = arith.constant 504 : i32
    %lt3A_27 = vector.broadcast %lt3A : i32 to vector<16xi32>
    %lt3A_28 = arith.cmpi slt, %sub3A_24, %lt3A_27 : vector<16xi32>
    %and3A = arith.andi %ge3A_26, %lt3A_28 : vector<16xi1>
    tpu.vector_store_idx %arg5[%sub3A_24, %add3A_21], %broadcast_in_dim3A_16 masked %and3A : memref<504x128xf32, #tpu.memory_space<vmem>>[vector<16xi32>, vector<16xi32>], vector<16xf32>, vector<16xi1>
    %add3A_29 = arith.constant 16 : i32
    %add3A_30 = vector.broadcast %add3A_29 : i32 to vector<16xi32>
    %add3A_31 = arith.addi %iota3A, %add3A_30 : vector<16xi32>
    %get3A_32 = arith.constant 16 : index
    %get3A_33 = tpu.vector_load %arg4[%get3A_32] {strides = array<i32>} : memref<512xi32, #tpu.memory_space<vmem>>, vector<16xi32>,
    %sub3A_34 = arith.constant 0 : i32
    %sub3A_35 = vector.broadcast %sub3A_34 : i32 to vector<16xi32>
    %sub3A_36 = arith.subi %get3A_33, %sub3A_35 : vector<16xi32>
    %ge3A_37 = arith.constant 0 : i32
    %ge3A_38 = vector.broadcast %ge3A_37 : i32 to vector<16xi32>
    %ge3A_39 = arith.cmpi sge, %sub3A_36, %ge3A_38 : vector<16xi32>
    %lt3A_40 = arith.constant 504 : i32
    %lt3A_41 = vector.broadcast %lt3A_40 : i32 to vector<16xi32>
    %lt3A_42 = arith.cmpi slt, %sub3A_36, %lt3A_41 : vector<16xi32>
    %and3A_43 = arith.andi %ge3A_39, %lt3A_42 : vector<16xi1>
    tpu.vector_store_idx %arg5[%sub3A_36, %add3A_31], %broadcast_in_dim3A_16 masked %and3A_43 : memref<504x128xf32, #tpu.memory_space<vmem>>[vector<16xi32>, vector<16xi32>], vector<16xf32>, vector<16xi1>
    %add3A_44 = arith.constant 32 : i32
    %add3A_45 = vector.broadcast %add3A_44 : i32 to vector<16xi32>
    %add3A_46 = arith.addi %iota3A, %add3A_45 : vector<16xi32>
    %get3A_47 = arith.constant 32 : index
    %get3A_48 = tpu.vector_load %arg4[%get3A_47] {strides = array<i32>} : memref<512xi32, #tpu.memory_space<vmem>>, vector<16xi32>,
    %sub3A_49 = arith.constant 0 : i32
    %sub3A_50 = vector.broadcast %sub3A_49 : i32 to vector<16xi32>
    %sub3A_51 = arith.subi %get3A_48, %sub3A_50 : vector<16xi32>
    %ge3A_52 = arith.constant 0 : i32
    %ge3A_53 = vector.broadcast %ge3A_52 : i32 to vector<16xi32>
    %ge3A_54 = arith.cmpi sge, %sub3A_51, %ge3A_53 : vector<16xi32>
    %lt3A_55 = arith.constant 504 : i32
    %lt3A_56 = vector.broadcast %lt3A_55 : i32 to vector<16xi32>
    %lt3A_57 = arith.cmpi slt, %sub3A_51, %lt3A_56 : vector<16xi32>
    %and3A_58 = arith.andi %ge3A_54, %lt3A_57 : vector<16xi1>
    tpu.vector_store_idx %arg5[%sub3A_51, %add3A_46], %broadcast_in_dim3A_16 masked %and3A_58 : memref<504x128xf32, #tpu.memory_space<vmem>>[vector<16xi32>, vector<16xi32>], vector<16xf32>, vector<16xi1>
    %add3A_59 = arith.constant 48 : i32
    %add3A_60 = vector.broadcast %add3A_59 : i32 to vector<16xi32>
    %add3A_61 = arith.addi %iota3A, %add3A_60 : vector<16xi32>
    %get3A_62 = arith.constant 48 : index
    %get3A_63 = tpu.vector_load %arg4[%get3A_62] {strides = array<i32>} : memref<512xi32, #tpu.memory_space<vmem>>, vector<16xi32>,
    %sub3A_64 = arith.constant 0 : i32
    %sub3A_65 = vector.broadcast %sub3A_64 : i32 to vector<16xi32>
    %sub3A_66 = arith.subi %get3A_63, %sub3A_65 : vector<16xi32>
    %ge3A_67 = arith.constant 0 : i32
    %ge3A_68 = vector.broadcast %ge3A_67 : i32 to vector<16xi32>
    %ge3A_69 = arith.cmpi sge, %sub3A_66, %ge3A_68 : vector<16xi32>
    %lt3A_70 = arith.constant 504 : i32
    %lt3A_71 = vector.broadcast %lt3A_70 : i32 to vector<16xi32>
    %lt3A_72 = arith.cmpi slt, %sub3A_66, %lt3A_71 : vector<16xi32>
    %and3A_73 = arith.andi %ge3A_69, %lt3A_72 : vector<16xi1>
    tpu.vector_store_idx %arg5[%sub3A_66, %add3A_61], %broadcast_in_dim3A_16 masked %and3A_73 : memref<504x128xf32, #tpu.memory_space<vmem>>[vector<16xi32>, vector<16xi32>], vector<16xf32>, vector<16xi1>
    %add3A_74 = arith.constant 64 : i32
    %add3A_75 = vector.broadcast %add3A_74 : i32 to vector<16xi32>
    %add3A_76 = arith.addi %iota3A, %add3A_75 : vector<16xi32>
    %get3A_77 = arith.constant 64 : index
    %get3A_78 = tpu.vector_load %arg4[%get3A_77] {strides = array<i32>} : memref<512xi32, #tpu.memory_space<vmem>>, vector<16xi32>,
    %sub3A_79 = arith.constant 0 : i32
    %sub3A_80 = vector.broadcast %sub3A_79 : i32 to vector<16xi32>
    %sub3A_81 = arith.subi %get3A_78, %sub3A_80 : vector<16xi32>
    %ge3A_82 = arith.constant 0 : i32
    %ge3A_83 = vector.broadcast %ge3A_82 : i32 to vector<16xi32>
    %ge3A_84 = arith.cmpi sge, %sub3A_81, %ge3A_83 : vector<16xi32>
    %lt3A_85 = arith.constant 504 : i32
    %lt3A_86 = vector.broadcast %lt3A_85 : i32 to vector<16xi32>
    %lt3A_87 = arith.cmpi slt, %sub3A_81, %lt3A_86 : vector<16xi32>
    %and3A_88 = arith.andi %ge3A_84, %lt3A_87 : vector<16xi1>
    tpu.vector_store_idx %arg5[%sub3A_81, %add3A_76], %broadcast_in_dim3A_16 masked %and3A_88 : memref<504x128xf32, #tpu.memory_space<vmem>>[vector<16xi32>, vector<16xi32>], vector<16xf32>, vector<16xi1>
    %add3A_89 = arith.constant 80 : i32
    %add3A_90 = vector.broadcast %add3A_89 : i32 to vector<16xi32>
    %add3A_91 = arith.addi %iota3A, %add3A_90 : vector<16xi32>
    %get3A_92 = arith.constant 80 : index
    %get3A_93 = tpu.vector_load %arg4[%get3A_92] {strides = array<i32>} : memref<512xi32, #tpu.memory_space<vmem>>, vector<16xi32>,
    %sub3A_94 = arith.constant 0 : i32
    %sub3A_95 = vector.broadcast %sub3A_94 : i32 to vector<16xi32>
    %sub3A_96 = arith.subi %get3A_93, %sub3A_95 : vector<16xi32>
    %ge3A_97 = arith.constant 0 : i32
    %ge3A_98 = vector.broadcast %ge3A_97 : i32 to vector<16xi32>
    %ge3A_99 = arith.cmpi sge, %sub3A_96, %ge3A_98 : vector<16xi32>
    %lt3A_100 = arith.constant 504 : i32
    %lt3A_101 = vector.broadcast %lt3A_100 : i32 to vector<16xi32>
    %lt3A_102 = arith.cmpi slt, %sub3A_96, %lt3A_101 : vector<16xi32>
    %and3A_103 = arith.andi %ge3A_99, %lt3A_102 : vector<16xi1>
    tpu.vector_store_idx %arg5[%sub3A_96, %add3A_91], %broadcast_in_dim3A_16 masked %and3A_103 : memref<504x128xf32, #tpu.memory_space<vmem>>[vector<16xi32>, vector<16xi32>], vector<16xf32>, vector<16xi1>
    %add3A_104 = arith.constant 96 : i32
    %add3A_105 = vector.broadcast %add3A_104 : i32 to vector<16xi32>
    %add3A_106 = arith.addi %iota3A, %add3A_105 : vector<16xi32>
    %get3A_107 = arith.constant 96 : index
    %get3A_108 = tpu.vector_load %arg4[%get3A_107] {strides = array<i32>} : memref<512xi32, #tpu.memory_space<vmem>>, vector<16xi32>,
    %sub3A_109 = arith.constant 0 : i32
    %sub3A_110 = vector.broadcast %sub3A_109 : i32 to vector<16xi32>
    %sub3A_111 = arith.subi %get3A_108, %sub3A_110 : vector<16xi32>
    %ge3A_112 = arith.constant 0 : i32
    %ge3A_113 = vector.broadcast %ge3A_112 : i32 to vector<16xi32>
    %ge3A_114 = arith.cmpi sge, %sub3A_111, %ge3A_113 : vector<16xi32>
    %lt3A_115 = arith.constant 504 : i32
    %lt3A_116 = vector.broadcast %lt3A_115 : i32 to vector<16xi32>
    %lt3A_117 = arith.cmpi slt, %sub3A_111, %lt3A_116 : vector<16xi32>
    %and3A_118 = arith.andi %ge3A_114, %lt3A_117 : vector<16xi1>
    tpu.vector_store_idx %arg5[%sub3A_111, %add3A_106], %broadcast_in_dim3A_16 masked %and3A_118 : memref<504x128xf32, #tpu.memory_space<vmem>>[vector<16xi32>, vector<16xi32>], vector<16xf32>, vector<16xi1>
    %add3A_119 = arith.constant 112 : i32
    %add3A_120 = vector.broadcast %add3A_119 : i32 to vector<16xi32>
    %add3A_121 = arith.addi %iota3A, %add3A_120 : vector<16xi32>
    %get3A_122 = arith.constant 112 : index
    %get3A_123 = tpu.vector_load %arg4[%get3A_122] {strides = array<i32>} : memref<512xi32, #tpu.memory_space<vmem>>, vector<16xi32>,
    %sub3A_124 = arith.constant 0 : i32
    %sub3A_125 = vector.broadcast %sub3A_124 : i32 to vector<16xi32>
    %sub3A_126 = arith.subi %get3A_123, %sub3A_125 : vector<16xi32>
    %ge3A_127 = arith.constant 0 : i32
    %ge3A_128 = vector.broadcast %ge3A_127 : i32 to vector<16xi32>
    %ge3A_129 = arith.cmpi sge, %sub3A_126, %ge3A_128 : vector<16xi32>
    %lt3A_130 = arith.constant 504 : i32
    %lt3A_131 = vector.broadcast %lt3A_130 : i32 to vector<16xi32>
    %lt3A_132 = arith.cmpi slt, %sub3A_126, %lt3A_131 : vector<16xi32>
    %and3A_133 = arith.andi %ge3A_129, %lt3A_132 : vector<16xi1>
    tpu.vector_store_idx %arg5[%sub3A_126, %add3A_121], %broadcast_in_dim3A_16 masked %and3A_133 : memref<504x128xf32, #tpu.memory_space<vmem>>[vector<16xi32>, vector<16xi32>], vector<16xf32>, vector<16xi1>
    %add3A_134 = arith.constant 0 : i32
    %add3A_135 = arith.addi %mul3A_2, %add3A_134 : i32
    %dma_start3A_136 = arith.constant 0 : i32
    %dma_start3A_137 = arith.constant 0 : i32
    %dma_start3A_138 = tpu.memref_slice %arg5[%dma_start3A_136, %dma_start3A_137] : memref<504x128xf32, #tpu.memory_space<vmem>> -> memref<504x128xf32, #tpu.memory_space<vmem>>
    %dma_start3A_139 = arith.constant 0 : i32
    %dma_start3A_140 = tpu.memref_slice %arg3[%dma_start3A_139, %add3A_135] : memref<1000x16384xf32, #tpu.memory_space<hbm>> -> memref<504x128xf32, #tpu.memory_space<hbm>>
    %dma_start3A_141 = arith.constant 0 : i32
    %dma_start3A_142 = tpu.memref_slice %arg3[%dma_start3A_141, %add3A_135] : memref<1000x16384xf32, #tpu.memory_space<hbm>> -> memref<504x128xf32, #tpu.memory_space<hbm>>
    %dma_start3A_143 = arith.constant 0 : i32
    %dma_start3A_144 = arith.constant 0 : i32
    %dma_start3A_145 = tpu.memref_slice %arg5[%dma_start3A_143, %dma_start3A_144] : memref<504x128xf32, #tpu.memory_space<vmem>> -> memref<504x128xf32, #tpu.memory_space<vmem>>
    tpu.enqueue_dma source(%dma_start3A_145 : memref<504x128xf32, #tpu.memory_space<vmem>>) target(%dma_start3A_142 : memref<504x128xf32, #tpu.memory_space<hbm>>) target_semaphore(%arg7 : memref<!tpu.dma_semaphore, #tpu.memory_space<semaphore_mem>>)
    %scan3A_146 = arith.constant 0 : i32
    %scan3A_147 = arith.constant 0 : i32
    %scan3A_148 = arith.constant 63 : i32
    %scan3A_149 = arith.addi %scan3A_147, %scan3A_148 : i32
    %scan3A_150 = arith.constant 1 : i32
    scf.for %scan3A_1876 = %scan3A_147 to %scan3A_149 step %scan3A_150  : i32 {
      %broadcast_in_dim3A_1877 = arith.constant 0.000000e+00 : f32
      %broadcast_in_dim3A_1878 = vector.broadcast %broadcast_in_dim3A_1877 : f32 to vector<16xf32>
      %mul3A_1879 = arith.constant 8 : i32
      %mul3A_1880 = arith.muli %scan3A_1876, %mul3A_1879 : i32
      %add3A_1881 = arith.constant 0 : i32
      %add3A_1882 = arith.addi %mul3A_1880, %add3A_1881 : i32
      %swap3A = arith.index_cast %add3A_1882 : i32 to index
      %swap3A_1883 = arith.constant 0 : index
      %swap3A_1884 = tpu.vector_load %arg6[%swap3A, %swap3A_1883] {strides = array<i32>} : memref<504x128xf32, #tpu.memory_space<vmem>>, vector<16xf32>,
      tpu.vector_store %arg6[%swap3A, %swap3A_1883], %broadcast_in_dim3A_1878 {strides = array<i32>} : memref<504x128xf32, #tpu.memory_space<vmem>>, vector<16xf32>,
      %mul3A_1885 = arith.constant 8 : i32
      %mul3A_1886 = arith.muli %scan3A_1876, %mul3A_1885 : i32
      %add3A_1887 = arith.constant 0 : i32
      %add3A_1888 = arith.addi %mul3A_1886, %add3A_1887 : i32
      %swap3A_1889 = arith.index_cast %add3A_1888 : i32 to index
      %swap3A_1890 = arith.constant 16 : index
      %swap3A_1891 = tpu.vector_load %arg6[%swap3A_1889, %swap3A_1890] {strides = array<i32>} : memref<504x128xf32, #tpu.memory_space<vmem>>, vector<16xf32>,
      tpu.vector_store %arg6[%swap3A_1889, %swap3A_1890], %broadcast_in_dim3A_1878 {strides = array<i32>} : memref<504x128xf32, #tpu.memory_space<vmem>>, vector<16xf32>,
      %mul3A_1892 = arith.constant 8 : i32
      %mul3A_1893 = arith.muli %scan3A_1876, %mul3A_1892 : i32
      %add3A_1894 = arith.constant 0 : i32
      %add3A_1895 = arith.addi %mul3A_1893, %add3A_1894 : i32
      %swap3A_1896 = arith.index_cast %add3A_1895 : i32 to index
      %swap3A_1897 = arith.constant 32 : index
      %swap3A_1898 = tpu.vector_load %arg6[%swap3A_1896, %swap3A_1897] {strides = array<i32>} : memref<504x128xf32, #tpu.memory_space<vmem>>, vector<16xf32>,
      tpu.vector_store %arg6[%swap3A_1896, %swap3A_1897], %broadcast_in_dim3A_1878 {strides = array<i32>} : memref<504x128xf32, #tpu.memory_space<vmem>>, vector<16xf32>,
      %mul3A_1899 = arith.constant 8 : i32
      %mul3A_1900 = arith.muli %scan3A_1876, %mul3A_1899 : i32
      %add3A_1901 = arith.constant 0 : i32
      %add3A_1902 = arith.addi %mul3A_1900, %add3A_1901 : i32
      %swap3A_1903 = arith.index_cast %add3A_1902 : i32 to index
      %swap3A_1904 = arith.constant 48 : index
      %swap3A_1905 = tpu.vector_load %arg6[%swap3A_1903, %swap3A_1904] {strides = array<i32>} : memref<504x128xf32, #tpu.memory_space<vmem>>, vector<16xf32>,
      tpu.vector_store %arg6[%swap3A_1903, %swap3A_1904], %broadcast_in_dim3A_1878 {strides = array<i32>} : memref<504x128xf32, #tpu.memory_space<vmem>>, vector<16xf32>,
      %mul3A_1906 = arith.constant 8 : i32
      %mul3A_1907 = arith.muli %scan3A_1876, %mul3A_1906 : i32
      %add3A_1908 = arith.constant 0 : i32
      %add3A_1909 = arith.addi %mul3A_1907, %add3A_1908 : i32
      %swap3A_1910 = arith.index_cast %add3A_1909 : i32 to index
      %swap3A_1911 = arith.constant 64 : index
      %swap3A_1912 = tpu.vector_load %arg6[%swap3A_1910, %swap3A_1911] {strides = array<i32>} : memref<504x128xf32, #tpu.memory_space<vmem>>, vector<16xf32>,
      tpu.vector_store %arg6[%swap3A_1910, %swap3A_1911], %broadcast_in_dim3A_1878 {strides = array<i32>} : memref<504x128xf32, #tpu.memory_space<vmem>>, vector<16xf32>,
      %mul3A_1913 = arith.constant 8 : i32
      %mul3A_1914 = arith.muli %scan3A_1876, %mul3A_1913 : i32
      %add3A_1915 = arith.constant 0 : i32
      %add3A_1916 = arith.addi %mul3A_1914, %add3A_1915 : i32
      %swap3A_1917 = arith.index_cast %add3A_1916 : i32 to index
      %swap3A_1918 = arith.constant 80 : index
      %swap3A_1919 = tpu.vector_load %arg6[%swap3A_1917, %swap3A_1918] {strides = array<i32>} : memref<504x128xf32, #tpu.memory_space<vmem>>, vector<16xf32>,
      tpu.vector_store %arg6[%swap3A_1917, %swap3A_1918], %broadcast_in_dim3A_1878 {strides = array<i32>} : memref<504x128xf32, #tpu.memory_space<vmem>>, vector<16xf32>,
      %mul3A_1920 = arith.constant 8 : i32
      %mul3A_1921 = arith.muli %scan3A_1876, %mul3A_1920 : i32
      %add3A_1922 = arith.constant 0 : i32
      %add3A_1923 = arith.addi %mul3A_1921, %add3A_1922 : i32
      %swap3A_1924 = arith.index_cast %add3A_1923 : i32 to index
      %swap3A_1925 = arith.constant 96 : index
      %swap3A_1926 = tpu.vector_load %arg6[%swap3A_1924, %swap3A_1925] {strides = array<i32>} : memref<504x128xf32, #tpu.memory_space<vmem>>, vector<16xf32>,
      tpu.vector_store %arg6[%swap3A_1924, %swap3A_1925], %broadcast_in_dim3A_1878 {strides = array<i32>} : memref<504x128xf32, #tpu.memory_space<vmem>>, vector<16xf32>,
      %mul3A_1927 = arith.constant 8 : i32
      %mul3A_1928 = arith.muli %scan3A_1876, %mul3A_1927 : i32
      %add3A_1929 = arith.constant 0 : i32
      %add3A_1930 = arith.addi %mul3A_1928, %add3A_1929 : i32
      %swap3A_1931 = arith.index_cast %add3A_1930 : i32 to index
      %swap3A_1932 = arith.constant 112 : index
      %swap3A_1933 = tpu.vector_load %arg6[%swap3A_1931, %swap3A_1932] {strides = array<i32>} : memref<504x128xf32, #tpu.memory_space<vmem>>, vector<16xf32>,
      tpu.vector_store %arg6[%swap3A_1931, %swap3A_1932], %broadcast_in_dim3A_1878 {strides = array<i32>} : memref<504x128xf32, #tpu.memory_space<vmem>>, vector<16xf32>,
      %mul3A_1934 = arith.constant 8 : i32
      %mul3A_1935 = arith.muli %scan3A_1876, %mul3A_1934 : i32
      %add3A_1936 = arith.constant 1 : i32
      %add3A_1937 = arith.addi %mul3A_1935, %add3A_1936 : i32
      %swap3A_1938 = arith.index_cast %add3A_1937 : i32 to index
      %swap3A_1939 = arith.constant 0 : index
      %swap3A_1940 = tpu.vector_load %arg6[%swap3A_1938, %swap3A_1939] {strides = array<i32>} : memref<504x128xf32, #tpu.memory_space<vmem>>, vector<16xf32>,
      tpu.vector_store %arg6[%swap3A_1938, %swap3A_1939], %broadcast_in_dim3A_1878 {strides = array<i32>} : memref<504x128xf32, #tpu.memory_space<vmem>>, vector<16xf32>,
      %mul3A_1941 = arith.constant 8 : i32
      %mul3A_1942 = arith.muli %scan3A_1876, %mul3A_1941 : i32
      %add3A_1943 = arith.constant 1 : i32
      %add3A_1944 = arith.addi %mul3A_1942, %add3A_1943 : i32
      %swap3A_1945 = arith.index_cast %add3A_1944 : i32 to index
      %swap3A_1946 = arith.constant 16 : index
      %swap3A_1947 = tpu.vector_load %arg6[%swap3A_1945, %swap3A_1946] {strides = array<i32>} : memref<504x128xf32, #tpu.memory_space<vmem>>, vector<16xf32>,
      tpu.vector_store %arg6[%swap3A_1945, %swap3A_1946], %broadcast_in_dim3A_1878 {strides = array<i32>} : memref<504x128xf32, #tpu.memory_space<vmem>>, vector<16xf32>,
      %mul3A_1948 = arith.constant 8 : i32
      %mul3A_1949 = arith.muli %scan3A_1876, %mul3A_1948 : i32
      %add3A_1950 = arith.constant 1 : i32
      %add3A_1951 = arith.addi %mul3A_1949, %add3A_1950 : i32
      %swap3A_1952 = arith.index_cast %add3A_1951 : i32 to index
      %swap3A_1953 = arith.constant 32 : index
      %swap3A_1954 = tpu.vector_load %arg6[%swap3A_1952, %swap3A_1953] {strides = array<i32>} : memref<504x128xf32, #tpu.memory_space<vmem>>, vector<16xf32>,
      tpu.vector_store %arg6[%swap3A_1952, %swap3A_1953], %broadcast_in_dim3A_1878 {strides = array<i32>} : memref<504x128xf32, #tpu.memory_space<vmem>>, vector<16xf32>,
      %mul3A_1955 = arith.constant 8 : i32
      %mul3A_1956 = arith.muli %scan3A_1876, %mul3A_1955 : i32
      %add3A_1957 = arith.constant 1 : i32
      %add3A_1958 = arith.addi %mul3A_1956, %add3A_1957 : i32
      %swap3A_1959 = arith.index_cast %add3A_1958 : i32 to index
      %swap3A_1960 = arith.constant 48 : index
      %swap3A_1961 = tpu.vector_load %arg6[%swap3A_1959, %swap3A_1960] {strides = array<i32>} : memref<504x128xf32, #tpu.memory_space<vmem>>, vector<16xf32>,
      tpu.vector_store %arg6[%swap3A_1959, %swap3A_1960], %broadcast_in_dim3A_1878 {strides = array<i32>} : memref<504x128xf32, #tpu.memory_space<vmem>>, vector<16xf32>,
      %mul3A_1962 = arith.constant 8 : i32
      %mul3A_1963 = arith.muli %scan3A_1876, %mul3A_1962 : i32
      %add3A_1964 = arith.constant 1 : i32
      %add3A_1965 = arith.addi %mul3A_1963, %add3A_1964 : i32
      %swap3A_1966 = arith.index_cast %add3A_1965 : i32 to index
      %swap3A_1967 = arith.constant 64 : index
      %swap3A_1968 = tpu.vector_load %arg6[%swap3A_1966, %swap3A_1967] {strides = array<i32>} : memref<504x128xf32, #tpu.memory_space<vmem>>, vector<16xf32>,
      tpu.vector_store %arg6[%swap3A_1966, %swap3A_1967], %broadcast_in_dim3A_1878 {strides = array<i32>} : memref<504x128xf32, #tpu.memory_space<vmem>>, vector<16xf32>,
      %mul3A_1969 = arith.constant 8 : i32
      %mul3A_1970 = arith.muli %scan3A_1876, %mul3A_1969 : i32
      %add3A_1971 = arith.constant 1 : i32
      %add3A_1972 = arith.addi %mul3A_1970, %add3A_1971 : i32
      %swap3A_1973 = arith.index_cast %add3A_1972 : i32 to index
      %swap3A_1974 = arith.constant 80 : index
      %swap3A_1975 = tpu.vector_load %arg6[%swap3A_1973, %swap3A_1974] {strides = array<i32>} : memref<504x128xf32, #tpu.memory_space<vmem>>, vector<16xf32>,
      tpu.vector_store %arg6[%swap3A_1973, %swap3A_1974], %broadcast_in_dim3A_1878 {strides = array<i32>} : memref<504x128xf32, #tpu.memory_space<vmem>>, vector<16xf32>,
      %mul3A_1976 = arith.constant 8 : i32
      %mul3A_1977 = arith.muli %scan3A_1876, %mul3A_1976 : i32
      %add3A_1978 = arith.constant 1 : i32
      %add3A_1979 = arith.addi %mul3A_1977, %add3A_1978 : i32
      %swap3A_1980 = arith.index_cast %add3A_1979 : i32 to index
      %swap3A_1981 = arith.constant 96 : index
      %swap3A_1982 = tpu.vector_load %arg6[%swap3A_1980, %swap3A_1981] {strides = array<i32>} : memref<504x128xf32, #tpu.memory_space<vmem>>, vector<16xf32>,
      tpu.vector_store %arg6[%swap3A_1980, %swap3A_1981], %broadcast_in_dim3A_1878 {strides = array<i32>} : memref<504x128xf32, #tpu.memory_space<vmem>>, vector<16xf32>,
      %mul3A_1983 = arith.constant 8 : i32
      %mul3A_1984 = arith.muli %scan3A_1876, %mul3A_1983 : i32
      %add3A_1985 = arith.constant 1 : i32
      %add3A_1986 = arith.addi %mul3A_1984, %add3A_1985 : i32
      %swap3A_1987 = arith.index_cast %add3A_1986 : i32 to index
      %swap3A_1988 = arith.constant 112 : index
      %swap3A_1989 = tpu.vector_load %arg6[%swap3A_1987, %swap3A_1988] {strides = array<i32>} : memref<504x128xf32, #tpu.memory_space<vmem>>, vector<16xf32>,
      tpu.vector_store %arg6[%swap3A_1987, %swap3A_1988], %broadcast_in_dim3A_1878 {strides = array<i32>} : memref<504x128xf32, #tpu.memory_space<vmem>>, vector<16xf32>,
      %mul3A_1990 = arith.constant 8 : i32
      %mul3A_1991 = arith.muli %scan3A_1876, %mul3A_1990 : i32
      %add3A_1992 = arith.constant 2 : i32
      %add3A_1993 = arith.addi %mul3A_1991, %add3A_1992 : i32
      %swap3A_1994 = arith.index_cast %add3A_1993 : i32 to index
      %swap3A_1995 = arith.constant 0 : index
      %swap3A_1996 = tpu.vector_load %arg6[%swap3A_1994, %swap3A_1995] {strides = array<i32>} : memref<504x128xf32, #tpu.memory_space<vmem>>, vector<16xf32>,
      tpu.vector_store %arg6[%swap3A_1994, %swap3A_1995], %broadcast_in_dim3A_1878 {strides = array<i32>} : memref<504x128xf32, #tpu.memory_space<vmem>>, vector<16xf32>,
      %mul3A_1997 = arith.constant 8 : i32
      %mul3A_1998 = arith.muli %scan3A_1876, %mul3A_1997 : i32
      %add3A_1999 = arith.constant 2 : i32
      %add3A_2000 = arith.addi %mul3A_1998, %add3A_1999 : i32
      %swap3A_2001 = arith.index_cast %add3A_2000 : i32 to index
      %swap3A_2002 = arith.constant 16 : index
      %swap3A_2003 = tpu.vector_load %arg6[%swap3A_2001, %swap3A_2002] {strides = array<i32>} : memref<504x128xf32, #tpu.memory_space<vmem>>, vector<16xf32>,
      tpu.vector_store %arg6[%swap3A_2001, %swap3A_2002], %broadcast_in_dim3A_1878 {strides = array<i32>} : memref<504x128xf32, #tpu.memory_space<vmem>>, vector<16xf32>,
      %mul3A_2004 = arith.constant 8 : i32
      %mul3A_2005 = arith.muli %scan3A_1876, %mul3A_2004 : i32
      %add3A_2006 = arith.constant 2 : i32
      %add3A_2007 = arith.addi %mul3A_2005, %add3A_2006 : i32
      %swap3A_2008 = arith.index_cast %add3A_2007 : i32 to index
      %swap3A_2009 = arith.constant 32 : index
      %swap3A_2010 = tpu.vector_load %arg6[%swap3A_2008, %swap3A_2009] {strides = array<i32>} : memref<504x128xf32, #tpu.memory_space<vmem>>, vector<16xf32>,
      tpu.vector_store %arg6[%swap3A_2008, %swap3A_2009], %broadcast_in_dim3A_1878 {strides = array<i32>} : memref<504x128xf32, #tpu.memory_space<vmem>>, vector<16xf32>,
      %mul3A_2011 = arith.constant 8 : i32
      %mul3A_2012 = arith.muli %scan3A_1876, %mul3A_2011 : i32
      %add3A_2013 = arith.constant 2 : i32
      %add3A_2014 = arith.addi %mul3A_2012, %add3A_2013 : i32
      %swap3A_2015 = arith.index_cast %add3A_2014 : i32 to index
      %swap3A_2016 = arith.constant 48 : index
      %swap3A_2017 = tpu.vector_load %arg6[%swap3A_2015, %swap3A_2016] {strides = array<i32>} : memref<504x128xf32, #tpu.memory_space<vmem>>, vector<16xf32>,
      tpu.vector_store %arg6[%swap3A_2015, %swap3A_2016], %broadcast_in_dim3A_1878 {strides = array<i32>} : memref<504x128xf32, #tpu.memory_space<vmem>>, vector<16xf32>,
      %mul3A_2018 = arith.constant 8 : i32
      %mul3A_2019 = arith.muli %scan3A_1876, %mul3A_2018 : i32
      %add3A_2020 = arith.constant 2 : i32
      %add3A_2021 = arith.addi %mul3A_2019, %add3A_2020 : i32
      %swap3A_2022 = arith.index_cast %add3A_2021 : i32 to index
      %swap3A_2023 = arith.constant 64 : index
      %swap3A_2024 = tpu.vector_load %arg6[%swap3A_2022, %swap3A_2023] {strides = array<i32>} : memref<504x128xf32, #tpu.memory_space<vmem>>, vector<16xf32>,
      tpu.vector_store %arg6[%swap3A_2022, %swap3A_2023], %broadcast_in_dim3A_1878 {strides = array<i32>} : memref<504x128xf32, #tpu.memory_space<vmem>>, vector<16xf32>,
      %mul3A_2025 = arith.constant 8 : i32
      %mul3A_2026 = arith.muli %scan3A_1876, %mul3A_2025 : i32
      %add3A_2027 = arith.constant 2 : i32
      %add3A_2028 = arith.addi %mul3A_2026, %add3A_2027 : i32
      %swap3A_2029 = arith.index_cast %add3A_2028 : i32 to index
      %swap3A_2030 = arith.constant 80 : index
      %swap3A_2031 = tpu.vector_load %arg6[%swap3A_2029, %swap3A_2030] {strides = array<i32>} : memref<504x128xf32, #tpu.memory_space<vmem>>, vector<16xf32>,
      tpu.vector_store %arg6[%swap3A_2029, %swap3A_2030], %broadcast_in_dim3A_1878 {strides = array<i32>} : memref<504x128xf32, #tpu.memory_space<vmem>>, vector<16xf32>,
      %mul3A_2032 = arith.constant 8 : i32
      %mul3A_2033 = arith.muli %scan3A_1876, %mul3A_2032 : i32
      %add3A_2034 = arith.constant 2 : i32
      %add3A_2035 = arith.addi %mul3A_2033, %add3A_2034 : i32
      %swap3A_2036 = arith.index_cast %add3A_2035 : i32 to index
      %swap3A_2037 = arith.constant 96 : index
      %swap3A_2038 = tpu.vector_load %arg6[%swap3A_2036, %swap3A_2037] {strides = array<i32>} : memref<504x128xf32, #tpu.memory_space<vmem>>, vector<16xf32>,
      tpu.vector_store %arg6[%swap3A_2036, %swap3A_2037], %broadcast_in_dim3A_1878 {strides = array<i32>} : memref<504x128xf32, #tpu.memory_space<vmem>>, vector<16xf32>,
      %mul3A_2039 = arith.constant 8 : i32
      %mul3A_2040 = arith.muli %scan3A_1876, %mul3A_2039 : i32
      %add3A_2041 = arith.constant 2 : i32
      %add3A_2042 = arith.addi %mul3A_2040, %add3A_2041 : i32
      %swap3A_2043 = arith.index_cast %add3A_2042 : i32 to index
      %swap3A_2044 = arith.constant 112 : index
      %swap3A_2045 = tpu.vector_load %arg6[%swap3A_2043, %swap3A_2044] {strides = array<i32>} : memref<504x128xf32, #tpu.memory_space<vmem>>, vector<16xf32>,
      tpu.vector_store %arg6[%swap3A_2043, %swap3A_2044], %broadcast_in_dim3A_1878 {strides = array<i32>} : memref<504x128xf32, #tpu.memory_space<vmem>>, vector<16xf32>,
      %mul3A_2046 = arith.constant 8 : i32
      %mul3A_2047 = arith.muli %scan3A_1876, %mul3A_2046 : i32
      %add3A_2048 = arith.constant 3 : i32
      %add3A_2049 = arith.addi %mul3A_2047, %add3A_2048 : i32
      %swap3A_2050 = arith.index_cast %add3A_2049 : i32 to index
      %swap3A_2051 = arith.constant 0 : index
      %swap3A_2052 = tpu.vector_load %arg6[%swap3A_2050, %swap3A_2051] {strides = array<i32>} : memref<504x128xf32, #tpu.memory_space<vmem>>, vector<16xf32>,
      tpu.vector_store %arg6[%swap3A_2050, %swap3A_2051], %broadcast_in_dim3A_1878 {strides = array<i32>} : memref<504x128xf32, #tpu.memory_space<vmem>>, vector<16xf32>,
      %mul3A_2053 = arith.constant 8 : i32
      %mul3A_2054 = arith.muli %scan3A_1876, %mul3A_2053 : i32
      %add3A_2055 = arith.constant 3 : i32
      %add3A_2056 = arith.addi %mul3A_2054, %add3A_2055 : i32
      %swap3A_2057 = arith.index_cast %add3A_2056 : i32 to index
      %swap3A_2058 = arith.constant 16 : index
      %swap3A_2059 = tpu.vector_load %arg6[%swap3A_2057, %swap3A_2058] {strides = array<i32>} : memref<504x128xf32, #tpu.memory_space<vmem>>, vector<16xf32>,
      tpu.vector_store %arg6[%swap3A_2057, %swap3A_2058], %broadcast_in_dim3A_1878 {strides = array<i32>} : memref<504x128xf32, #tpu.memory_space<vmem>>, vector<16xf32>,
      %mul3A_2060 = arith.constant 8 : i32
      %mul3A_2061 = arith.muli %scan3A_1876, %mul3A_2060 : i32
      %add3A_2062 = arith.constant 3 : i32
      %add3A_2063 = arith.addi %mul3A_2061, %add3A_2062 : i32
      %swap3A_2064 = arith.index_cast %add3A_2063 : i32 to index
      %swap3A_2065 = arith.constant 32 : index
      %swap3A_2066 = tpu.vector_load %arg6[%swap3A_2064, %swap3A_2065] {strides = array<i32>} : memref<504x128xf32, #tpu.memory_space<vmem>>, vector<16xf32>,
      tpu.vector_store %arg6[%swap3A_2064, %swap3A_2065], %broadcast_in_dim3A_1878 {strides = array<i32>} : memref<504x128xf32, #tpu.memory_space<vmem>>, vector<16xf32>,
      %mul3A_2067 = arith.constant 8 : i32
      %mul3A_2068 = arith.muli %scan3A_1876, %mul3A_2067 : i32
      %add3A_2069 = arith.constant 3 : i32
      %add3A_2070 = arith.addi %mul3A_2068, %add3A_2069 : i32
      %swap3A_2071 = arith.index_cast %add3A_2070 : i32 to index
      %swap3A_2072 = arith.constant 48 : index
      %swap3A_2073 = tpu.vector_load %arg6[%swap3A_2071, %swap3A_2072] {strides = array<i32>} : memref<504x128xf32, #tpu.memory_space<vmem>>, vector<16xf32>,
      tpu.vector_store %arg6[%swap3A_2071, %swap3A_2072], %broadcast_in_dim3A_1878 {strides = array<i32>} : memref<504x128xf32, #tpu.memory_space<vmem>>, vector<16xf32>,
      %mul3A_2074 = arith.constant 8 : i32
      %mul3A_2075 = arith.muli %scan3A_1876, %mul3A_2074 : i32
      %add3A_2076 = arith.constant 3 : i32
      %add3A_2077 = arith.addi %mul3A_2075, %add3A_2076 : i32
      %swap3A_2078 = arith.index_cast %add3A_2077 : i32 to index
      %swap3A_2079 = arith.constant 64 : index
      %swap3A_2080 = tpu.vector_load %arg6[%swap3A_2078, %swap3A_2079] {strides = array<i32>} : memref<504x128xf32, #tpu.memory_space<vmem>>, vector<16xf32>,
      tpu.vector_store %arg6[%swap3A_2078, %swap3A_2079], %broadcast_in_dim3A_1878 {strides = array<i32>} : memref<504x128xf32, #tpu.memory_space<vmem>>, vector<16xf32>,
      %mul3A_2081 = arith.constant 8 : i32
      %mul3A_2082 = arith.muli %scan3A_1876, %mul3A_2081 : i32
      %add3A_2083 = arith.constant 3 : i32
      %add3A_2084 = arith.addi %mul3A_2082, %add3A_2083 : i32
      %swap3A_2085 = arith.index_cast %add3A_2084 : i32 to index
      %swap3A_2086 = arith.constant 80 : index
      %swap3A_2087 = tpu.vector_load %arg6[%swap3A_2085, %swap3A_2086] {strides = array<i32>} : memref<504x128xf32, #tpu.memory_space<vmem>>, vector<16xf32>,
      tpu.vector_store %arg6[%swap3A_2085, %swap3A_2086], %broadcast_in_dim3A_1878 {strides = array<i32>} : memref<504x128xf32, #tpu.memory_space<vmem>>, vector<16xf32>,
      %mul3A_2088 = arith.constant 8 : i32
      %mul3A_2089 = arith.muli %scan3A_1876, %mul3A_2088 : i32
      %add3A_2090 = arith.constant 3 : i32
      %add3A_2091 = arith.addi %mul3A_2089, %add3A_2090 : i32
      %swap3A_2092 = arith.index_cast %add3A_2091 : i32 to index
      %swap3A_2093 = arith.constant 96 : index
      %swap3A_2094 = tpu.vector_load %arg6[%swap3A_2092, %swap3A_2093] {strides = array<i32>} : memref<504x128xf32, #tpu.memory_space<vmem>>, vector<16xf32>,
      tpu.vector_store %arg6[%swap3A_2092, %swap3A_2093], %broadcast_in_dim3A_1878 {strides = array<i32>} : memref<504x128xf32, #tpu.memory_space<vmem>>, vector<16xf32>,
      %mul3A_2095 = arith.constant 8 : i32
      %mul3A_2096 = arith.muli %scan3A_1876, %mul3A_2095 : i32
      %add3A_2097 = arith.constant 3 : i32
      %add3A_2098 = arith.addi %mul3A_2096, %add3A_2097 : i32
      %swap3A_2099 = arith.index_cast %add3A_2098 : i32 to index
      %swap3A_2100 = arith.constant 112 : index
      %swap3A_2101 = tpu.vector_load %arg6[%swap3A_2099, %swap3A_2100] {strides = array<i32>} : memref<504x128xf32, #tpu.memory_space<vmem>>, vector<16xf32>,
      tpu.vector_store %arg6[%swap3A_2099, %swap3A_2100], %broadcast_in_dim3A_1878 {strides = array<i32>} : memref<504x128xf32, #tpu.memory_space<vmem>>, vector<16xf32>,
      %mul3A_2102 = arith.constant 8 : i32
      %mul3A_2103 = arith.muli %scan3A_1876, %mul3A_2102 : i32
      %add3A_2104 = arith.constant 4 : i32
      %add3A_2105 = arith.addi %mul3A_2103, %add3A_2104 : i32
      %swap3A_2106 = arith.index_cast %add3A_2105 : i32 to index
      %swap3A_2107 = arith.constant 0 : index
      %swap3A_2108 = tpu.vector_load %arg6[%swap3A_2106, %swap3A_2107] {strides = array<i32>} : memref<504x128xf32, #tpu.memory_space<vmem>>, vector<16xf32>,
      tpu.vector_store %arg6[%swap3A_2106, %swap3A_2107], %broadcast_in_dim3A_1878 {strides = array<i32>} : memref<504x128xf32, #tpu.memory_space<vmem>>, vector<16xf32>,
      %mul3A_2109 = arith.constant 8 : i32
      %mul3A_2110 = arith.muli %scan3A_1876, %mul3A_2109 : i32
      %add3A_2111 = arith.constant 4 : i32
      %add3A_2112 = arith.addi %mul3A_2110, %add3A_2111 : i32
      %swap3A_2113 = arith.index_cast %add3A_2112 : i32 to index
      %swap3A_2114 = arith.constant 16 : index
      %swap3A_2115 = tpu.vector_load %arg6[%swap3A_2113, %swap3A_2114] {strides = array<i32>} : memref<504x128xf32, #tpu.memory_space<vmem>>, vector<16xf32>,
      tpu.vector_store %arg6[%swap3A_2113, %swap3A_2114], %broadcast_in_dim3A_1878 {strides = array<i32>} : memref<504x128xf32, #tpu.memory_space<vmem>>, vector<16xf32>,
      %mul3A_2116 = arith.constant 8 : i32
      %mul3A_2117 = arith.muli %scan3A_1876, %mul3A_2116 : i32
      %add3A_2118 = arith.constant 4 : i32
      %add3A_2119 = arith.addi %mul3A_2117, %add3A_2118 : i32
      %swap3A_2120 = arith.index_cast %add3A_2119 : i32 to index
      %swap3A_2121 = arith.constant 32 : index
      %swap3A_2122 = tpu.vector_load %arg6[%swap3A_2120, %swap3A_2121] {strides = array<i32>} : memref<504x128xf32, #tpu.memory_space<vmem>>, vector<16xf32>,
      tpu.vector_store %arg6[%swap3A_2120, %swap3A_2121], %broadcast_in_dim3A_1878 {strides = array<i32>} : memref<504x128xf32, #tpu.memory_space<vmem>>, vector<16xf32>,
      %mul3A_2123 = arith.constant 8 : i32
      %mul3A_2124 = arith.muli %scan3A_1876, %mul3A_2123 : i32
      %add3A_2125 = arith.constant 4 : i32
      %add3A_2126 = arith.addi %mul3A_2124, %add3A_2125 : i32
      %swap3A_2127 = arith.index_cast %add3A_2126 : i32 to index
      %swap3A_2128 = arith.constant 48 : index
      %swap3A_2129 = tpu.vector_load %arg6[%swap3A_2127, %swap3A_2128] {strides = array<i32>} : memref<504x128xf32, #tpu.memory_space<vmem>>, vector<16xf32>,
      tpu.vector_store %arg6[%swap3A_2127, %swap3A_2128], %broadcast_in_dim3A_1878 {strides = array<i32>} : memref<504x128xf32, #tpu.memory_space<vmem>>, vector<16xf32>,
      %mul3A_2130 = arith.constant 8 : i32
      %mul3A_2131 = arith.muli %scan3A_1876, %mul3A_2130 : i32
      %add3A_2132 = arith.constant 4 : i32
      %add3A_2133 = arith.addi %mul3A_2131, %add3A_2132 : i32
      %swap3A_2134 = arith.index_cast %add3A_2133 : i32 to index
      %swap3A_2135 = arith.constant 64 : index
      %swap3A_2136 = tpu.vector_load %arg6[%swap3A_2134, %swap3A_2135] {strides = array<i32>} : memref<504x128xf32, #tpu.memory_space<vmem>>, vector<16xf32>,
      tpu.vector_store %arg6[%swap3A_2134, %swap3A_2135], %broadcast_in_dim3A_1878 {strides = array<i32>} : memref<504x128xf32, #tpu.memory_space<vmem>>, vector<16xf32>,
      %mul3A_2137 = arith.constant 8 : i32
      %mul3A_2138 = arith.muli %scan3A_1876, %mul3A_2137 : i32
      %add3A_2139 = arith.constant 4 : i32
      %add3A_2140 = arith.addi %mul3A_2138, %add3A_2139 : i32
      %swap3A_2141 = arith.index_cast %add3A_2140 : i32 to index
      %swap3A_2142 = arith.constant 80 : index
      %swap3A_2143 = tpu.vector_load %arg6[%swap3A_2141, %swap3A_2142] {strides = array<i32>} : memref<504x128xf32, #tpu.memory_space<vmem>>, vector<16xf32>,
      tpu.vector_store %arg6[%swap3A_2141, %swap3A_2142], %broadcast_in_dim3A_1878 {strides = array<i32>} : memref<504x128xf32, #tpu.memory_space<vmem>>, vector<16xf32>,
      %mul3A_2144 = arith.constant 8 : i32
      %mul3A_2145 = arith.muli %scan3A_1876, %mul3A_2144 : i32
      %add3A_2146 = arith.constant 4 : i32
      %add3A_2147 = arith.addi %mul3A_2145, %add3A_2146 : i32
      %swap3A_2148 = arith.index_cast %add3A_2147 : i32 to index
      %swap3A_2149 = arith.constant 96 : index
      %swap3A_2150 = tpu.vector_load %arg6[%swap3A_2148, %swap3A_2149] {strides = array<i32>} : memref<504x128xf32, #tpu.memory_space<vmem>>, vector<16xf32>,
      tpu.vector_store %arg6[%swap3A_2148, %swap3A_2149], %broadcast_in_dim3A_1878 {strides = array<i32>} : memref<504x128xf32, #tpu.memory_space<vmem>>, vector<16xf32>,
      %mul3A_2151 = arith.constant 8 : i32
      %mul3A_2152 = arith.muli %scan3A_1876, %mul3A_2151 : i32
      %add3A_2153 = arith.constant 4 : i32
      %add3A_2154 = arith.addi %mul3A_2152, %add3A_2153 : i32
      %swap3A_2155 = arith.index_cast %add3A_2154 : i32 to index
      %swap3A_2156 = arith.constant 112 : index
      %swap3A_2157 = tpu.vector_load %arg6[%swap3A_2155, %swap3A_2156] {strides = array<i32>} : memref<504x128xf32, #tpu.memory_space<vmem>>, vector<16xf32>,
      tpu.vector_store %arg6[%swap3A_2155, %swap3A_2156], %broadcast_in_dim3A_1878 {strides = array<i32>} : memref<504x128xf32, #tpu.memory_space<vmem>>, vector<16xf32>,
      %mul3A_2158 = arith.constant 8 : i32
      %mul3A_2159 = arith.muli %scan3A_1876, %mul3A_2158 : i32
      %add3A_2160 = arith.constant 5 : i32
      %add3A_2161 = arith.addi %mul3A_2159, %add3A_2160 : i32
      %swap3A_2162 = arith.index_cast %add3A_2161 : i32 to index
      %swap3A_2163 = arith.constant 0 : index
      %swap3A_2164 = tpu.vector_load %arg6[%swap3A_2162, %swap3A_2163] {strides = array<i32>} : memref<504x128xf32, #tpu.memory_space<vmem>>, vector<16xf32>,
      tpu.vector_store %arg6[%swap3A_2162, %swap3A_2163], %broadcast_in_dim3A_1878 {strides = array<i32>} : memref<504x128xf32, #tpu.memory_space<vmem>>, vector<16xf32>,
      %mul3A_2165 = arith.constant 8 : i32
      %mul3A_2166 = arith.muli %scan3A_1876, %mul3A_2165 : i32
      %add3A_2167 = arith.constant 5 : i32
      %add3A_2168 = arith.addi %mul3A_2166, %add3A_2167 : i32
      %swap3A_2169 = arith.index_cast %add3A_2168 : i32 to index
      %swap3A_2170 = arith.constant 16 : index
      %swap3A_2171 = tpu.vector_load %arg6[%swap3A_2169, %swap3A_2170] {strides = array<i32>} : memref<504x128xf32, #tpu.memory_space<vmem>>, vector<16xf32>,
      tpu.vector_store %arg6[%swap3A_2169, %swap3A_2170], %broadcast_in_dim3A_1878 {strides = array<i32>} : memref<504x128xf32, #tpu.memory_space<vmem>>, vector<16xf32>,
      %mul3A_2172 = arith.constant 8 : i32
      %mul3A_2173 = arith.muli %scan3A_1876, %mul3A_2172 : i32
      %add3A_2174 = arith.constant 5 : i32
      %add3A_2175 = arith.addi %mul3A_2173, %add3A_2174 : i32
      %swap3A_2176 = arith.index_cast %add3A_2175 : i32 to index
      %swap3A_2177 = arith.constant 32 : index
      %swap3A_2178 = tpu.vector_load %arg6[%swap3A_2176, %swap3A_2177] {strides = array<i32>} : memref<504x128xf32, #tpu.memory_space<vmem>>, vector<16xf32>,
      tpu.vector_store %arg6[%swap3A_2176, %swap3A_2177], %broadcast_in_dim3A_1878 {strides = array<i32>} : memref<504x128xf32, #tpu.memory_space<vmem>>, vector<16xf32>,
      %mul3A_2179 = arith.constant 8 : i32
      %mul3A_2180 = arith.muli %scan3A_1876, %mul3A_2179 : i32
      %add3A_2181 = arith.constant 5 : i32
      %add3A_2182 = arith.addi %mul3A_2180, %add3A_2181 : i32
      %swap3A_2183 = arith.index_cast %add3A_2182 : i32 to index
      %swap3A_2184 = arith.constant 48 : index
      %swap3A_2185 = tpu.vector_load %arg6[%swap3A_2183, %swap3A_2184] {strides = array<i32>} : memref<504x128xf32, #tpu.memory_space<vmem>>, vector<16xf32>,
      tpu.vector_store %arg6[%swap3A_2183, %swap3A_2184], %broadcast_in_dim3A_1878 {strides = array<i32>} : memref<504x128xf32, #tpu.memory_space<vmem>>, vector<16xf32>,
      %mul3A_2186 = arith.constant 8 : i32
      %mul3A_2187 = arith.muli %scan3A_1876, %mul3A_2186 : i32
      %add3A_2188 = arith.constant 5 : i32
      %add3A_2189 = arith.addi %mul3A_2187, %add3A_2188 : i32
      %swap3A_2190 = arith.index_cast %add3A_2189 : i32 to index
      %swap3A_2191 = arith.constant 64 : index
      %swap3A_2192 = tpu.vector_load %arg6[%swap3A_2190, %swap3A_2191] {strides = array<i32>} : memref<504x128xf32, #tpu.memory_space<vmem>>, vector<16xf32>,
      tpu.vector_store %arg6[%swap3A_2190, %swap3A_2191], %broadcast_in_dim3A_1878 {strides = array<i32>} : memref<504x128xf32, #tpu.memory_space<vmem>>, vector<16xf32>,
      %mul3A_2193 = arith.constant 8 : i32
      %mul3A_2194 = arith.muli %scan3A_1876, %mul3A_2193 : i32
      %add3A_2195 = arith.constant 5 : i32
      %add3A_2196 = arith.addi %mul3A_2194, %add3A_2195 : i32
      %swap3A_2197 = arith.index_cast %add3A_2196 : i32 to index
      %swap3A_2198 = arith.constant 80 : index
      %swap3A_2199 = tpu.vector_load %arg6[%swap3A_2197, %swap3A_2198] {strides = array<i32>} : memref<504x128xf32, #tpu.memory_space<vmem>>, vector<16xf32>,
      tpu.vector_store %arg6[%swap3A_2197, %swap3A_2198], %broadcast_in_dim3A_1878 {strides = array<i32>} : memref<504x128xf32, #tpu.memory_space<vmem>>, vector<16xf32>,
      %mul3A_2200 = arith.constant 8 : i32
      %mul3A_2201 = arith.muli %scan3A_1876, %mul3A_2200 : i32
      %add3A_2202 = arith.constant 5 : i32
      %add3A_2203 = arith.addi %mul3A_2201, %add3A_2202 : i32
      %swap3A_2204 = arith.index_cast %add3A_2203 : i32 to index
      %swap3A_2205 = arith.constant 96 : index
      %swap3A_2206 = tpu.vector_load %arg6[%swap3A_2204, %swap3A_2205] {strides = array<i32>} : memref<504x128xf32, #tpu.memory_space<vmem>>, vector<16xf32>,
      tpu.vector_store %arg6[%swap3A_2204, %swap3A_2205], %broadcast_in_dim3A_1878 {strides = array<i32>} : memref<504x128xf32, #tpu.memory_space<vmem>>, vector<16xf32>,
      %mul3A_2207 = arith.constant 8 : i32
      %mul3A_2208 = arith.muli %scan3A_1876, %mul3A_2207 : i32
      %add3A_2209 = arith.constant 5 : i32
      %add3A_2210 = arith.addi %mul3A_2208, %add3A_2209 : i32
      %swap3A_2211 = arith.index_cast %add3A_2210 : i32 to index
      %swap3A_2212 = arith.constant 112 : index
      %swap3A_2213 = tpu.vector_load %arg6[%swap3A_2211, %swap3A_2212] {strides = array<i32>} : memref<504x128xf32, #tpu.memory_space<vmem>>, vector<16xf32>,
      tpu.vector_store %arg6[%swap3A_2211, %swap3A_2212], %broadcast_in_dim3A_1878 {strides = array<i32>} : memref<504x128xf32, #tpu.memory_space<vmem>>, vector<16xf32>,
      %mul3A_2214 = arith.constant 8 : i32
      %mul3A_2215 = arith.muli %scan3A_1876, %mul3A_2214 : i32
      %add3A_2216 = arith.constant 6 : i32
      %add3A_2217 = arith.addi %mul3A_2215, %add3A_2216 : i32
      %swap3A_2218 = arith.index_cast %add3A_2217 : i32 to index
      %swap3A_2219 = arith.constant 0 : index
      %swap3A_2220 = tpu.vector_load %arg6[%swap3A_2218, %swap3A_2219] {strides = array<i32>} : memref<504x128xf32, #tpu.memory_space<vmem>>, vector<16xf32>,
      tpu.vector_store %arg6[%swap3A_2218, %swap3A_2219], %broadcast_in_dim3A_1878 {strides = array<i32>} : memref<504x128xf32, #tpu.memory_space<vmem>>, vector<16xf32>,
      %mul3A_2221 = arith.constant 8 : i32
      %mul3A_2222 = arith.muli %scan3A_1876, %mul3A_2221 : i32
      %add3A_2223 = arith.constant 6 : i32
      %add3A_2224 = arith.addi %mul3A_2222, %add3A_2223 : i32
      %swap3A_2225 = arith.index_cast %add3A_2224 : i32 to index
      %swap3A_2226 = arith.constant 16 : index
      %swap3A_2227 = tpu.vector_load %arg6[%swap3A_2225, %swap3A_2226] {strides = array<i32>} : memref<504x128xf32, #tpu.memory_space<vmem>>, vector<16xf32>,
      tpu.vector_store %arg6[%swap3A_2225, %swap3A_2226], %broadcast_in_dim3A_1878 {strides = array<i32>} : memref<504x128xf32, #tpu.memory_space<vmem>>, vector<16xf32>,
      %mul3A_2228 = arith.constant 8 : i32
      %mul3A_2229 = arith.muli %scan3A_1876, %mul3A_2228 : i32
      %add3A_2230 = arith.constant 6 : i32
      %add3A_2231 = arith.addi %mul3A_2229, %add3A_2230 : i32
      %swap3A_2232 = arith.index_cast %add3A_2231 : i32 to index
      %swap3A_2233 = arith.constant 32 : index
      %swap3A_2234 = tpu.vector_load %arg6[%swap3A_2232, %swap3A_2233] {strides = array<i32>} : memref<504x128xf32, #tpu.memory_space<vmem>>, vector<16xf32>,
      tpu.vector_store %arg6[%swap3A_2232, %swap3A_2233], %broadcast_in_dim3A_1878 {strides = array<i32>} : memref<504x128xf32, #tpu.memory_space<vmem>>, vector<16xf32>,
      %mul3A_2235 = arith.constant 8 : i32
      %mul3A_2236 = arith.muli %scan3A_1876, %mul3A_2235 : i32
      %add3A_2237 = arith.constant 6 : i32
      %add3A_2238 = arith.addi %mul3A_2236, %add3A_2237 : i32
      %swap3A_2239 = arith.index_cast %add3A_2238 : i32 to index
      %swap3A_2240 = arith.constant 48 : index
      %swap3A_2241 = tpu.vector_load %arg6[%swap3A_2239, %swap3A_2240] {strides = array<i32>} : memref<504x128xf32, #tpu.memory_space<vmem>>, vector<16xf32>,
      tpu.vector_store %arg6[%swap3A_2239, %swap3A_2240], %broadcast_in_dim3A_1878 {strides = array<i32>} : memref<504x128xf32, #tpu.memory_space<vmem>>, vector<16xf32>,
      %mul3A_2242 = arith.constant 8 : i32
      %mul3A_2243 = arith.muli %scan3A_1876, %mul3A_2242 : i32
      %add3A_2244 = arith.constant 6 : i32
      %add3A_2245 = arith.addi %mul3A_2243, %add3A_2244 : i32
      %swap3A_2246 = arith.index_cast %add3A_2245 : i32 to index
      %swap3A_2247 = arith.constant 64 : index
      %swap3A_2248 = tpu.vector_load %arg6[%swap3A_2246, %swap3A_2247] {strides = array<i32>} : memref<504x128xf32, #tpu.memory_space<vmem>>, vector<16xf32>,
      tpu.vector_store %arg6[%swap3A_2246, %swap3A_2247], %broadcast_in_dim3A_1878 {strides = array<i32>} : memref<504x128xf32, #tpu.memory_space<vmem>>, vector<16xf32>,
      %mul3A_2249 = arith.constant 8 : i32
      %mul3A_2250 = arith.muli %scan3A_1876, %mul3A_2249 : i32
      %add3A_2251 = arith.constant 6 : i32
      %add3A_2252 = arith.addi %mul3A_2250, %add3A_2251 : i32
      %swap3A_2253 = arith.index_cast %add3A_2252 : i32 to index
      %swap3A_2254 = arith.constant 80 : index
      %swap3A_2255 = tpu.vector_load %arg6[%swap3A_2253, %swap3A_2254] {strides = array<i32>} : memref<504x128xf32, #tpu.memory_space<vmem>>, vector<16xf32>,
      tpu.vector_store %arg6[%swap3A_2253, %swap3A_2254], %broadcast_in_dim3A_1878 {strides = array<i32>} : memref<504x128xf32, #tpu.memory_space<vmem>>, vector<16xf32>,
      %mul3A_2256 = arith.constant 8 : i32
      %mul3A_2257 = arith.muli %scan3A_1876, %mul3A_2256 : i32
      %add3A_2258 = arith.constant 6 : i32
      %add3A_2259 = arith.addi %mul3A_2257, %add3A_2258 : i32
      %swap3A_2260 = arith.index_cast %add3A_2259 : i32 to index
      %swap3A_2261 = arith.constant 96 : index
      %swap3A_2262 = tpu.vector_load %arg6[%swap3A_2260, %swap3A_2261] {strides = array<i32>} : memref<504x128xf32, #tpu.memory_space<vmem>>, vector<16xf32>,
      tpu.vector_store %arg6[%swap3A_2260, %swap3A_2261], %broadcast_in_dim3A_1878 {strides = array<i32>} : memref<504x128xf32, #tpu.memory_space<vmem>>, vector<16xf32>,
      %mul3A_2263 = arith.constant 8 : i32
      %mul3A_2264 = arith.muli %scan3A_1876, %mul3A_2263 : i32
      %add3A_2265 = arith.constant 6 : i32
      %add3A_2266 = arith.addi %mul3A_2264, %add3A_2265 : i32
      %swap3A_2267 = arith.index_cast %add3A_2266 : i32 to index
      %swap3A_2268 = arith.constant 112 : index
      %swap3A_2269 = tpu.vector_load %arg6[%swap3A_2267, %swap3A_2268] {strides = array<i32>} : memref<504x128xf32, #tpu.memory_space<vmem>>, vector<16xf32>,
      tpu.vector_store %arg6[%swap3A_2267, %swap3A_2268], %broadcast_in_dim3A_1878 {strides = array<i32>} : memref<504x128xf32, #tpu.memory_space<vmem>>, vector<16xf32>,
      %mul3A_2270 = arith.constant 8 : i32
      %mul3A_2271 = arith.muli %scan3A_1876, %mul3A_2270 : i32
      %add3A_2272 = arith.constant 7 : i32
      %add3A_2273 = arith.addi %mul3A_2271, %add3A_2272 : i32
      %swap3A_2274 = arith.index_cast %add3A_2273 : i32 to index
      %swap3A_2275 = arith.constant 0 : index
      %swap3A_2276 = tpu.vector_load %arg6[%swap3A_2274, %swap3A_2275] {strides = array<i32>} : memref<504x128xf32, #tpu.memory_space<vmem>>, vector<16xf32>,
      tpu.vector_store %arg6[%swap3A_2274, %swap3A_2275], %broadcast_in_dim3A_1878 {strides = array<i32>} : memref<504x128xf32, #tpu.memory_space<vmem>>, vector<16xf32>,
      %mul3A_2277 = arith.constant 8 : i32
      %mul3A_2278 = arith.muli %scan3A_1876, %mul3A_2277 : i32
      %add3A_2279 = arith.constant 7 : i32
      %add3A_2280 = arith.addi %mul3A_2278, %add3A_2279 : i32
      %swap3A_2281 = arith.index_cast %add3A_2280 : i32 to index
      %swap3A_2282 = arith.constant 16 : index
      %swap3A_2283 = tpu.vector_load %arg6[%swap3A_2281, %swap3A_2282] {strides = array<i32>} : memref<504x128xf32, #tpu.memory_space<vmem>>, vector<16xf32>,
      tpu.vector_store %arg6[%swap3A_2281, %swap3A_2282], %broadcast_in_dim3A_1878 {strides = array<i32>} : memref<504x128xf32, #tpu.memory_space<vmem>>, vector<16xf32>,
      %mul3A_2284 = arith.constant 8 : i32
      %mul3A_2285 = arith.muli %scan3A_1876, %mul3A_2284 : i32
      %add3A_2286 = arith.constant 7 : i32
      %add3A_2287 = arith.addi %mul3A_2285, %add3A_2286 : i32
      %swap3A_2288 = arith.index_cast %add3A_2287 : i32 to index
      %swap3A_2289 = arith.constant 32 : index
      %swap3A_2290 = tpu.vector_load %arg6[%swap3A_2288, %swap3A_2289] {strides = array<i32>} : memref<504x128xf32, #tpu.memory_space<vmem>>, vector<16xf32>,
      tpu.vector_store %arg6[%swap3A_2288, %swap3A_2289], %broadcast_in_dim3A_1878 {strides = array<i32>} : memref<504x128xf32, #tpu.memory_space<vmem>>, vector<16xf32>,
      %mul3A_2291 = arith.constant 8 : i32
      %mul3A_2292 = arith.muli %scan3A_1876, %mul3A_2291 : i32
      %add3A_2293 = arith.constant 7 : i32
      %add3A_2294 = arith.addi %mul3A_2292, %add3A_2293 : i32
      %swap3A_2295 = arith.index_cast %add3A_2294 : i32 to index
      %swap3A_2296 = arith.constant 48 : index
      %swap3A_2297 = tpu.vector_load %arg6[%swap3A_2295, %swap3A_2296] {strides = array<i32>} : memref<504x128xf32, #tpu.memory_space<vmem>>, vector<16xf32>,
      tpu.vector_store %arg6[%swap3A_2295, %swap3A_2296], %broadcast_in_dim3A_1878 {strides = array<i32>} : memref<504x128xf32, #tpu.memory_space<vmem>>, vector<16xf32>,
      %mul3A_2298 = arith.constant 8 : i32
      %mul3A_2299 = arith.muli %scan3A_1876, %mul3A_2298 : i32
      %add3A_2300 = arith.constant 7 : i32
      %add3A_2301 = arith.addi %mul3A_2299, %add3A_2300 : i32
      %swap3A_2302 = arith.index_cast %add3A_2301 : i32 to index
      %swap3A_2303 = arith.constant 64 : index
      %swap3A_2304 = tpu.vector_load %arg6[%swap3A_2302, %swap3A_2303] {strides = array<i32>} : memref<504x128xf32, #tpu.memory_space<vmem>>, vector<16xf32>,
      tpu.vector_store %arg6[%swap3A_2302, %swap3A_2303], %broadcast_in_dim3A_1878 {strides = array<i32>} : memref<504x128xf32, #tpu.memory_space<vmem>>, vector<16xf32>,
      %mul3A_2305 = arith.constant 8 : i32
      %mul3A_2306 = arith.muli %scan3A_1876, %mul3A_2305 : i32
      %add3A_2307 = arith.constant 7 : i32
      %add3A_2308 = arith.addi %mul3A_2306, %add3A_2307 : i32
      %swap3A_2309 = arith.index_cast %add3A_2308 : i32 to index
      %swap3A_2310 = arith.constant 80 : index
      %swap3A_2311 = tpu.vector_load %arg6[%swap3A_2309, %swap3A_2310] {strides = array<i32>} : memref<504x128xf32, #tpu.memory_space<vmem>>, vector<16xf32>,
      tpu.vector_store %arg6[%swap3A_2309, %swap3A_2310], %broadcast_in_dim3A_1878 {strides = array<i32>} : memref<504x128xf32, #tpu.memory_space<vmem>>, vector<16xf32>,
      %mul3A_2312 = arith.constant 8 : i32
      %mul3A_2313 = arith.muli %scan3A_1876, %mul3A_2312 : i32
      %add3A_2314 = arith.constant 7 : i32
      %add3A_2315 = arith.addi %mul3A_2313, %add3A_2314 : i32
      %swap3A_2316 = arith.index_cast %add3A_2315 : i32 to index
      %swap3A_2317 = arith.constant 96 : index
      %swap3A_2318 = tpu.vector_load %arg6[%swap3A_2316, %swap3A_2317] {strides = array<i32>} : memref<504x128xf32, #tpu.memory_space<vmem>>, vector<16xf32>,
      tpu.vector_store %arg6[%swap3A_2316, %swap3A_2317], %broadcast_in_dim3A_1878 {strides = array<i32>} : memref<504x128xf32, #tpu.memory_space<vmem>>, vector<16xf32>,
      %mul3A_2319 = arith.constant 8 : i32
      %mul3A_2320 = arith.muli %scan3A_1876, %mul3A_2319 : i32
      %add3A_2321 = arith.constant 7 : i32
      %add3A_2322 = arith.addi %mul3A_2320, %add3A_2321 : i32
      %swap3A_2323 = arith.index_cast %add3A_2322 : i32 to index
      %swap3A_2324 = arith.constant 112 : index
      %swap3A_2325 = tpu.vector_load %arg6[%swap3A_2323, %swap3A_2324] {strides = array<i32>} : memref<504x128xf32, #tpu.memory_space<vmem>>, vector<16xf32>,
      tpu.vector_store %arg6[%swap3A_2323, %swap3A_2324], %broadcast_in_dim3A_1878 {strides = array<i32>} : memref<504x128xf32, #tpu.memory_space<vmem>>, vector<16xf32>,
    }
    %scan3A_151 = arith.constant 63 : i32
    %add3A_152 = arith.constant 0 : i32
    %add3A_153 = vector.broadcast %add3A_152 : i32 to vector<16xi32>
    %add3A_154 = arith.addi %iota3A, %add3A_153 : vector<16xi32>
    %get3A_155 = arith.constant 0 : index
    %get3A_156 = tpu.vector_load %arg4[%get3A_155] {strides = array<i32>} : memref<512xi32, #tpu.memory_space<vmem>>, vector<16xi32>,
    %sub3A_157 = arith.constant 504 : i32
    %sub3A_158 = vector.broadcast %sub3A_157 : i32 to vector<16xi32>
    %sub3A_159 = arith.subi %get3A_156, %sub3A_158 : vector<16xi32>
    %ge3A_160 = arith.constant 0 : i32
    %ge3A_161 = vector.broadcast %ge3A_160 : i32 to vector<16xi32>
    %ge3A_162 = arith.cmpi sge, %sub3A_159, %ge3A_161 : vector<16xi32>
    %lt3A_163 = arith.constant 496 : i32
    %lt3A_164 = vector.broadcast %lt3A_163 : i32 to vector<16xi32>
    %lt3A_165 = arith.cmpi slt, %sub3A_159, %lt3A_164 : vector<16xi32>
    %and3A_166 = arith.andi %ge3A_162, %lt3A_165 : vector<16xi1>
    tpu.vector_store_idx %arg6[%sub3A_159, %add3A_154], %broadcast_in_dim3A_16 masked %and3A_166 : memref<504x128xf32, #tpu.memory_space<vmem>>[vector<16xi32>, vector<16xi32>], vector<16xf32>, vector<16xi1>
    %add3A_167 = arith.constant 16 : i32
    %add3A_168 = vector.broadcast %add3A_167 : i32 to vector<16xi32>
    %add3A_169 = arith.addi %iota3A, %add3A_168 : vector<16xi32>
    %get3A_170 = arith.constant 16 : index
    %get3A_171 = tpu.vector_load %arg4[%get3A_170] {strides = array<i32>} : memref<512xi32, #tpu.memory_space<vmem>>, vector<16xi32>,
    %sub3A_172 = arith.constant 504 : i32
    %sub3A_173 = vector.broadcast %sub3A_172 : i32 to vector<16xi32>
    %sub3A_174 = arith.subi %get3A_171, %sub3A_173 : vector<16xi32>
    %ge3A_175 = arith.constant 0 : i32
    %ge3A_176 = vector.broadcast %ge3A_175 : i32 to vector<16xi32>
    %ge3A_177 = arith.cmpi sge, %sub3A_174, %ge3A_176 : vector<16xi32>
    %lt3A_178 = arith.constant 496 : i32
    %lt3A_179 = vector.broadcast %lt3A_178 : i32 to vector<16xi32>
    %lt3A_180 = arith.cmpi slt, %sub3A_174, %lt3A_179 : vector<16xi32>
    %and3A_181 = arith.andi %ge3A_177, %lt3A_180 : vector<16xi1>
    tpu.vector_store_idx %arg6[%sub3A_174, %add3A_169], %broadcast_in_dim3A_16 masked %and3A_181 : memref<504x128xf32, #tpu.memory_space<vmem>>[vector<16xi32>, vector<16xi32>], vector<16xf32>, vector<16xi1>
    %add3A_182 = arith.constant 32 : i32
    %add3A_183 = vector.broadcast %add3A_182 : i32 to vector<16xi32>
    %add3A_184 = arith.addi %iota3A, %add3A_183 : vector<16xi32>
    %get3A_185 = arith.constant 32 : index
    %get3A_186 = tpu.vector_load %arg4[%get3A_185] {strides = array<i32>} : memref<512xi32, #tpu.memory_space<vmem>>, vector<16xi32>,
    %sub3A_187 = arith.constant 504 : i32
    %sub3A_188 = vector.broadcast %sub3A_187 : i32 to vector<16xi32>
    %sub3A_189 = arith.subi %get3A_186, %sub3A_188 : vector<16xi32>
    %ge3A_190 = arith.constant 0 : i32
    %ge3A_191 = vector.broadcast %ge3A_190 : i32 to vector<16xi32>
    %ge3A_192 = arith.cmpi sge, %sub3A_189, %ge3A_191 : vector<16xi32>
    %lt3A_193 = arith.constant 496 : i32
    %lt3A_194 = vector.broadcast %lt3A_193 : i32 to vector<16xi32>
    %lt3A_195 = arith.cmpi slt, %sub3A_189, %lt3A_194 : vector<16xi32>
    %and3A_196 = arith.andi %ge3A_192, %lt3A_195 : vector<16xi1>
    tpu.vector_store_idx %arg6[%sub3A_189, %add3A_184], %broadcast_in_dim3A_16 masked %and3A_196 : memref<504x128xf32, #tpu.memory_space<vmem>>[vector<16xi32>, vector<16xi32>], vector<16xf32>, vector<16xi1>
    %add3A_197 = arith.constant 48 : i32
    %add3A_198 = vector.broadcast %add3A_197 : i32 to vector<16xi32>
    %add3A_199 = arith.addi %iota3A, %add3A_198 : vector<16xi32>
    %get3A_200 = arith.constant 48 : index
    %get3A_201 = tpu.vector_load %arg4[%get3A_200] {strides = array<i32>} : memref<512xi32, #tpu.memory_space<vmem>>, vector<16xi32>,
    %sub3A_202 = arith.constant 504 : i32
    %sub3A_203 = vector.broadcast %sub3A_202 : i32 to vector<16xi32>
    %sub3A_204 = arith.subi %get3A_201, %sub3A_203 : vector<16xi32>
    %ge3A_205 = arith.constant 0 : i32
    %ge3A_206 = vector.broadcast %ge3A_205 : i32 to vector<16xi32>
    %ge3A_207 = arith.cmpi sge, %sub3A_204, %ge3A_206 : vector<16xi32>
    %lt3A_208 = arith.constant 496 : i32
    %lt3A_209 = vector.broadcast %lt3A_208 : i32 to vector<16xi32>
    %lt3A_210 = arith.cmpi slt, %sub3A_204, %lt3A_209 : vector<16xi32>
    %and3A_211 = arith.andi %ge3A_207, %lt3A_210 : vector<16xi1>
    tpu.vector_store_idx %arg6[%sub3A_204, %add3A_199], %broadcast_in_dim3A_16 masked %and3A_211 : memref<504x128xf32, #tpu.memory_space<vmem>>[vector<16xi32>, vector<16xi32>], vector<16xf32>, vector<16xi1>
    %add3A_212 = arith.constant 64 : i32
    %add3A_213 = vector.broadcast %add3A_212 : i32 to vector<16xi32>
    %add3A_214 = arith.addi %iota3A, %add3A_213 : vector<16xi32>
    %get3A_215 = arith.constant 64 : index
    %get3A_216 = tpu.vector_load %arg4[%get3A_215] {strides = array<i32>} : memref<512xi32, #tpu.memory_space<vmem>>, vector<16xi32>,
    %sub3A_217 = arith.constant 504 : i32
    %sub3A_218 = vector.broadcast %sub3A_217 : i32 to vector<16xi32>
    %sub3A_219 = arith.subi %get3A_216, %sub3A_218 : vector<16xi32>
    %ge3A_220 = arith.constant 0 : i32
    %ge3A_221 = vector.broadcast %ge3A_220 : i32 to vector<16xi32>
    %ge3A_222 = arith.cmpi sge, %sub3A_219, %ge3A_221 : vector<16xi32>
    %lt3A_223 = arith.constant 496 : i32
    %lt3A_224 = vector.broadcast %lt3A_223 : i32 to vector<16xi32>
    %lt3A_225 = arith.cmpi slt, %sub3A_219, %lt3A_224 : vector<16xi32>
    %and3A_226 = arith.andi %ge3A_222, %lt3A_225 : vector<16xi1>
    tpu.vector_store_idx %arg6[%sub3A_219, %add3A_214], %broadcast_in_dim3A_16 masked %and3A_226 : memref<504x128xf32, #tpu.memory_space<vmem>>[vector<16xi32>, vector<16xi32>], vector<16xf32>, vector<16xi1>
    %add3A_227 = arith.constant 80 : i32
    %add3A_228 = vector.broadcast %add3A_227 : i32 to vector<16xi32>
    %add3A_229 = arith.addi %iota3A, %add3A_228 : vector<16xi32>
    %get3A_230 = arith.constant 80 : index
    %get3A_231 = tpu.vector_load %arg4[%get3A_230] {strides = array<i32>} : memref<512xi32, #tpu.memory_space<vmem>>, vector<16xi32>,
    %sub3A_232 = arith.constant 504 : i32
    %sub3A_233 = vector.broadcast %sub3A_232 : i32 to vector<16xi32>
    %sub3A_234 = arith.subi %get3A_231, %sub3A_233 : vector<16xi32>
    %ge3A_235 = arith.constant 0 : i32
    %ge3A_236 = vector.broadcast %ge3A_235 : i32 to vector<16xi32>
    %ge3A_237 = arith.cmpi sge, %sub3A_234, %ge3A_236 : vector<16xi32>
    %lt3A_238 = arith.constant 496 : i32
    %lt3A_239 = vector.broadcast %lt3A_238 : i32 to vector<16xi32>
    %lt3A_240 = arith.cmpi slt, %sub3A_234, %lt3A_239 : vector<16xi32>
    %and3A_241 = arith.andi %ge3A_237, %lt3A_240 : vector<16xi1>
    tpu.vector_store_idx %arg6[%sub3A_234, %add3A_229], %broadcast_in_dim3A_16 masked %and3A_241 : memref<504x128xf32, #tpu.memory_space<vmem>>[vector<16xi32>, vector<16xi32>], vector<16xf32>, vector<16xi1>
    %add3A_242 = arith.constant 96 : i32
    %add3A_243 = vector.broadcast %add3A_242 : i32 to vector<16xi32>
    %add3A_244 = arith.addi %iota3A, %add3A_243 : vector<16xi32>
    %get3A_245 = arith.constant 96 : index
    %get3A_246 = tpu.vector_load %arg4[%get3A_245] {strides = array<i32>} : memref<512xi32, #tpu.memory_space<vmem>>, vector<16xi32>,
    %sub3A_247 = arith.constant 504 : i32
    %sub3A_248 = vector.broadcast %sub3A_247 : i32 to vector<16xi32>
    %sub3A_249 = arith.subi %get3A_246, %sub3A_248 : vector<16xi32>
    %ge3A_250 = arith.constant 0 : i32
    %ge3A_251 = vector.broadcast %ge3A_250 : i32 to vector<16xi32>
    %ge3A_252 = arith.cmpi sge, %sub3A_249, %ge3A_251 : vector<16xi32>
    %lt3A_253 = arith.constant 496 : i32
    %lt3A_254 = vector.broadcast %lt3A_253 : i32 to vector<16xi32>
    %lt3A_255 = arith.cmpi slt, %sub3A_249, %lt3A_254 : vector<16xi32>
    %and3A_256 = arith.andi %ge3A_252, %lt3A_255 : vector<16xi1>
    tpu.vector_store_idx %arg6[%sub3A_249, %add3A_244], %broadcast_in_dim3A_16 masked %and3A_256 : memref<504x128xf32, #tpu.memory_space<vmem>>[vector<16xi32>, vector<16xi32>], vector<16xf32>, vector<16xi1>
    %add3A_257 = arith.constant 112 : i32
    %add3A_258 = vector.broadcast %add3A_257 : i32 to vector<16xi32>
    %add3A_259 = arith.addi %iota3A, %add3A_258 : vector<16xi32>
    %get3A_260 = arith.constant 112 : index
    %get3A_261 = tpu.vector_load %arg4[%get3A_260] {strides = array<i32>} : memref<512xi32, #tpu.memory_space<vmem>>, vector<16xi32>,
    %sub3A_262 = arith.constant 504 : i32
    %sub3A_263 = vector.broadcast %sub3A_262 : i32 to vector<16xi32>
    %sub3A_264 = arith.subi %get3A_261, %sub3A_263 : vector<16xi32>
    %ge3A_265 = arith.constant 0 : i32
    %ge3A_266 = vector.broadcast %ge3A_265 : i32 to vector<16xi32>
    %ge3A_267 = arith.cmpi sge, %sub3A_264, %ge3A_266 : vector<16xi32>
    %lt3A_268 = arith.constant 496 : i32
    %lt3A_269 = vector.broadcast %lt3A_268 : i32 to vector<16xi32>
    %lt3A_270 = arith.cmpi slt, %sub3A_264, %lt3A_269 : vector<16xi32>
    %and3A_271 = arith.andi %ge3A_267, %lt3A_270 : vector<16xi1>
    tpu.vector_store_idx %arg6[%sub3A_264, %add3A_259], %broadcast_in_dim3A_16 masked %and3A_271 : memref<504x128xf32, #tpu.memory_space<vmem>>[vector<16xi32>, vector<16xi32>], vector<16xf32>, vector<16xi1>
    %add3A_272 = arith.constant 0 : i32
    %add3A_273 = arith.addi %mul3A_2, %add3A_272 : i32
    %dma_start3A_274 = arith.constant 0 : i32
    %dma_start3A_275 = arith.constant 0 : i32
    %dma_start3A_276 = tpu.memref_slice %arg6[%dma_start3A_274, %dma_start3A_275] : memref<504x128xf32, #tpu.memory_space<vmem>> -> memref<496x128xf32, #tpu.memory_space<vmem>>
    %dma_start3A_277 = arith.constant 504 : i32
    %dma_start3A_278 = tpu.memref_slice %arg3[%dma_start3A_277, %add3A_273] : memref<1000x16384xf32, #tpu.memory_space<hbm>> -> memref<496x128xf32, #tpu.memory_space<hbm>>
    %dma_start3A_279 = arith.constant 504 : i32
    %dma_start3A_280 = tpu.memref_slice %arg3[%dma_start3A_279, %add3A_273] : memref<1000x16384xf32, #tpu.memory_space<hbm>> -> memref<496x128xf32, #tpu.memory_space<hbm>>
    %dma_start3A_281 = arith.constant 0 : i32
    %dma_start3A_282 = arith.constant 0 : i32
    %dma_start3A_283 = tpu.memref_slice %arg6[%dma_start3A_281, %dma_start3A_282] : memref<504x128xf32, #tpu.memory_space<vmem>> -> memref<496x128xf32, #tpu.memory_space<vmem>>
    tpu.enqueue_dma source(%dma_start3A_283 : memref<496x128xf32, #tpu.memory_space<vmem>>) target(%dma_start3A_280 : memref<496x128xf32, #tpu.memory_space<hbm>>) target_semaphore(%arg8 : memref<!tpu.dma_semaphore, #tpu.memory_space<semaphore_mem>>)
    %dma_wait3A_284 = arith.constant 0 : i32
    %dma_wait3A_285 = arith.constant 0 : i32
    %dma_wait3A_286 = tpu.memref_slice %arg5[%dma_wait3A_284, %dma_wait3A_285] : memref<504x128xf32, #tpu.memory_space<vmem>> -> memref<504x128xf32, #tpu.memory_space<vmem>>
    %dma_wait3A_287 = arith.constant 0 : i32
    %dma_wait3A_288 = tpu.memref_slice %arg3[%dma_wait3A_287, %add3A_135] : memref<1000x16384xf32, #tpu.memory_space<hbm>> -> memref<504x128xf32, #tpu.memory_space<hbm>>
    %dma_wait3A_289 = arith.constant 0 : i32
    %dma_wait3A_290 = tpu.memref_slice %arg3[%dma_wait3A_289, %add3A_135] : memref<1000x16384xf32, #tpu.memory_space<hbm>> -> memref<504x128xf32, #tpu.memory_space<hbm>>
    %dma_wait3A_291 = arith.constant 0 : i32
    %dma_wait3A_292 = arith.constant 0 : i32
    %dma_wait3A_293 = tpu.memref_slice %arg5[%dma_wait3A_291, %dma_wait3A_292] : memref<504x128xf32, #tpu.memory_space<vmem>> -> memref<504x128xf32, #tpu.memory_space<vmem>>
    tpu.wait_dma2 semaphore(%arg7 : memref<!tpu.dma_semaphore, #tpu.memory_space<semaphore_mem>>) src(%dma_wait3A_293 : memref<504x128xf32, #tpu.memory_space<vmem>>) dst(%dma_wait3A_290 : memref<504x128xf32, #tpu.memory_space<hbm>>)
    %add3A_294 = arith.constant 0 : i32
    %add3A_295 = vector.broadcast %add3A_294 : i32 to vector<16xi32>
    %add3A_296 = arith.addi %iota3A, %add3A_295 : vector<16xi32>
    %get3A_297 = arith.constant 0 : index
    %get3A_298 = tpu.vector_load %arg4[%get3A_297] {strides = array<i32>} : memref<512xi32, #tpu.memory_space<vmem>>, vector<16xi32>,
    %sub3A_299 = arith.constant 0 : i32
    %sub3A_300 = vector.broadcast %sub3A_299 : i32 to vector<16xi32>
    %sub3A_301 = arith.subi %get3A_298, %sub3A_300 : vector<16xi32>
    %ge3A_302 = arith.constant 0 : i32
    %ge3A_303 = vector.broadcast %ge3A_302 : i32 to vector<16xi32>
    %ge3A_304 = arith.cmpi sge, %sub3A_301, %ge3A_303 : vector<16xi32>
    %lt3A_305 = arith.constant 504 : i32
    %lt3A_306 = vector.broadcast %lt3A_305 : i32 to vector<16xi32>
    %lt3A_307 = arith.cmpi slt, %sub3A_301, %lt3A_306 : vector<16xi32>
    %and3A_308 = arith.andi %ge3A_304, %lt3A_307 : vector<16xi1>
    tpu.vector_store_idx %arg5[%sub3A_301, %add3A_296], %broadcast_in_dim3A_18 masked %and3A_308 : memref<504x128xf32, #tpu.memory_space<vmem>>[vector<16xi32>, vector<16xi32>], vector<16xf32>, vector<16xi1>
    %add3A_309 = arith.constant 16 : i32
    %add3A_310 = vector.broadcast %add3A_309 : i32 to vector<16xi32>
    %add3A_311 = arith.addi %iota3A, %add3A_310 : vector<16xi32>
    %get3A_312 = arith.constant 16 : index
    %get3A_313 = tpu.vector_load %arg4[%get3A_312] {strides = array<i32>} : memref<512xi32, #tpu.memory_space<vmem>>, vector<16xi32>,
    %sub3A_314 = arith.constant 0 : i32
    %sub3A_315 = vector.broadcast %sub3A_314 : i32 to vector<16xi32>
    %sub3A_316 = arith.subi %get3A_313, %sub3A_315 : vector<16xi32>
    %ge3A_317 = arith.constant 0 : i32
    %ge3A_318 = vector.broadcast %ge3A_317 : i32 to vector<16xi32>
    %ge3A_319 = arith.cmpi sge, %sub3A_316, %ge3A_318 : vector<16xi32>
    %lt3A_320 = arith.constant 504 : i32
    %lt3A_321 = vector.broadcast %lt3A_320 : i32 to vector<16xi32>
    %lt3A_322 = arith.cmpi slt, %sub3A_316, %lt3A_321 : vector<16xi32>
    %and3A_323 = arith.andi %ge3A_319, %lt3A_322 : vector<16xi1>
    tpu.vector_store_idx %arg5[%sub3A_316, %add3A_311], %broadcast_in_dim3A_18 masked %and3A_323 : memref<504x128xf32, #tpu.memory_space<vmem>>[vector<16xi32>, vector<16xi32>], vector<16xf32>, vector<16xi1>
    %add3A_324 = arith.constant 32 : i32
    %add3A_325 = vector.broadcast %add3A_324 : i32 to vector<16xi32>
    %add3A_326 = arith.addi %iota3A, %add3A_325 : vector<16xi32>
    %get3A_327 = arith.constant 32 : index
    %get3A_328 = tpu.vector_load %arg4[%get3A_327] {strides = array<i32>} : memref<512xi32, #tpu.memory_space<vmem>>, vector<16xi32>,
    %sub3A_329 = arith.constant 0 : i32
    %sub3A_330 = vector.broadcast %sub3A_329 : i32 to vector<16xi32>
    %sub3A_331 = arith.subi %get3A_328, %sub3A_330 : vector<16xi32>
    %ge3A_332 = arith.constant 0 : i32
    %ge3A_333 = vector.broadcast %ge3A_332 : i32 to vector<16xi32>
    %ge3A_334 = arith.cmpi sge, %sub3A_331, %ge3A_333 : vector<16xi32>
    %lt3A_335 = arith.constant 504 : i32
    %lt3A_336 = vector.broadcast %lt3A_335 : i32 to vector<16xi32>
    %lt3A_337 = arith.cmpi slt, %sub3A_331, %lt3A_336 : vector<16xi32>
    %and3A_338 = arith.andi %ge3A_334, %lt3A_337 : vector<16xi1>
    tpu.vector_store_idx %arg5[%sub3A_331, %add3A_326], %broadcast_in_dim3A_18 masked %and3A_338 : memref<504x128xf32, #tpu.memory_space<vmem>>[vector<16xi32>, vector<16xi32>], vector<16xf32>, vector<16xi1>
    %add3A_339 = arith.constant 48 : i32
    %add3A_340 = vector.broadcast %add3A_339 : i32 to vector<16xi32>
    %add3A_341 = arith.addi %iota3A, %add3A_340 : vector<16xi32>
    %get3A_342 = arith.constant 48 : index
    %get3A_343 = tpu.vector_load %arg4[%get3A_342] {strides = array<i32>} : memref<512xi32, #tpu.memory_space<vmem>>, vector<16xi32>,
    %sub3A_344 = arith.constant 0 : i32
    %sub3A_345 = vector.broadcast %sub3A_344 : i32 to vector<16xi32>
    %sub3A_346 = arith.subi %get3A_343, %sub3A_345 : vector<16xi32>
    %ge3A_347 = arith.constant 0 : i32
    %ge3A_348 = vector.broadcast %ge3A_347 : i32 to vector<16xi32>
    %ge3A_349 = arith.cmpi sge, %sub3A_346, %ge3A_348 : vector<16xi32>
    %lt3A_350 = arith.constant 504 : i32
    %lt3A_351 = vector.broadcast %lt3A_350 : i32 to vector<16xi32>
    %lt3A_352 = arith.cmpi slt, %sub3A_346, %lt3A_351 : vector<16xi32>
    %and3A_353 = arith.andi %ge3A_349, %lt3A_352 : vector<16xi1>
    tpu.vector_store_idx %arg5[%sub3A_346, %add3A_341], %broadcast_in_dim3A_18 masked %and3A_353 : memref<504x128xf32, #tpu.memory_space<vmem>>[vector<16xi32>, vector<16xi32>], vector<16xf32>, vector<16xi1>
    %add3A_354 = arith.constant 64 : i32
    %add3A_355 = vector.broadcast %add3A_354 : i32 to vector<16xi32>
    %add3A_356 = arith.addi %iota3A, %add3A_355 : vector<16xi32>
    %get3A_357 = arith.constant 64 : index
    %get3A_358 = tpu.vector_load %arg4[%get3A_357] {strides = array<i32>} : memref<512xi32, #tpu.memory_space<vmem>>, vector<16xi32>,
    %sub3A_359 = arith.constant 0 : i32
    %sub3A_360 = vector.broadcast %sub3A_359 : i32 to vector<16xi32>
    %sub3A_361 = arith.subi %get3A_358, %sub3A_360 : vector<16xi32>
    %ge3A_362 = arith.constant 0 : i32
    %ge3A_363 = vector.broadcast %ge3A_362 : i32 to vector<16xi32>
    %ge3A_364 = arith.cmpi sge, %sub3A_361, %ge3A_363 : vector<16xi32>
    %lt3A_365 = arith.constant 504 : i32
    %lt3A_366 = vector.broadcast %lt3A_365 : i32 to vector<16xi32>
    %lt3A_367 = arith.cmpi slt, %sub3A_361, %lt3A_366 : vector<16xi32>
    %and3A_368 = arith.andi %ge3A_364, %lt3A_367 : vector<16xi1>
    tpu.vector_store_idx %arg5[%sub3A_361, %add3A_356], %broadcast_in_dim3A_18 masked %and3A_368 : memref<504x128xf32, #tpu.memory_space<vmem>>[vector<16xi32>, vector<16xi32>], vector<16xf32>, vector<16xi1>
    %add3A_369 = arith.constant 80 : i32
    %add3A_370 = vector.broadcast %add3A_369 : i32 to vector<16xi32>
    %add3A_371 = arith.addi %iota3A, %add3A_370 : vector<16xi32>
    %get3A_372 = arith.constant 80 : index
    %get3A_373 = tpu.vector_load %arg4[%get3A_372] {strides = array<i32>} : memref<512xi32, #tpu.memory_space<vmem>>, vector<16xi32>,
    %sub3A_374 = arith.constant 0 : i32
    %sub3A_375 = vector.broadcast %sub3A_374 : i32 to vector<16xi32>
    %sub3A_376 = arith.subi %get3A_373, %sub3A_375 : vector<16xi32>
    %ge3A_377 = arith.constant 0 : i32
    %ge3A_378 = vector.broadcast %ge3A_377 : i32 to vector<16xi32>
    %ge3A_379 = arith.cmpi sge, %sub3A_376, %ge3A_378 : vector<16xi32>
    %lt3A_380 = arith.constant 504 : i32
    %lt3A_381 = vector.broadcast %lt3A_380 : i32 to vector<16xi32>
    %lt3A_382 = arith.cmpi slt, %sub3A_376, %lt3A_381 : vector<16xi32>
    %and3A_383 = arith.andi %ge3A_379, %lt3A_382 : vector<16xi1>
    tpu.vector_store_idx %arg5[%sub3A_376, %add3A_371], %broadcast_in_dim3A_18 masked %and3A_383 : memref<504x128xf32, #tpu.memory_space<vmem>>[vector<16xi32>, vector<16xi32>], vector<16xf32>, vector<16xi1>
    %add3A_384 = arith.constant 96 : i32
    %add3A_385 = vector.broadcast %add3A_384 : i32 to vector<16xi32>
    %add3A_386 = arith.addi %iota3A, %add3A_385 : vector<16xi32>
    %get3A_387 = arith.constant 96 : index
    %get3A_388 = tpu.vector_load %arg4[%get3A_387] {strides = array<i32>} : memref<512xi32, #tpu.memory_space<vmem>>, vector<16xi32>,
    %sub3A_389 = arith.constant 0 : i32
    %sub3A_390 = vector.broadcast %sub3A_389 : i32 to vector<16xi32>
    %sub3A_391 = arith.subi %get3A_388, %sub3A_390 : vector<16xi32>
    %ge3A_392 = arith.constant 0 : i32
    %ge3A_393 = vector.broadcast %ge3A_392 : i32 to vector<16xi32>
    %ge3A_394 = arith.cmpi sge, %sub3A_391, %ge3A_393 : vector<16xi32>
    %lt3A_395 = arith.constant 504 : i32
    %lt3A_396 = vector.broadcast %lt3A_395 : i32 to vector<16xi32>
    %lt3A_397 = arith.cmpi slt, %sub3A_391, %lt3A_396 : vector<16xi32>
    %and3A_398 = arith.andi %ge3A_394, %lt3A_397 : vector<16xi1>
    tpu.vector_store_idx %arg5[%sub3A_391, %add3A_386], %broadcast_in_dim3A_18 masked %and3A_398 : memref<504x128xf32, #tpu.memory_space<vmem>>[vector<16xi32>, vector<16xi32>], vector<16xf32>, vector<16xi1>
    %add3A_399 = arith.constant 112 : i32
    %add3A_400 = vector.broadcast %add3A_399 : i32 to vector<16xi32>
    %add3A_401 = arith.addi %iota3A, %add3A_400 : vector<16xi32>
    %get3A_402 = arith.constant 112 : index
    %get3A_403 = tpu.vector_load %arg4[%get3A_402] {strides = array<i32>} : memref<512xi32, #tpu.memory_space<vmem>>, vector<16xi32>,
    %sub3A_404 = arith.constant 0 : i32
    %sub3A_405 = vector.broadcast %sub3A_404 : i32 to vector<16xi32>
    %sub3A_406 = arith.subi %get3A_403, %sub3A_405 : vector<16xi32>
    %ge3A_407 = arith.constant 0 : i32
    %ge3A_408 = vector.broadcast %ge3A_407 : i32 to vector<16xi32>
    %ge3A_409 = arith.cmpi sge, %sub3A_406, %ge3A_408 : vector<16xi32>
    %lt3A_410 = arith.constant 504 : i32
    %lt3A_411 = vector.broadcast %lt3A_410 : i32 to vector<16xi32>
    %lt3A_412 = arith.cmpi slt, %sub3A_406, %lt3A_411 : vector<16xi32>
    %and3A_413 = arith.andi %ge3A_409, %lt3A_412 : vector<16xi1>
    tpu.vector_store_idx %arg5[%sub3A_406, %add3A_401], %broadcast_in_dim3A_18 masked %and3A_413 : memref<504x128xf32, #tpu.memory_space<vmem>>[vector<16xi32>, vector<16xi32>], vector<16xf32>, vector<16xi1>
    %add3A_414 = arith.constant 0 : i32
    %add3A_415 = vector.broadcast %add3A_414 : i32 to vector<16xi32>
    %add3A_416 = arith.addi %iota3A, %add3A_415 : vector<16xi32>
    %get3A_417 = arith.constant 128 : index
    %get3A_418 = tpu.vector_load %arg4[%get3A_417] {strides = array<i32>} : memref<512xi32, #tpu.memory_space<vmem>>, vector<16xi32>,
    %sub3A_419 = arith.constant 0 : i32
    %sub3A_420 = vector.broadcast %sub3A_419 : i32 to vector<16xi32>
    %sub3A_421 = arith.subi %get3A_418, %sub3A_420 : vector<16xi32>
    %ge3A_422 = arith.constant 0 : i32
    %ge3A_423 = vector.broadcast %ge3A_422 : i32 to vector<16xi32>
    %ge3A_424 = arith.cmpi sge, %sub3A_421, %ge3A_423 : vector<16xi32>
    %lt3A_425 = arith.constant 504 : i32
    %lt3A_426 = vector.broadcast %lt3A_425 : i32 to vector<16xi32>
    %lt3A_427 = arith.cmpi slt, %sub3A_421, %lt3A_426 : vector<16xi32>
    %and3A_428 = arith.andi %ge3A_424, %lt3A_427 : vector<16xi1>
    tpu.vector_store_idx %arg5[%sub3A_421, %add3A_416], %broadcast_in_dim3A_16 masked %and3A_428 : memref<504x128xf32, #tpu.memory_space<vmem>>[vector<16xi32>, vector<16xi32>], vector<16xf32>, vector<16xi1>
    %add3A_429 = arith.constant 16 : i32
    %add3A_430 = vector.broadcast %add3A_429 : i32 to vector<16xi32>
    %add3A_431 = arith.addi %iota3A, %add3A_430 : vector<16xi32>
    %get3A_432 = arith.constant 144 : index
    %get3A_433 = tpu.vector_load %arg4[%get3A_432] {strides = array<i32>} : memref<512xi32, #tpu.memory_space<vmem>>, vector<16xi32>,
    %sub3A_434 = arith.constant 0 : i32
    %sub3A_435 = vector.broadcast %sub3A_434 : i32 to vector<16xi32>
    %sub3A_436 = arith.subi %get3A_433, %sub3A_435 : vector<16xi32>
    %ge3A_437 = arith.constant 0 : i32
    %ge3A_438 = vector.broadcast %ge3A_437 : i32 to vector<16xi32>
    %ge3A_439 = arith.cmpi sge, %sub3A_436, %ge3A_438 : vector<16xi32>
    %lt3A_440 = arith.constant 504 : i32
    %lt3A_441 = vector.broadcast %lt3A_440 : i32 to vector<16xi32>
    %lt3A_442 = arith.cmpi slt, %sub3A_436, %lt3A_441 : vector<16xi32>
    %and3A_443 = arith.andi %ge3A_439, %lt3A_442 : vector<16xi1>
    tpu.vector_store_idx %arg5[%sub3A_436, %add3A_431], %broadcast_in_dim3A_16 masked %and3A_443 : memref<504x128xf32, #tpu.memory_space<vmem>>[vector<16xi32>, vector<16xi32>], vector<16xf32>, vector<16xi1>
    %add3A_444 = arith.constant 32 : i32
    %add3A_445 = vector.broadcast %add3A_444 : i32 to vector<16xi32>
    %add3A_446 = arith.addi %iota3A, %add3A_445 : vector<16xi32>
    %get3A_447 = arith.constant 160 : index
    %get3A_448 = tpu.vector_load %arg4[%get3A_447] {strides = array<i32>} : memref<512xi32, #tpu.memory_space<vmem>>, vector<16xi32>,
    %sub3A_449 = arith.constant 0 : i32
    %sub3A_450 = vector.broadcast %sub3A_449 : i32 to vector<16xi32>
    %sub3A_451 = arith.subi %get3A_448, %sub3A_450 : vector<16xi32>
    %ge3A_452 = arith.constant 0 : i32
    %ge3A_453 = vector.broadcast %ge3A_452 : i32 to vector<16xi32>
    %ge3A_454 = arith.cmpi sge, %sub3A_451, %ge3A_453 : vector<16xi32>
    %lt3A_455 = arith.constant 504 : i32
    %lt3A_456 = vector.broadcast %lt3A_455 : i32 to vector<16xi32>
    %lt3A_457 = arith.cmpi slt, %sub3A_451, %lt3A_456 : vector<16xi32>
    %and3A_458 = arith.andi %ge3A_454, %lt3A_457 : vector<16xi1>
    tpu.vector_store_idx %arg5[%sub3A_451, %add3A_446], %broadcast_in_dim3A_16 masked %and3A_458 : memref<504x128xf32, #tpu.memory_space<vmem>>[vector<16xi32>, vector<16xi32>], vector<16xf32>, vector<16xi1>
    %add3A_459 = arith.constant 48 : i32
    %add3A_460 = vector.broadcast %add3A_459 : i32 to vector<16xi32>
    %add3A_461 = arith.addi %iota3A, %add3A_460 : vector<16xi32>
    %get3A_462 = arith.constant 176 : index
    %get3A_463 = tpu.vector_load %arg4[%get3A_462] {strides = array<i32>} : memref<512xi32, #tpu.memory_space<vmem>>, vector<16xi32>,
    %sub3A_464 = arith.constant 0 : i32
    %sub3A_465 = vector.broadcast %sub3A_464 : i32 to vector<16xi32>
    %sub3A_466 = arith.subi %get3A_463, %sub3A_465 : vector<16xi32>
    %ge3A_467 = arith.constant 0 : i32
    %ge3A_468 = vector.broadcast %ge3A_467 : i32 to vector<16xi32>
    %ge3A_469 = arith.cmpi sge, %sub3A_466, %ge3A_468 : vector<16xi32>
    %lt3A_470 = arith.constant 504 : i32
    %lt3A_471 = vector.broadcast %lt3A_470 : i32 to vector<16xi32>
    %lt3A_472 = arith.cmpi slt, %sub3A_466, %lt3A_471 : vector<16xi32>
    %and3A_473 = arith.andi %ge3A_469, %lt3A_472 : vector<16xi1>
    tpu.vector_store_idx %arg5[%sub3A_466, %add3A_461], %broadcast_in_dim3A_16 masked %and3A_473 : memref<504x128xf32, #tpu.memory_space<vmem>>[vector<16xi32>, vector<16xi32>], vector<16xf32>, vector<16xi1>
    %add3A_474 = arith.constant 64 : i32
    %add3A_475 = vector.broadcast %add3A_474 : i32 to vector<16xi32>
    %add3A_476 = arith.addi %iota3A, %add3A_475 : vector<16xi32>
    %get3A_477 = arith.constant 192 : index
    %get3A_478 = tpu.vector_load %arg4[%get3A_477] {strides = array<i32>} : memref<512xi32, #tpu.memory_space<vmem>>, vector<16xi32>,
    %sub3A_479 = arith.constant 0 : i32
    %sub3A_480 = vector.broadcast %sub3A_479 : i32 to vector<16xi32>
    %sub3A_481 = arith.subi %get3A_478, %sub3A_480 : vector<16xi32>
    %ge3A_482 = arith.constant 0 : i32
    %ge3A_483 = vector.broadcast %ge3A_482 : i32 to vector<16xi32>
    %ge3A_484 = arith.cmpi sge, %sub3A_481, %ge3A_483 : vector<16xi32>
    %lt3A_485 = arith.constant 504 : i32
    %lt3A_486 = vector.broadcast %lt3A_485 : i32 to vector<16xi32>
    %lt3A_487 = arith.cmpi slt, %sub3A_481, %lt3A_486 : vector<16xi32>
    %and3A_488 = arith.andi %ge3A_484, %lt3A_487 : vector<16xi1>
    tpu.vector_store_idx %arg5[%sub3A_481, %add3A_476], %broadcast_in_dim3A_16 masked %and3A_488 : memref<504x128xf32, #tpu.memory_space<vmem>>[vector<16xi32>, vector<16xi32>], vector<16xf32>, vector<16xi1>
    %add3A_489 = arith.constant 80 : i32
    %add3A_490 = vector.broadcast %add3A_489 : i32 to vector<16xi32>
    %add3A_491 = arith.addi %iota3A, %add3A_490 : vector<16xi32>
    %get3A_492 = arith.constant 208 : index
    %get3A_493 = tpu.vector_load %arg4[%get3A_492] {strides = array<i32>} : memref<512xi32, #tpu.memory_space<vmem>>, vector<16xi32>,
    %sub3A_494 = arith.constant 0 : i32
    %sub3A_495 = vector.broadcast %sub3A_494 : i32 to vector<16xi32>
    %sub3A_496 = arith.subi %get3A_493, %sub3A_495 : vector<16xi32>
    %ge3A_497 = arith.constant 0 : i32
    %ge3A_498 = vector.broadcast %ge3A_497 : i32 to vector<16xi32>
    %ge3A_499 = arith.cmpi sge, %sub3A_496, %ge3A_498 : vector<16xi32>
    %lt3A_500 = arith.constant 504 : i32
    %lt3A_501 = vector.broadcast %lt3A_500 : i32 to vector<16xi32>
    %lt3A_502 = arith.cmpi slt, %sub3A_496, %lt3A_501 : vector<16xi32>
    %and3A_503 = arith.andi %ge3A_499, %lt3A_502 : vector<16xi1>
    tpu.vector_store_idx %arg5[%sub3A_496, %add3A_491], %broadcast_in_dim3A_16 masked %and3A_503 : memref<504x128xf32, #tpu.memory_space<vmem>>[vector<16xi32>, vector<16xi32>], vector<16xf32>, vector<16xi1>
    %add3A_504 = arith.constant 96 : i32
    %add3A_505 = vector.broadcast %add3A_504 : i32 to vector<16xi32>
    %add3A_506 = arith.addi %iota3A, %add3A_505 : vector<16xi32>
    %get3A_507 = arith.constant 224 : index
    %get3A_508 = tpu.vector_load %arg4[%get3A_507] {strides = array<i32>} : memref<512xi32, #tpu.memory_space<vmem>>, vector<16xi32>,
    %sub3A_509 = arith.constant 0 : i32
    %sub3A_510 = vector.broadcast %sub3A_509 : i32 to vector<16xi32>
    %sub3A_511 = arith.subi %get3A_508, %sub3A_510 : vector<16xi32>
    %ge3A_512 = arith.constant 0 : i32
    %ge3A_513 = vector.broadcast %ge3A_512 : i32 to vector<16xi32>
    %ge3A_514 = arith.cmpi sge, %sub3A_511, %ge3A_513 : vector<16xi32>
    %lt3A_515 = arith.constant 504 : i32
    %lt3A_516 = vector.broadcast %lt3A_515 : i32 to vector<16xi32>
    %lt3A_517 = arith.cmpi slt, %sub3A_511, %lt3A_516 : vector<16xi32>
    %and3A_518 = arith.andi %ge3A_514, %lt3A_517 : vector<16xi1>
    tpu.vector_store_idx %arg5[%sub3A_511, %add3A_506], %broadcast_in_dim3A_16 masked %and3A_518 : memref<504x128xf32, #tpu.memory_space<vmem>>[vector<16xi32>, vector<16xi32>], vector<16xf32>, vector<16xi1>
    %add3A_519 = arith.constant 112 : i32
    %add3A_520 = vector.broadcast %add3A_519 : i32 to vector<16xi32>
    %add3A_521 = arith.addi %iota3A, %add3A_520 : vector<16xi32>
    %get3A_522 = arith.constant 240 : index
    %get3A_523 = tpu.vector_load %arg4[%get3A_522] {strides = array<i32>} : memref<512xi32, #tpu.memory_space<vmem>>, vector<16xi32>,
    %sub3A_524 = arith.constant 0 : i32
    %sub3A_525 = vector.broadcast %sub3A_524 : i32 to vector<16xi32>
    %sub3A_526 = arith.subi %get3A_523, %sub3A_525 : vector<16xi32>
    %ge3A_527 = arith.constant 0 : i32
    %ge3A_528 = vector.broadcast %ge3A_527 : i32 to vector<16xi32>
    %ge3A_529 = arith.cmpi sge, %sub3A_526, %ge3A_528 : vector<16xi32>
    %lt3A_530 = arith.constant 504 : i32
    %lt3A_531 = vector.broadcast %lt3A_530 : i32 to vector<16xi32>
    %lt3A_532 = arith.cmpi slt, %sub3A_526, %lt3A_531 : vector<16xi32>
    %and3A_533 = arith.andi %ge3A_529, %lt3A_532 : vector<16xi1>
    tpu.vector_store_idx %arg5[%sub3A_526, %add3A_521], %broadcast_in_dim3A_16 masked %and3A_533 : memref<504x128xf32, #tpu.memory_space<vmem>>[vector<16xi32>, vector<16xi32>], vector<16xf32>, vector<16xi1>
    %add3A_534 = arith.constant 128 : i32
    %add3A_535 = arith.addi %mul3A_2, %add3A_534 : i32
    %dma_start3A_536 = arith.constant 0 : i32
    %dma_start3A_537 = arith.constant 0 : i32
    %dma_start3A_538 = tpu.memref_slice %arg5[%dma_start3A_536, %dma_start3A_537] : memref<504x128xf32, #tpu.memory_space<vmem>> -> memref<504x128xf32, #tpu.memory_space<vmem>>
    %dma_start3A_539 = arith.constant 0 : i32
    %dma_start3A_540 = tpu.memref_slice %arg3[%dma_start3A_539, %add3A_535] : memref<1000x16384xf32, #tpu.memory_space<hbm>> -> memref<504x128xf32, #tpu.memory_space<hbm>>
    %dma_start3A_541 = arith.constant 0 : i32
    %dma_start3A_542 = tpu.memref_slice %arg3[%dma_start3A_541, %add3A_535] : memref<1000x16384xf32, #tpu.memory_space<hbm>> -> memref<504x128xf32, #tpu.memory_space<hbm>>
    %dma_start3A_543 = arith.constant 0 : i32
    %dma_start3A_544 = arith.constant 0 : i32
    %dma_start3A_545 = tpu.memref_slice %arg5[%dma_start3A_543, %dma_start3A_544] : memref<504x128xf32, #tpu.memory_space<vmem>> -> memref<504x128xf32, #tpu.memory_space<vmem>>
    tpu.enqueue_dma source(%dma_start3A_545 : memref<504x128xf32, #tpu.memory_space<vmem>>) target(%dma_start3A_542 : memref<504x128xf32, #tpu.memory_space<hbm>>) target_semaphore(%arg7 : memref<!tpu.dma_semaphore, #tpu.memory_space<semaphore_mem>>)
    %dma_wait3A_546 = arith.constant 0 : i32
    %dma_wait3A_547 = arith.constant 0 : i32
    %dma_wait3A_548 = tpu.memref_slice %arg6[%dma_wait3A_546, %dma_wait3A_547] : memref<504x128xf32, #tpu.memory_space<vmem>> -> memref<496x128xf32, #tpu.memory_space<vmem>>
    %dma_wait3A_549 = arith.constant 504 : i32
    %dma_wait3A_550 = tpu.memref_slice %arg3[%dma_wait3A_549, %add3A_273] : memref<1000x16384xf32, #tpu.memory_space<hbm>> -> memref<496x128xf32, #tpu.memory_space<hbm>>
    %dma_wait3A_551 = arith.constant 504 : i32
    %dma_wait3A_552 = tpu.memref_slice %arg3[%dma_wait3A_551, %add3A_273] : memref<1000x16384xf32, #tpu.memory_space<hbm>> -> memref<496x128xf32, #tpu.memory_space<hbm>>
    %dma_wait3A_553 = arith.constant 0 : i32
    %dma_wait3A_554 = arith.constant 0 : i32
    %dma_wait3A_555 = tpu.memref_slice %arg6[%dma_wait3A_553, %dma_wait3A_554] : memref<504x128xf32, #tpu.memory_space<vmem>> -> memref<496x128xf32, #tpu.memory_space<vmem>>
    tpu.wait_dma2 semaphore(%arg8 : memref<!tpu.dma_semaphore, #tpu.memory_space<semaphore_mem>>) src(%dma_wait3A_555 : memref<496x128xf32, #tpu.memory_space<vmem>>) dst(%dma_wait3A_552 : memref<496x128xf32, #tpu.memory_space<hbm>>)
    %add3A_556 = arith.constant 0 : i32
    %add3A_557 = vector.broadcast %add3A_556 : i32 to vector<16xi32>
    %add3A_558 = arith.addi %iota3A, %add3A_557 : vector<16xi32>
    %get3A_559 = arith.constant 0 : index
    %get3A_560 = tpu.vector_load %arg4[%get3A_559] {strides = array<i32>} : memref<512xi32, #tpu.memory_space<vmem>>, vector<16xi32>,
    %sub3A_561 = arith.constant 504 : i32
    %sub3A_562 = vector.broadcast %sub3A_561 : i32 to vector<16xi32>
    %sub3A_563 = arith.subi %get3A_560, %sub3A_562 : vector<16xi32>
    %ge3A_564 = arith.constant 0 : i32
    %ge3A_565 = vector.broadcast %ge3A_564 : i32 to vector<16xi32>
    %ge3A_566 = arith.cmpi sge, %sub3A_563, %ge3A_565 : vector<16xi32>
    %lt3A_567 = arith.constant 496 : i32
    %lt3A_568 = vector.broadcast %lt3A_567 : i32 to vector<16xi32>
    %lt3A_569 = arith.cmpi slt, %sub3A_563, %lt3A_568 : vector<16xi32>
    %and3A_570 = arith.andi %ge3A_566, %lt3A_569 : vector<16xi1>
    tpu.vector_store_idx %arg6[%sub3A_563, %add3A_558], %broadcast_in_dim3A_18 masked %and3A_570 : memref<504x128xf32, #tpu.memory_space<vmem>>[vector<16xi32>, vector<16xi32>], vector<16xf32>, vector<16xi1>
    %add3A_571 = arith.constant 16 : i32
    %add3A_572 = vector.broadcast %add3A_571 : i32 to vector<16xi32>
    %add3A_573 = arith.addi %iota3A, %add3A_572 : vector<16xi32>
    %get3A_574 = arith.constant 16 : index
    %get3A_575 = tpu.vector_load %arg4[%get3A_574] {strides = array<i32>} : memref<512xi32, #tpu.memory_space<vmem>>, vector<16xi32>,
    %sub3A_576 = arith.constant 504 : i32
    %sub3A_577 = vector.broadcast %sub3A_576 : i32 to vector<16xi32>
    %sub3A_578 = arith.subi %get3A_575, %sub3A_577 : vector<16xi32>
    %ge3A_579 = arith.constant 0 : i32
    %ge3A_580 = vector.broadcast %ge3A_579 : i32 to vector<16xi32>
    %ge3A_581 = arith.cmpi sge, %sub3A_578, %ge3A_580 : vector<16xi32>
    %lt3A_582 = arith.constant 496 : i32
    %lt3A_583 = vector.broadcast %lt3A_582 : i32 to vector<16xi32>
    %lt3A_584 = arith.cmpi slt, %sub3A_578, %lt3A_583 : vector<16xi32>
    %and3A_585 = arith.andi %ge3A_581, %lt3A_584 : vector<16xi1>
    tpu.vector_store_idx %arg6[%sub3A_578, %add3A_573], %broadcast_in_dim3A_18 masked %and3A_585 : memref<504x128xf32, #tpu.memory_space<vmem>>[vector<16xi32>, vector<16xi32>], vector<16xf32>, vector<16xi1>
    %add3A_586 = arith.constant 32 : i32
    %add3A_587 = vector.broadcast %add3A_586 : i32 to vector<16xi32>
    %add3A_588 = arith.addi %iota3A, %add3A_587 : vector<16xi32>
    %get3A_589 = arith.constant 32 : index
    %get3A_590 = tpu.vector_load %arg4[%get3A_589] {strides = array<i32>} : memref<512xi32, #tpu.memory_space<vmem>>, vector<16xi32>,
    %sub3A_591 = arith.constant 504 : i32
    %sub3A_592 = vector.broadcast %sub3A_591 : i32 to vector<16xi32>
    %sub3A_593 = arith.subi %get3A_590, %sub3A_592 : vector<16xi32>
    %ge3A_594 = arith.constant 0 : i32
    %ge3A_595 = vector.broadcast %ge3A_594 : i32 to vector<16xi32>
    %ge3A_596 = arith.cmpi sge, %sub3A_593, %ge3A_595 : vector<16xi32>
    %lt3A_597 = arith.constant 496 : i32
    %lt3A_598 = vector.broadcast %lt3A_597 : i32 to vector<16xi32>
    %lt3A_599 = arith.cmpi slt, %sub3A_593, %lt3A_598 : vector<16xi32>
    %and3A_600 = arith.andi %ge3A_596, %lt3A_599 : vector<16xi1>
    tpu.vector_store_idx %arg6[%sub3A_593, %add3A_588], %broadcast_in_dim3A_18 masked %and3A_600 : memref<504x128xf32, #tpu.memory_space<vmem>>[vector<16xi32>, vector<16xi32>], vector<16xf32>, vector<16xi1>
    %add3A_601 = arith.constant 48 : i32
    %add3A_602 = vector.broadcast %add3A_601 : i32 to vector<16xi32>
    %add3A_603 = arith.addi %iota3A, %add3A_602 : vector<16xi32>
    %get3A_604 = arith.constant 48 : index
    %get3A_605 = tpu.vector_load %arg4[%get3A_604] {strides = array<i32>} : memref<512xi32, #tpu.memory_space<vmem>>, vector<16xi32>,
    %sub3A_606 = arith.constant 504 : i32
    %sub3A_607 = vector.broadcast %sub3A_606 : i32 to vector<16xi32>
    %sub3A_608 = arith.subi %get3A_605, %sub3A_607 : vector<16xi32>
    %ge3A_609 = arith.constant 0 : i32
    %ge3A_610 = vector.broadcast %ge3A_609 : i32 to vector<16xi32>
    %ge3A_611 = arith.cmpi sge, %sub3A_608, %ge3A_610 : vector<16xi32>
    %lt3A_612 = arith.constant 496 : i32
    %lt3A_613 = vector.broadcast %lt3A_612 : i32 to vector<16xi32>
    %lt3A_614 = arith.cmpi slt, %sub3A_608, %lt3A_613 : vector<16xi32>
    %and3A_615 = arith.andi %ge3A_611, %lt3A_614 : vector<16xi1>
    tpu.vector_store_idx %arg6[%sub3A_608, %add3A_603], %broadcast_in_dim3A_18 masked %and3A_615 : memref<504x128xf32, #tpu.memory_space<vmem>>[vector<16xi32>, vector<16xi32>], vector<16xf32>, vector<16xi1>
    %add3A_616 = arith.constant 64 : i32
    %add3A_617 = vector.broadcast %add3A_616 : i32 to vector<16xi32>
    %add3A_618 = arith.addi %iota3A, %add3A_617 : vector<16xi32>
    %get3A_619 = arith.constant 64 : index
    %get3A_620 = tpu.vector_load %arg4[%get3A_619] {strides = array<i32>} : memref<512xi32, #tpu.memory_space<vmem>>, vector<16xi32>,
    %sub3A_621 = arith.constant 504 : i32
    %sub3A_622 = vector.broadcast %sub3A_621 : i32 to vector<16xi32>
    %sub3A_623 = arith.subi %get3A_620, %sub3A_622 : vector<16xi32>
    %ge3A_624 = arith.constant 0 : i32
    %ge3A_625 = vector.broadcast %ge3A_624 : i32 to vector<16xi32>
    %ge3A_626 = arith.cmpi sge, %sub3A_623, %ge3A_625 : vector<16xi32>
    %lt3A_627 = arith.constant 496 : i32
    %lt3A_628 = vector.broadcast %lt3A_627 : i32 to vector<16xi32>
    %lt3A_629 = arith.cmpi slt, %sub3A_623, %lt3A_628 : vector<16xi32>
    %and3A_630 = arith.andi %ge3A_626, %lt3A_629 : vector<16xi1>
    tpu.vector_store_idx %arg6[%sub3A_623, %add3A_618], %broadcast_in_dim3A_18 masked %and3A_630 : memref<504x128xf32, #tpu.memory_space<vmem>>[vector<16xi32>, vector<16xi32>], vector<16xf32>, vector<16xi1>
    %add3A_631 = arith.constant 80 : i32
    %add3A_632 = vector.broadcast %add3A_631 : i32 to vector<16xi32>
    %add3A_633 = arith.addi %iota3A, %add3A_632 : vector<16xi32>
    %get3A_634 = arith.constant 80 : index
    %get3A_635 = tpu.vector_load %arg4[%get3A_634] {strides = array<i32>} : memref<512xi32, #tpu.memory_space<vmem>>, vector<16xi32>,
    %sub3A_636 = arith.constant 504 : i32
    %sub3A_637 = vector.broadcast %sub3A_636 : i32 to vector<16xi32>
    %sub3A_638 = arith.subi %get3A_635, %sub3A_637 : vector<16xi32>
    %ge3A_639 = arith.constant 0 : i32
    %ge3A_640 = vector.broadcast %ge3A_639 : i32 to vector<16xi32>
    %ge3A_641 = arith.cmpi sge, %sub3A_638, %ge3A_640 : vector<16xi32>
    %lt3A_642 = arith.constant 496 : i32
    %lt3A_643 = vector.broadcast %lt3A_642 : i32 to vector<16xi32>
    %lt3A_644 = arith.cmpi slt, %sub3A_638, %lt3A_643 : vector<16xi32>
    %and3A_645 = arith.andi %ge3A_641, %lt3A_644 : vector<16xi1>
    tpu.vector_store_idx %arg6[%sub3A_638, %add3A_633], %broadcast_in_dim3A_18 masked %and3A_645 : memref<504x128xf32, #tpu.memory_space<vmem>>[vector<16xi32>, vector<16xi32>], vector<16xf32>, vector<16xi1>
    %add3A_646 = arith.constant 96 : i32
    %add3A_647 = vector.broadcast %add3A_646 : i32 to vector<16xi32>
    %add3A_648 = arith.addi %iota3A, %add3A_647 : vector<16xi32>
    %get3A_649 = arith.constant 96 : index
    %get3A_650 = tpu.vector_load %arg4[%get3A_649] {strides = array<i32>} : memref<512xi32, #tpu.memory_space<vmem>>, vector<16xi32>,
    %sub3A_651 = arith.constant 504 : i32
    %sub3A_652 = vector.broadcast %sub3A_651 : i32 to vector<16xi32>
    %sub3A_653 = arith.subi %get3A_650, %sub3A_652 : vector<16xi32>
    %ge3A_654 = arith.constant 0 : i32
    %ge3A_655 = vector.broadcast %ge3A_654 : i32 to vector<16xi32>
    %ge3A_656 = arith.cmpi sge, %sub3A_653, %ge3A_655 : vector<16xi32>
    %lt3A_657 = arith.constant 496 : i32
    %lt3A_658 = vector.broadcast %lt3A_657 : i32 to vector<16xi32>
    %lt3A_659 = arith.cmpi slt, %sub3A_653, %lt3A_658 : vector<16xi32>
    %and3A_660 = arith.andi %ge3A_656, %lt3A_659 : vector<16xi1>
    tpu.vector_store_idx %arg6[%sub3A_653, %add3A_648], %broadcast_in_dim3A_18 masked %and3A_660 : memref<504x128xf32, #tpu.memory_space<vmem>>[vector<16xi32>, vector<16xi32>], vector<16xf32>, vector<16xi1>
    %add3A_661 = arith.constant 112 : i32
    %add3A_662 = vector.broadcast %add3A_661 : i32 to vector<16xi32>
    %add3A_663 = arith.addi %iota3A, %add3A_662 : vector<16xi32>
    %get3A_664 = arith.constant 112 : index
    %get3A_665 = tpu.vector_load %arg4[%get3A_664] {strides = array<i32>} : memref<512xi32, #tpu.memory_space<vmem>>, vector<16xi32>,
    %sub3A_666 = arith.constant 504 : i32
    %sub3A_667 = vector.broadcast %sub3A_666 : i32 to vector<16xi32>
    %sub3A_668 = arith.subi %get3A_665, %sub3A_667 : vector<16xi32>
    %ge3A_669 = arith.constant 0 : i32
    %ge3A_670 = vector.broadcast %ge3A_669 : i32 to vector<16xi32>
    %ge3A_671 = arith.cmpi sge, %sub3A_668, %ge3A_670 : vector<16xi32>
    %lt3A_672 = arith.constant 496 : i32
    %lt3A_673 = vector.broadcast %lt3A_672 : i32 to vector<16xi32>
    %lt3A_674 = arith.cmpi slt, %sub3A_668, %lt3A_673 : vector<16xi32>
    %and3A_675 = arith.andi %ge3A_671, %lt3A_674 : vector<16xi1>
    tpu.vector_store_idx %arg6[%sub3A_668, %add3A_663], %broadcast_in_dim3A_18 masked %and3A_675 : memref<504x128xf32, #tpu.memory_space<vmem>>[vector<16xi32>, vector<16xi32>], vector<16xf32>, vector<16xi1>
    %add3A_676 = arith.constant 0 : i32
    %add3A_677 = vector.broadcast %add3A_676 : i32 to vector<16xi32>
    %add3A_678 = arith.addi %iota3A, %add3A_677 : vector<16xi32>
    %get3A_679 = arith.constant 128 : index
    %get3A_680 = tpu.vector_load %arg4[%get3A_679] {strides = array<i32>} : memref<512xi32, #tpu.memory_space<vmem>>, vector<16xi32>,
    %sub3A_681 = arith.constant 504 : i32
    %sub3A_682 = vector.broadcast %sub3A_681 : i32 to vector<16xi32>
    %sub3A_683 = arith.subi %get3A_680, %sub3A_682 : vector<16xi32>
    %ge3A_684 = arith.constant 0 : i32
    %ge3A_685 = vector.broadcast %ge3A_684 : i32 to vector<16xi32>
    %ge3A_686 = arith.cmpi sge, %sub3A_683, %ge3A_685 : vector<16xi32>
    %lt3A_687 = arith.constant 496 : i32
    %lt3A_688 = vector.broadcast %lt3A_687 : i32 to vector<16xi32>
    %lt3A_689 = arith.cmpi slt, %sub3A_683, %lt3A_688 : vector<16xi32>
    %and3A_690 = arith.andi %ge3A_686, %lt3A_689 : vector<16xi1>
    tpu.vector_store_idx %arg6[%sub3A_683, %add3A_678], %broadcast_in_dim3A_16 masked %and3A_690 : memref<504x128xf32, #tpu.memory_space<vmem>>[vector<16xi32>, vector<16xi32>], vector<16xf32>, vector<16xi1>
    %add3A_691 = arith.constant 16 : i32
    %add3A_692 = vector.broadcast %add3A_691 : i32 to vector<16xi32>
    %add3A_693 = arith.addi %iota3A, %add3A_692 : vector<16xi32>
    %get3A_694 = arith.constant 144 : index
    %get3A_695 = tpu.vector_load %arg4[%get3A_694] {strides = array<i32>} : memref<512xi32, #tpu.memory_space<vmem>>, vector<16xi32>,
    %sub3A_696 = arith.constant 504 : i32
    %sub3A_697 = vector.broadcast %sub3A_696 : i32 to vector<16xi32>
    %sub3A_698 = arith.subi %get3A_695, %sub3A_697 : vector<16xi32>
    %ge3A_699 = arith.constant 0 : i32
    %ge3A_700 = vector.broadcast %ge3A_699 : i32 to vector<16xi32>
    %ge3A_701 = arith.cmpi sge, %sub3A_698, %ge3A_700 : vector<16xi32>
    %lt3A_702 = arith.constant 496 : i32
    %lt3A_703 = vector.broadcast %lt3A_702 : i32 to vector<16xi32>
    %lt3A_704 = arith.cmpi slt, %sub3A_698, %lt3A_703 : vector<16xi32>
    %and3A_705 = arith.andi %ge3A_701, %lt3A_704 : vector<16xi1>
    tpu.vector_store_idx %arg6[%sub3A_698, %add3A_693], %broadcast_in_dim3A_16 masked %and3A_705 : memref<504x128xf32, #tpu.memory_space<vmem>>[vector<16xi32>, vector<16xi32>], vector<16xf32>, vector<16xi1>
    %add3A_706 = arith.constant 32 : i32
    %add3A_707 = vector.broadcast %add3A_706 : i32 to vector<16xi32>
    %add3A_708 = arith.addi %iota3A, %add3A_707 : vector<16xi32>
    %get3A_709 = arith.constant 160 : index
    %get3A_710 = tpu.vector_load %arg4[%get3A_709] {strides = array<i32>} : memref<512xi32, #tpu.memory_space<vmem>>, vector<16xi32>,
    %sub3A_711 = arith.constant 504 : i32
    %sub3A_712 = vector.broadcast %sub3A_711 : i32 to vector<16xi32>
    %sub3A_713 = arith.subi %get3A_710, %sub3A_712 : vector<16xi32>
    %ge3A_714 = arith.constant 0 : i32
    %ge3A_715 = vector.broadcast %ge3A_714 : i32 to vector<16xi32>
    %ge3A_716 = arith.cmpi sge, %sub3A_713, %ge3A_715 : vector<16xi32>
    %lt3A_717 = arith.constant 496 : i32
    %lt3A_718 = vector.broadcast %lt3A_717 : i32 to vector<16xi32>
    %lt3A_719 = arith.cmpi slt, %sub3A_713, %lt3A_718 : vector<16xi32>
    %and3A_720 = arith.andi %ge3A_716, %lt3A_719 : vector<16xi1>
    tpu.vector_store_idx %arg6[%sub3A_713, %add3A_708], %broadcast_in_dim3A_16 masked %and3A_720 : memref<504x128xf32, #tpu.memory_space<vmem>>[vector<16xi32>, vector<16xi32>], vector<16xf32>, vector<16xi1>
    %add3A_721 = arith.constant 48 : i32
    %add3A_722 = vector.broadcast %add3A_721 : i32 to vector<16xi32>
    %add3A_723 = arith.addi %iota3A, %add3A_722 : vector<16xi32>
    %get3A_724 = arith.constant 176 : index
    %get3A_725 = tpu.vector_load %arg4[%get3A_724] {strides = array<i32>} : memref<512xi32, #tpu.memory_space<vmem>>, vector<16xi32>,
    %sub3A_726 = arith.constant 504 : i32
    %sub3A_727 = vector.broadcast %sub3A_726 : i32 to vector<16xi32>
    %sub3A_728 = arith.subi %get3A_725, %sub3A_727 : vector<16xi32>
    %ge3A_729 = arith.constant 0 : i32
    %ge3A_730 = vector.broadcast %ge3A_729 : i32 to vector<16xi32>
    %ge3A_731 = arith.cmpi sge, %sub3A_728, %ge3A_730 : vector<16xi32>
    %lt3A_732 = arith.constant 496 : i32
    %lt3A_733 = vector.broadcast %lt3A_732 : i32 to vector<16xi32>
    %lt3A_734 = arith.cmpi slt, %sub3A_728, %lt3A_733 : vector<16xi32>
    %and3A_735 = arith.andi %ge3A_731, %lt3A_734 : vector<16xi1>
    tpu.vector_store_idx %arg6[%sub3A_728, %add3A_723], %broadcast_in_dim3A_16 masked %and3A_735 : memref<504x128xf32, #tpu.memory_space<vmem>>[vector<16xi32>, vector<16xi32>], vector<16xf32>, vector<16xi1>
    %add3A_736 = arith.constant 64 : i32
    %add3A_737 = vector.broadcast %add3A_736 : i32 to vector<16xi32>
    %add3A_738 = arith.addi %iota3A, %add3A_737 : vector<16xi32>
    %get3A_739 = arith.constant 192 : index
    %get3A_740 = tpu.vector_load %arg4[%get3A_739] {strides = array<i32>} : memref<512xi32, #tpu.memory_space<vmem>>, vector<16xi32>,
    %sub3A_741 = arith.constant 504 : i32
    %sub3A_742 = vector.broadcast %sub3A_741 : i32 to vector<16xi32>
    %sub3A_743 = arith.subi %get3A_740, %sub3A_742 : vector<16xi32>
    %ge3A_744 = arith.constant 0 : i32
    %ge3A_745 = vector.broadcast %ge3A_744 : i32 to vector<16xi32>
    %ge3A_746 = arith.cmpi sge, %sub3A_743, %ge3A_745 : vector<16xi32>
    %lt3A_747 = arith.constant 496 : i32
    %lt3A_748 = vector.broadcast %lt3A_747 : i32 to vector<16xi32>
    %lt3A_749 = arith.cmpi slt, %sub3A_743, %lt3A_748 : vector<16xi32>
    %and3A_750 = arith.andi %ge3A_746, %lt3A_749 : vector<16xi1>
    tpu.vector_store_idx %arg6[%sub3A_743, %add3A_738], %broadcast_in_dim3A_16 masked %and3A_750 : memref<504x128xf32, #tpu.memory_space<vmem>>[vector<16xi32>, vector<16xi32>], vector<16xf32>, vector<16xi1>
    %add3A_751 = arith.constant 80 : i32
    %add3A_752 = vector.broadcast %add3A_751 : i32 to vector<16xi32>
    %add3A_753 = arith.addi %iota3A, %add3A_752 : vector<16xi32>
    %get3A_754 = arith.constant 208 : index
    %get3A_755 = tpu.vector_load %arg4[%get3A_754] {strides = array<i32>} : memref<512xi32, #tpu.memory_space<vmem>>, vector<16xi32>,
    %sub3A_756 = arith.constant 504 : i32
    %sub3A_757 = vector.broadcast %sub3A_756 : i32 to vector<16xi32>
    %sub3A_758 = arith.subi %get3A_755, %sub3A_757 : vector<16xi32>
    %ge3A_759 = arith.constant 0 : i32
    %ge3A_760 = vector.broadcast %ge3A_759 : i32 to vector<16xi32>
    %ge3A_761 = arith.cmpi sge, %sub3A_758, %ge3A_760 : vector<16xi32>
    %lt3A_762 = arith.constant 496 : i32
    %lt3A_763 = vector.broadcast %lt3A_762 : i32 to vector<16xi32>
    %lt3A_764 = arith.cmpi slt, %sub3A_758, %lt3A_763 : vector<16xi32>
    %and3A_765 = arith.andi %ge3A_761, %lt3A_764 : vector<16xi1>
    tpu.vector_store_idx %arg6[%sub3A_758, %add3A_753], %broadcast_in_dim3A_16 masked %and3A_765 : memref<504x128xf32, #tpu.memory_space<vmem>>[vector<16xi32>, vector<16xi32>], vector<16xf32>, vector<16xi1>
    %add3A_766 = arith.constant 96 : i32
    %add3A_767 = vector.broadcast %add3A_766 : i32 to vector<16xi32>
    %add3A_768 = arith.addi %iota3A, %add3A_767 : vector<16xi32>
    %get3A_769 = arith.constant 224 : index
    %get3A_770 = tpu.vector_load %arg4[%get3A_769] {strides = array<i32>} : memref<512xi32, #tpu.memory_space<vmem>>, vector<16xi32>,
    %sub3A_771 = arith.constant 504 : i32
    %sub3A_772 = vector.broadcast %sub3A_771 : i32 to vector<16xi32>
    %sub3A_773 = arith.subi %get3A_770, %sub3A_772 : vector<16xi32>
    %ge3A_774 = arith.constant 0 : i32
    %ge3A_775 = vector.broadcast %ge3A_774 : i32 to vector<16xi32>
    %ge3A_776 = arith.cmpi sge, %sub3A_773, %ge3A_775 : vector<16xi32>
    %lt3A_777 = arith.constant 496 : i32
    %lt3A_778 = vector.broadcast %lt3A_777 : i32 to vector<16xi32>
    %lt3A_779 = arith.cmpi slt, %sub3A_773, %lt3A_778 : vector<16xi32>
    %and3A_780 = arith.andi %ge3A_776, %lt3A_779 : vector<16xi1>
    tpu.vector_store_idx %arg6[%sub3A_773, %add3A_768], %broadcast_in_dim3A_16 masked %and3A_780 : memref<504x128xf32, #tpu.memory_space<vmem>>[vector<16xi32>, vector<16xi32>], vector<16xf32>, vector<16xi1>
    %add3A_781 = arith.constant 112 : i32
    %add3A_782 = vector.broadcast %add3A_781 : i32 to vector<16xi32>
    %add3A_783 = arith.addi %iota3A, %add3A_782 : vector<16xi32>
    %get3A_784 = arith.constant 240 : index
    %get3A_785 = tpu.vector_load %arg4[%get3A_784] {strides = array<i32>} : memref<512xi32, #tpu.memory_space<vmem>>, vector<16xi32>,
    %sub3A_786 = arith.constant 504 : i32
    %sub3A_787 = vector.broadcast %sub3A_786 : i32 to vector<16xi32>
    %sub3A_788 = arith.subi %get3A_785, %sub3A_787 : vector<16xi32>
    %ge3A_789 = arith.constant 0 : i32
    %ge3A_790 = vector.broadcast %ge3A_789 : i32 to vector<16xi32>
    %ge3A_791 = arith.cmpi sge, %sub3A_788, %ge3A_790 : vector<16xi32>
    %lt3A_792 = arith.constant 496 : i32
    %lt3A_793 = vector.broadcast %lt3A_792 : i32 to vector<16xi32>
    %lt3A_794 = arith.cmpi slt, %sub3A_788, %lt3A_793 : vector<16xi32>
    %and3A_795 = arith.andi %ge3A_791, %lt3A_794 : vector<16xi1>
    tpu.vector_store_idx %arg6[%sub3A_788, %add3A_783], %broadcast_in_dim3A_16 masked %and3A_795 : memref<504x128xf32, #tpu.memory_space<vmem>>[vector<16xi32>, vector<16xi32>], vector<16xf32>, vector<16xi1>
    %add3A_796 = arith.constant 128 : i32
    %add3A_797 = arith.addi %mul3A_2, %add3A_796 : i32
    %dma_start3A_798 = arith.constant 0 : i32
    %dma_start3A_799 = arith.constant 0 : i32
    %dma_start3A_800 = tpu.memref_slice %arg6[%dma_start3A_798, %dma_start3A_799] : memref<504x128xf32, #tpu.memory_space<vmem>> -> memref<496x128xf32, #tpu.memory_space<vmem>>
    %dma_start3A_801 = arith.constant 504 : i32
    %dma_start3A_802 = tpu.memref_slice %arg3[%dma_start3A_801, %add3A_797] : memref<1000x16384xf32, #tpu.memory_space<hbm>> -> memref<496x128xf32, #tpu.memory_space<hbm>>
    %dma_start3A_803 = arith.constant 504 : i32
    %dma_start3A_804 = tpu.memref_slice %arg3[%dma_start3A_803, %add3A_797] : memref<1000x16384xf32, #tpu.memory_space<hbm>> -> memref<496x128xf32, #tpu.memory_space<hbm>>
    %dma_start3A_805 = arith.constant 0 : i32
    %dma_start3A_806 = arith.constant 0 : i32
    %dma_start3A_807 = tpu.memref_slice %arg6[%dma_start3A_805, %dma_start3A_806] : memref<504x128xf32, #tpu.memory_space<vmem>> -> memref<496x128xf32, #tpu.memory_space<vmem>>
    tpu.enqueue_dma source(%dma_start3A_807 : memref<496x128xf32, #tpu.memory_space<vmem>>) target(%dma_start3A_804 : memref<496x128xf32, #tpu.memory_space<hbm>>) target_semaphore(%arg8 : memref<!tpu.dma_semaphore, #tpu.memory_space<semaphore_mem>>)
    %dma_wait3A_808 = arith.constant 0 : i32
    %dma_wait3A_809 = arith.constant 0 : i32
    %dma_wait3A_810 = tpu.memref_slice %arg5[%dma_wait3A_808, %dma_wait3A_809] : memref<504x128xf32, #tpu.memory_space<vmem>> -> memref<504x128xf32, #tpu.memory_space<vmem>>
    %dma_wait3A_811 = arith.constant 0 : i32
    %dma_wait3A_812 = tpu.memref_slice %arg3[%dma_wait3A_811, %add3A_535] : memref<1000x16384xf32, #tpu.memory_space<hbm>> -> memref<504x128xf32, #tpu.memory_space<hbm>>
    %dma_wait3A_813 = arith.constant 0 : i32
    %dma_wait3A_814 = tpu.memref_slice %arg3[%dma_wait3A_813, %add3A_535] : memref<1000x16384xf32, #tpu.memory_space<hbm>> -> memref<504x128xf32, #tpu.memory_space<hbm>>
    %dma_wait3A_815 = arith.constant 0 : i32
    %dma_wait3A_816 = arith.constant 0 : i32
    %dma_wait3A_817 = tpu.memref_slice %arg5[%dma_wait3A_815, %dma_wait3A_816] : memref<504x128xf32, #tpu.memory_space<vmem>> -> memref<504x128xf32, #tpu.memory_space<vmem>>
    tpu.wait_dma2 semaphore(%arg7 : memref<!tpu.dma_semaphore, #tpu.memory_space<semaphore_mem>>) src(%dma_wait3A_817 : memref<504x128xf32, #tpu.memory_space<vmem>>) dst(%dma_wait3A_814 : memref<504x128xf32, #tpu.memory_space<hbm>>)
    %add3A_818 = arith.constant 0 : i32
    %add3A_819 = vector.broadcast %add3A_818 : i32 to vector<16xi32>
    %add3A_820 = arith.addi %iota3A, %add3A_819 : vector<16xi32>
    %get3A_821 = arith.constant 128 : index
    %get3A_822 = tpu.vector_load %arg4[%get3A_821] {strides = array<i32>} : memref<512xi32, #tpu.memory_space<vmem>>, vector<16xi32>,
    %sub3A_823 = arith.constant 0 : i32
    %sub3A_824 = vector.broadcast %sub3A_823 : i32 to vector<16xi32>
    %sub3A_825 = arith.subi %get3A_822, %sub3A_824 : vector<16xi32>
    %ge3A_826 = arith.constant 0 : i32
    %ge3A_827 = vector.broadcast %ge3A_826 : i32 to vector<16xi32>
    %ge3A_828 = arith.cmpi sge, %sub3A_825, %ge3A_827 : vector<16xi32>
    %lt3A_829 = arith.constant 504 : i32
    %lt3A_830 = vector.broadcast %lt3A_829 : i32 to vector<16xi32>
    %lt3A_831 = arith.cmpi slt, %sub3A_825, %lt3A_830 : vector<16xi32>
    %and3A_832 = arith.andi %ge3A_828, %lt3A_831 : vector<16xi1>
    tpu.vector_store_idx %arg5[%sub3A_825, %add3A_820], %broadcast_in_dim3A_18 masked %and3A_832 : memref<504x128xf32, #tpu.memory_space<vmem>>[vector<16xi32>, vector<16xi32>], vector<16xf32>, vector<16xi1>
    %add3A_833 = arith.constant 16 : i32
    %add3A_834 = vector.broadcast %add3A_833 : i32 to vector<16xi32>
    %add3A_835 = arith.addi %iota3A, %add3A_834 : vector<16xi32>
    %get3A_836 = arith.constant 144 : index
    %get3A_837 = tpu.vector_load %arg4[%get3A_836] {strides = array<i32>} : memref<512xi32, #tpu.memory_space<vmem>>, vector<16xi32>,
    %sub3A_838 = arith.constant 0 : i32
    %sub3A_839 = vector.broadcast %sub3A_838 : i32 to vector<16xi32>
    %sub3A_840 = arith.subi %get3A_837, %sub3A_839 : vector<16xi32>
    %ge3A_841 = arith.constant 0 : i32
    %ge3A_842 = vector.broadcast %ge3A_841 : i32 to vector<16xi32>
    %ge3A_843 = arith.cmpi sge, %sub3A_840, %ge3A_842 : vector<16xi32>
    %lt3A_844 = arith.constant 504 : i32
    %lt3A_845 = vector.broadcast %lt3A_844 : i32 to vector<16xi32>
    %lt3A_846 = arith.cmpi slt, %sub3A_840, %lt3A_845 : vector<16xi32>
    %and3A_847 = arith.andi %ge3A_843, %lt3A_846 : vector<16xi1>
    tpu.vector_store_idx %arg5[%sub3A_840, %add3A_835], %broadcast_in_dim3A_18 masked %and3A_847 : memref<504x128xf32, #tpu.memory_space<vmem>>[vector<16xi32>, vector<16xi32>], vector<16xf32>, vector<16xi1>
    %add3A_848 = arith.constant 32 : i32
    %add3A_849 = vector.broadcast %add3A_848 : i32 to vector<16xi32>
    %add3A_850 = arith.addi %iota3A, %add3A_849 : vector<16xi32>
    %get3A_851 = arith.constant 160 : index
    %get3A_852 = tpu.vector_load %arg4[%get3A_851] {strides = array<i32>} : memref<512xi32, #tpu.memory_space<vmem>>, vector<16xi32>,
    %sub3A_853 = arith.constant 0 : i32
    %sub3A_854 = vector.broadcast %sub3A_853 : i32 to vector<16xi32>
    %sub3A_855 = arith.subi %get3A_852, %sub3A_854 : vector<16xi32>
    %ge3A_856 = arith.constant 0 : i32
    %ge3A_857 = vector.broadcast %ge3A_856 : i32 to vector<16xi32>
    %ge3A_858 = arith.cmpi sge, %sub3A_855, %ge3A_857 : vector<16xi32>
    %lt3A_859 = arith.constant 504 : i32
    %lt3A_860 = vector.broadcast %lt3A_859 : i32 to vector<16xi32>
    %lt3A_861 = arith.cmpi slt, %sub3A_855, %lt3A_860 : vector<16xi32>
    %and3A_862 = arith.andi %ge3A_858, %lt3A_861 : vector<16xi1>
    tpu.vector_store_idx %arg5[%sub3A_855, %add3A_850], %broadcast_in_dim3A_18 masked %and3A_862 : memref<504x128xf32, #tpu.memory_space<vmem>>[vector<16xi32>, vector<16xi32>], vector<16xf32>, vector<16xi1>
    %add3A_863 = arith.constant 48 : i32
    %add3A_864 = vector.broadcast %add3A_863 : i32 to vector<16xi32>
    %add3A_865 = arith.addi %iota3A, %add3A_864 : vector<16xi32>
    %get3A_866 = arith.constant 176 : index
    %get3A_867 = tpu.vector_load %arg4[%get3A_866] {strides = array<i32>} : memref<512xi32, #tpu.memory_space<vmem>>, vector<16xi32>,
    %sub3A_868 = arith.constant 0 : i32
    %sub3A_869 = vector.broadcast %sub3A_868 : i32 to vector<16xi32>
    %sub3A_870 = arith.subi %get3A_867, %sub3A_869 : vector<16xi32>
    %ge3A_871 = arith.constant 0 : i32
    %ge3A_872 = vector.broadcast %ge3A_871 : i32 to vector<16xi32>
    %ge3A_873 = arith.cmpi sge, %sub3A_870, %ge3A_872 : vector<16xi32>
    %lt3A_874 = arith.constant 504 : i32
    %lt3A_875 = vector.broadcast %lt3A_874 : i32 to vector<16xi32>
    %lt3A_876 = arith.cmpi slt, %sub3A_870, %lt3A_875 : vector<16xi32>
    %and3A_877 = arith.andi %ge3A_873, %lt3A_876 : vector<16xi1>
    tpu.vector_store_idx %arg5[%sub3A_870, %add3A_865], %broadcast_in_dim3A_18 masked %and3A_877 : memref<504x128xf32, #tpu.memory_space<vmem>>[vector<16xi32>, vector<16xi32>], vector<16xf32>, vector<16xi1>
    %add3A_878 = arith.constant 64 : i32
    %add3A_879 = vector.broadcast %add3A_878 : i32 to vector<16xi32>
    %add3A_880 = arith.addi %iota3A, %add3A_879 : vector<16xi32>
    %get3A_881 = arith.constant 192 : index
    %get3A_882 = tpu.vector_load %arg4[%get3A_881] {strides = array<i32>} : memref<512xi32, #tpu.memory_space<vmem>>, vector<16xi32>,
    %sub3A_883 = arith.constant 0 : i32
    %sub3A_884 = vector.broadcast %sub3A_883 : i32 to vector<16xi32>
    %sub3A_885 = arith.subi %get3A_882, %sub3A_884 : vector<16xi32>
    %ge3A_886 = arith.constant 0 : i32
    %ge3A_887 = vector.broadcast %ge3A_886 : i32 to vector<16xi32>
    %ge3A_888 = arith.cmpi sge, %sub3A_885, %ge3A_887 : vector<16xi32>
    %lt3A_889 = arith.constant 504 : i32
    %lt3A_890 = vector.broadcast %lt3A_889 : i32 to vector<16xi32>
    %lt3A_891 = arith.cmpi slt, %sub3A_885, %lt3A_890 : vector<16xi32>
    %and3A_892 = arith.andi %ge3A_888, %lt3A_891 : vector<16xi1>
    tpu.vector_store_idx %arg5[%sub3A_885, %add3A_880], %broadcast_in_dim3A_18 masked %and3A_892 : memref<504x128xf32, #tpu.memory_space<vmem>>[vector<16xi32>, vector<16xi32>], vector<16xf32>, vector<16xi1>
    %add3A_893 = arith.constant 80 : i32
    %add3A_894 = vector.broadcast %add3A_893 : i32 to vector<16xi32>
    %add3A_895 = arith.addi %iota3A, %add3A_894 : vector<16xi32>
    %get3A_896 = arith.constant 208 : index
    %get3A_897 = tpu.vector_load %arg4[%get3A_896] {strides = array<i32>} : memref<512xi32, #tpu.memory_space<vmem>>, vector<16xi32>,
    %sub3A_898 = arith.constant 0 : i32
    %sub3A_899 = vector.broadcast %sub3A_898 : i32 to vector<16xi32>
    %sub3A_900 = arith.subi %get3A_897, %sub3A_899 : vector<16xi32>
    %ge3A_901 = arith.constant 0 : i32
    %ge3A_902 = vector.broadcast %ge3A_901 : i32 to vector<16xi32>
    %ge3A_903 = arith.cmpi sge, %sub3A_900, %ge3A_902 : vector<16xi32>
    %lt3A_904 = arith.constant 504 : i32
    %lt3A_905 = vector.broadcast %lt3A_904 : i32 to vector<16xi32>
    %lt3A_906 = arith.cmpi slt, %sub3A_900, %lt3A_905 : vector<16xi32>
    %and3A_907 = arith.andi %ge3A_903, %lt3A_906 : vector<16xi1>
    tpu.vector_store_idx %arg5[%sub3A_900, %add3A_895], %broadcast_in_dim3A_18 masked %and3A_907 : memref<504x128xf32, #tpu.memory_space<vmem>>[vector<16xi32>, vector<16xi32>], vector<16xf32>, vector<16xi1>
    %add3A_908 = arith.constant 96 : i32
    %add3A_909 = vector.broadcast %add3A_908 : i32 to vector<16xi32>
    %add3A_910 = arith.addi %iota3A, %add3A_909 : vector<16xi32>
    %get3A_911 = arith.constant 224 : index
    %get3A_912 = tpu.vector_load %arg4[%get3A_911] {strides = array<i32>} : memref<512xi32, #tpu.memory_space<vmem>>, vector<16xi32>,
    %sub3A_913 = arith.constant 0 : i32
    %sub3A_914 = vector.broadcast %sub3A_913 : i32 to vector<16xi32>
    %sub3A_915 = arith.subi %get3A_912, %sub3A_914 : vector<16xi32>
    %ge3A_916 = arith.constant 0 : i32
    %ge3A_917 = vector.broadcast %ge3A_916 : i32 to vector<16xi32>
    %ge3A_918 = arith.cmpi sge, %sub3A_915, %ge3A_917 : vector<16xi32>
    %lt3A_919 = arith.constant 504 : i32
    %lt3A_920 = vector.broadcast %lt3A_919 : i32 to vector<16xi32>
    %lt3A_921 = arith.cmpi slt, %sub3A_915, %lt3A_920 : vector<16xi32>
    %and3A_922 = arith.andi %ge3A_918, %lt3A_921 : vector<16xi1>
    tpu.vector_store_idx %arg5[%sub3A_915, %add3A_910], %broadcast_in_dim3A_18 masked %and3A_922 : memref<504x128xf32, #tpu.memory_space<vmem>>[vector<16xi32>, vector<16xi32>], vector<16xf32>, vector<16xi1>
    %add3A_923 = arith.constant 112 : i32
    %add3A_924 = vector.broadcast %add3A_923 : i32 to vector<16xi32>
    %add3A_925 = arith.addi %iota3A, %add3A_924 : vector<16xi32>
    %get3A_926 = arith.constant 240 : index
    %get3A_927 = tpu.vector_load %arg4[%get3A_926] {strides = array<i32>} : memref<512xi32, #tpu.memory_space<vmem>>, vector<16xi32>,
    %sub3A_928 = arith.constant 0 : i32
    %sub3A_929 = vector.broadcast %sub3A_928 : i32 to vector<16xi32>
    %sub3A_930 = arith.subi %get3A_927, %sub3A_929 : vector<16xi32>
    %ge3A_931 = arith.constant 0 : i32
    %ge3A_932 = vector.broadcast %ge3A_931 : i32 to vector<16xi32>
    %ge3A_933 = arith.cmpi sge, %sub3A_930, %ge3A_932 : vector<16xi32>
    %lt3A_934 = arith.constant 504 : i32
    %lt3A_935 = vector.broadcast %lt3A_934 : i32 to vector<16xi32>
    %lt3A_936 = arith.cmpi slt, %sub3A_930, %lt3A_935 : vector<16xi32>
    %and3A_937 = arith.andi %ge3A_933, %lt3A_936 : vector<16xi1>
    tpu.vector_store_idx %arg5[%sub3A_930, %add3A_925], %broadcast_in_dim3A_18 masked %and3A_937 : memref<504x128xf32, #tpu.memory_space<vmem>>[vector<16xi32>, vector<16xi32>], vector<16xf32>, vector<16xi1>
    %add3A_938 = arith.constant 0 : i32
    %add3A_939 = vector.broadcast %add3A_938 : i32 to vector<16xi32>
    %add3A_940 = arith.addi %iota3A, %add3A_939 : vector<16xi32>
    %get3A_941 = arith.constant 256 : index
    %get3A_942 = tpu.vector_load %arg4[%get3A_941] {strides = array<i32>} : memref<512xi32, #tpu.memory_space<vmem>>, vector<16xi32>,
    %sub3A_943 = arith.constant 0 : i32
    %sub3A_944 = vector.broadcast %sub3A_943 : i32 to vector<16xi32>
    %sub3A_945 = arith.subi %get3A_942, %sub3A_944 : vector<16xi32>
    %ge3A_946 = arith.constant 0 : i32
    %ge3A_947 = vector.broadcast %ge3A_946 : i32 to vector<16xi32>
    %ge3A_948 = arith.cmpi sge, %sub3A_945, %ge3A_947 : vector<16xi32>
    %lt3A_949 = arith.constant 504 : i32
    %lt3A_950 = vector.broadcast %lt3A_949 : i32 to vector<16xi32>
    %lt3A_951 = arith.cmpi slt, %sub3A_945, %lt3A_950 : vector<16xi32>
    %and3A_952 = arith.andi %ge3A_948, %lt3A_951 : vector<16xi1>
    tpu.vector_store_idx %arg5[%sub3A_945, %add3A_940], %broadcast_in_dim3A_16 masked %and3A_952 : memref<504x128xf32, #tpu.memory_space<vmem>>[vector<16xi32>, vector<16xi32>], vector<16xf32>, vector<16xi1>
    %add3A_953 = arith.constant 16 : i32
    %add3A_954 = vector.broadcast %add3A_953 : i32 to vector<16xi32>
    %add3A_955 = arith.addi %iota3A, %add3A_954 : vector<16xi32>
    %get3A_956 = arith.constant 272 : index
    %get3A_957 = tpu.vector_load %arg4[%get3A_956] {strides = array<i32>} : memref<512xi32, #tpu.memory_space<vmem>>, vector<16xi32>,
    %sub3A_958 = arith.constant 0 : i32
    %sub3A_959 = vector.broadcast %sub3A_958 : i32 to vector<16xi32>
    %sub3A_960 = arith.subi %get3A_957, %sub3A_959 : vector<16xi32>
    %ge3A_961 = arith.constant 0 : i32
    %ge3A_962 = vector.broadcast %ge3A_961 : i32 to vector<16xi32>
    %ge3A_963 = arith.cmpi sge, %sub3A_960, %ge3A_962 : vector<16xi32>
    %lt3A_964 = arith.constant 504 : i32
    %lt3A_965 = vector.broadcast %lt3A_964 : i32 to vector<16xi32>
    %lt3A_966 = arith.cmpi slt, %sub3A_960, %lt3A_965 : vector<16xi32>
    %and3A_967 = arith.andi %ge3A_963, %lt3A_966 : vector<16xi1>
    tpu.vector_store_idx %arg5[%sub3A_960, %add3A_955], %broadcast_in_dim3A_16 masked %and3A_967 : memref<504x128xf32, #tpu.memory_space<vmem>>[vector<16xi32>, vector<16xi32>], vector<16xf32>, vector<16xi1>
    %add3A_968 = arith.constant 32 : i32
    %add3A_969 = vector.broadcast %add3A_968 : i32 to vector<16xi32>
    %add3A_970 = arith.addi %iota3A, %add3A_969 : vector<16xi32>
    %get3A_971 = arith.constant 288 : index
    %get3A_972 = tpu.vector_load %arg4[%get3A_971] {strides = array<i32>} : memref<512xi32, #tpu.memory_space<vmem>>, vector<16xi32>,
    %sub3A_973 = arith.constant 0 : i32
    %sub3A_974 = vector.broadcast %sub3A_973 : i32 to vector<16xi32>
    %sub3A_975 = arith.subi %get3A_972, %sub3A_974 : vector<16xi32>
    %ge3A_976 = arith.constant 0 : i32
    %ge3A_977 = vector.broadcast %ge3A_976 : i32 to vector<16xi32>
    %ge3A_978 = arith.cmpi sge, %sub3A_975, %ge3A_977 : vector<16xi32>
    %lt3A_979 = arith.constant 504 : i32
    %lt3A_980 = vector.broadcast %lt3A_979 : i32 to vector<16xi32>
    %lt3A_981 = arith.cmpi slt, %sub3A_975, %lt3A_980 : vector<16xi32>
    %and3A_982 = arith.andi %ge3A_978, %lt3A_981 : vector<16xi1>
    tpu.vector_store_idx %arg5[%sub3A_975, %add3A_970], %broadcast_in_dim3A_16 masked %and3A_982 : memref<504x128xf32, #tpu.memory_space<vmem>>[vector<16xi32>, vector<16xi32>], vector<16xf32>, vector<16xi1>
    %add3A_983 = arith.constant 48 : i32
    %add3A_984 = vector.broadcast %add3A_983 : i32 to vector<16xi32>
    %add3A_985 = arith.addi %iota3A, %add3A_984 : vector<16xi32>
    %get3A_986 = arith.constant 304 : index
    %get3A_987 = tpu.vector_load %arg4[%get3A_986] {strides = array<i32>} : memref<512xi32, #tpu.memory_space<vmem>>, vector<16xi32>,
    %sub3A_988 = arith.constant 0 : i32
    %sub3A_989 = vector.broadcast %sub3A_988 : i32 to vector<16xi32>
    %sub3A_990 = arith.subi %get3A_987, %sub3A_989 : vector<16xi32>
    %ge3A_991 = arith.constant 0 : i32
    %ge3A_992 = vector.broadcast %ge3A_991 : i32 to vector<16xi32>
    %ge3A_993 = arith.cmpi sge, %sub3A_990, %ge3A_992 : vector<16xi32>
    %lt3A_994 = arith.constant 504 : i32
    %lt3A_995 = vector.broadcast %lt3A_994 : i32 to vector<16xi32>
    %lt3A_996 = arith.cmpi slt, %sub3A_990, %lt3A_995 : vector<16xi32>
    %and3A_997 = arith.andi %ge3A_993, %lt3A_996 : vector<16xi1>
    tpu.vector_store_idx %arg5[%sub3A_990, %add3A_985], %broadcast_in_dim3A_16 masked %and3A_997 : memref<504x128xf32, #tpu.memory_space<vmem>>[vector<16xi32>, vector<16xi32>], vector<16xf32>, vector<16xi1>
    %add3A_998 = arith.constant 64 : i32
    %add3A_999 = vector.broadcast %add3A_998 : i32 to vector<16xi32>
    %add3A_1000 = arith.addi %iota3A, %add3A_999 : vector<16xi32>
    %get3A_1001 = arith.constant 320 : index
    %get3A_1002 = tpu.vector_load %arg4[%get3A_1001] {strides = array<i32>} : memref<512xi32, #tpu.memory_space<vmem>>, vector<16xi32>,
    %sub3A_1003 = arith.constant 0 : i32
    %sub3A_1004 = vector.broadcast %sub3A_1003 : i32 to vector<16xi32>
    %sub3A_1005 = arith.subi %get3A_1002, %sub3A_1004 : vector<16xi32>
    %ge3A_1006 = arith.constant 0 : i32
    %ge3A_1007 = vector.broadcast %ge3A_1006 : i32 to vector<16xi32>
    %ge3A_1008 = arith.cmpi sge, %sub3A_1005, %ge3A_1007 : vector<16xi32>
    %lt3A_1009 = arith.constant 504 : i32
    %lt3A_1010 = vector.broadcast %lt3A_1009 : i32 to vector<16xi32>
    %lt3A_1011 = arith.cmpi slt, %sub3A_1005, %lt3A_1010 : vector<16xi32>
    %and3A_1012 = arith.andi %ge3A_1008, %lt3A_1011 : vector<16xi1>
    tpu.vector_store_idx %arg5[%sub3A_1005, %add3A_1000], %broadcast_in_dim3A_16 masked %and3A_1012 : memref<504x128xf32, #tpu.memory_space<vmem>>[vector<16xi32>, vector<16xi32>], vector<16xf32>, vector<16xi1>
    %add3A_1013 = arith.constant 80 : i32
    %add3A_1014 = vector.broadcast %add3A_1013 : i32 to vector<16xi32>
    %add3A_1015 = arith.addi %iota3A, %add3A_1014 : vector<16xi32>
    %get3A_1016 = arith.constant 336 : index
    %get3A_1017 = tpu.vector_load %arg4[%get3A_1016] {strides = array<i32>} : memref<512xi32, #tpu.memory_space<vmem>>, vector<16xi32>,
    %sub3A_1018 = arith.constant 0 : i32
    %sub3A_1019 = vector.broadcast %sub3A_1018 : i32 to vector<16xi32>
    %sub3A_1020 = arith.subi %get3A_1017, %sub3A_1019 : vector<16xi32>
    %ge3A_1021 = arith.constant 0 : i32
    %ge3A_1022 = vector.broadcast %ge3A_1021 : i32 to vector<16xi32>
    %ge3A_1023 = arith.cmpi sge, %sub3A_1020, %ge3A_1022 : vector<16xi32>
    %lt3A_1024 = arith.constant 504 : i32
    %lt3A_1025 = vector.broadcast %lt3A_1024 : i32 to vector<16xi32>
    %lt3A_1026 = arith.cmpi slt, %sub3A_1020, %lt3A_1025 : vector<16xi32>
    %and3A_1027 = arith.andi %ge3A_1023, %lt3A_1026 : vector<16xi1>
    tpu.vector_store_idx %arg5[%sub3A_1020, %add3A_1015], %broadcast_in_dim3A_16 masked %and3A_1027 : memref<504x128xf32, #tpu.memory_space<vmem>>[vector<16xi32>, vector<16xi32>], vector<16xf32>, vector<16xi1>
    %add3A_1028 = arith.constant 96 : i32
    %add3A_1029 = vector.broadcast %add3A_1028 : i32 to vector<16xi32>
    %add3A_1030 = arith.addi %iota3A, %add3A_1029 : vector<16xi32>
    %get3A_1031 = arith.constant 352 : index
    %get3A_1032 = tpu.vector_load %arg4[%get3A_1031] {strides = array<i32>} : memref<512xi32, #tpu.memory_space<vmem>>, vector<16xi32>,
    %sub3A_1033 = arith.constant 0 : i32
    %sub3A_1034 = vector.broadcast %sub3A_1033 : i32 to vector<16xi32>
    %sub3A_1035 = arith.subi %get3A_1032, %sub3A_1034 : vector<16xi32>
    %ge3A_1036 = arith.constant 0 : i32
    %ge3A_1037 = vector.broadcast %ge3A_1036 : i32 to vector<16xi32>
    %ge3A_1038 = arith.cmpi sge, %sub3A_1035, %ge3A_1037 : vector<16xi32>
    %lt3A_1039 = arith.constant 504 : i32
    %lt3A_1040 = vector.broadcast %lt3A_1039 : i32 to vector<16xi32>
    %lt3A_1041 = arith.cmpi slt, %sub3A_1035, %lt3A_1040 : vector<16xi32>
    %and3A_1042 = arith.andi %ge3A_1038, %lt3A_1041 : vector<16xi1>
    tpu.vector_store_idx %arg5[%sub3A_1035, %add3A_1030], %broadcast_in_dim3A_16 masked %and3A_1042 : memref<504x128xf32, #tpu.memory_space<vmem>>[vector<16xi32>, vector<16xi32>], vector<16xf32>, vector<16xi1>
    %add3A_1043 = arith.constant 112 : i32
    %add3A_1044 = vector.broadcast %add3A_1043 : i32 to vector<16xi32>
    %add3A_1045 = arith.addi %iota3A, %add3A_1044 : vector<16xi32>
    %get3A_1046 = arith.constant 368 : index
    %get3A_1047 = tpu.vector_load %arg4[%get3A_1046] {strides = array<i32>} : memref<512xi32, #tpu.memory_space<vmem>>, vector<16xi32>,
    %sub3A_1048 = arith.constant 0 : i32
    %sub3A_1049 = vector.broadcast %sub3A_1048 : i32 to vector<16xi32>
    %sub3A_1050 = arith.subi %get3A_1047, %sub3A_1049 : vector<16xi32>
    %ge3A_1051 = arith.constant 0 : i32
    %ge3A_1052 = vector.broadcast %ge3A_1051 : i32 to vector<16xi32>
    %ge3A_1053 = arith.cmpi sge, %sub3A_1050, %ge3A_1052 : vector<16xi32>
    %lt3A_1054 = arith.constant 504 : i32
    %lt3A_1055 = vector.broadcast %lt3A_1054 : i32 to vector<16xi32>
    %lt3A_1056 = arith.cmpi slt, %sub3A_1050, %lt3A_1055 : vector<16xi32>
    %and3A_1057 = arith.andi %ge3A_1053, %lt3A_1056 : vector<16xi1>
    tpu.vector_store_idx %arg5[%sub3A_1050, %add3A_1045], %broadcast_in_dim3A_16 masked %and3A_1057 : memref<504x128xf32, #tpu.memory_space<vmem>>[vector<16xi32>, vector<16xi32>], vector<16xf32>, vector<16xi1>
    %add3A_1058 = arith.constant 256 : i32
    %add3A_1059 = arith.addi %mul3A_2, %add3A_1058 : i32
    %dma_start3A_1060 = arith.constant 0 : i32
    %dma_start3A_1061 = arith.constant 0 : i32
    %dma_start3A_1062 = tpu.memref_slice %arg5[%dma_start3A_1060, %dma_start3A_1061] : memref<504x128xf32, #tpu.memory_space<vmem>> -> memref<504x128xf32, #tpu.memory_space<vmem>>
    %dma_start3A_1063 = arith.constant 0 : i32
    %dma_start3A_1064 = tpu.memref_slice %arg3[%dma_start3A_1063, %add3A_1059] : memref<1000x16384xf32, #tpu.memory_space<hbm>> -> memref<504x128xf32, #tpu.memory_space<hbm>>
    %dma_start3A_1065 = arith.constant 0 : i32
    %dma_start3A_1066 = tpu.memref_slice %arg3[%dma_start3A_1065, %add3A_1059] : memref<1000x16384xf32, #tpu.memory_space<hbm>> -> memref<504x128xf32, #tpu.memory_space<hbm>>
    %dma_start3A_1067 = arith.constant 0 : i32
    %dma_start3A_1068 = arith.constant 0 : i32
    %dma_start3A_1069 = tpu.memref_slice %arg5[%dma_start3A_1067, %dma_start3A_1068] : memref<504x128xf32, #tpu.memory_space<vmem>> -> memref<504x128xf32, #tpu.memory_space<vmem>>
    tpu.enqueue_dma source(%dma_start3A_1069 : memref<504x128xf32, #tpu.memory_space<vmem>>) target(%dma_start3A_1066 : memref<504x128xf32, #tpu.memory_space<hbm>>) target_semaphore(%arg7 : memref<!tpu.dma_semaphore, #tpu.memory_space<semaphore_mem>>)
    %dma_wait3A_1070 = arith.constant 0 : i32
    %dma_wait3A_1071 = arith.constant 0 : i32
    %dma_wait3A_1072 = tpu.memref_slice %arg6[%dma_wait3A_1070, %dma_wait3A_1071] : memref<504x128xf32, #tpu.memory_space<vmem>> -> memref<496x128xf32, #tpu.memory_space<vmem>>
    %dma_wait3A_1073 = arith.constant 504 : i32
    %dma_wait3A_1074 = tpu.memref_slice %arg3[%dma_wait3A_1073, %add3A_797] : memref<1000x16384xf32, #tpu.memory_space<hbm>> -> memref<496x128xf32, #tpu.memory_space<hbm>>
    %dma_wait3A_1075 = arith.constant 504 : i32
    %dma_wait3A_1076 = tpu.memref_slice %arg3[%dma_wait3A_1075, %add3A_797] : memref<1000x16384xf32, #tpu.memory_space<hbm>> -> memref<496x128xf32, #tpu.memory_space<hbm>>
    %dma_wait3A_1077 = arith.constant 0 : i32
    %dma_wait3A_1078 = arith.constant 0 : i32
    %dma_wait3A_1079 = tpu.memref_slice %arg6[%dma_wait3A_1077, %dma_wait3A_1078] : memref<504x128xf32, #tpu.memory_space<vmem>> -> memref<496x128xf32, #tpu.memory_space<vmem>>
    tpu.wait_dma2 semaphore(%arg8 : memref<!tpu.dma_semaphore, #tpu.memory_space<semaphore_mem>>) src(%dma_wait3A_1079 : memref<496x128xf32, #tpu.memory_space<vmem>>) dst(%dma_wait3A_1076 : memref<496x128xf32, #tpu.memory_space<hbm>>)
    %add3A_1080 = arith.constant 0 : i32
    %add3A_1081 = vector.broadcast %add3A_1080 : i32 to vector<16xi32>
    %add3A_1082 = arith.addi %iota3A, %add3A_1081 : vector<16xi32>
    %get3A_1083 = arith.constant 128 : index
    %get3A_1084 = tpu.vector_load %arg4[%get3A_1083] {strides = array<i32>} : memref<512xi32, #tpu.memory_space<vmem>>, vector<16xi32>,
    %sub3A_1085 = arith.constant 504 : i32
    %sub3A_1086 = vector.broadcast %sub3A_1085 : i32 to vector<16xi32>
    %sub3A_1087 = arith.subi %get3A_1084, %sub3A_1086 : vector<16xi32>
    %ge3A_1088 = arith.constant 0 : i32
    %ge3A_1089 = vector.broadcast %ge3A_1088 : i32 to vector<16xi32>
    %ge3A_1090 = arith.cmpi sge, %sub3A_1087, %ge3A_1089 : vector<16xi32>
    %lt3A_1091 = arith.constant 496 : i32
    %lt3A_1092 = vector.broadcast %lt3A_1091 : i32 to vector<16xi32>
    %lt3A_1093 = arith.cmpi slt, %sub3A_1087, %lt3A_1092 : vector<16xi32>
    %and3A_1094 = arith.andi %ge3A_1090, %lt3A_1093 : vector<16xi1>
    tpu.vector_store_idx %arg6[%sub3A_1087, %add3A_1082], %broadcast_in_dim3A_18 masked %and3A_1094 : memref<504x128xf32, #tpu.memory_space<vmem>>[vector<16xi32>, vector<16xi32>], vector<16xf32>, vector<16xi1>
    %add3A_1095 = arith.constant 16 : i32
    %add3A_1096 = vector.broadcast %add3A_1095 : i32 to vector<16xi32>
    %add3A_1097 = arith.addi %iota3A, %add3A_1096 : vector<16xi32>
    %get3A_1098 = arith.constant 144 : index
    %get3A_1099 = tpu.vector_load %arg4[%get3A_1098] {strides = array<i32>} : memref<512xi32, #tpu.memory_space<vmem>>, vector<16xi32>,
    %sub3A_1100 = arith.constant 504 : i32
    %sub3A_1101 = vector.broadcast %sub3A_1100 : i32 to vector<16xi32>
    %sub3A_1102 = arith.subi %get3A_1099, %sub3A_1101 : vector<16xi32>
    %ge3A_1103 = arith.constant 0 : i32
    %ge3A_1104 = vector.broadcast %ge3A_1103 : i32 to vector<16xi32>
    %ge3A_1105 = arith.cmpi sge, %sub3A_1102, %ge3A_1104 : vector<16xi32>
    %lt3A_1106 = arith.constant 496 : i32
    %lt3A_1107 = vector.broadcast %lt3A_1106 : i32 to vector<16xi32>
    %lt3A_1108 = arith.cmpi slt, %sub3A_1102, %lt3A_1107 : vector<16xi32>
    %and3A_1109 = arith.andi %ge3A_1105, %lt3A_1108 : vector<16xi1>
    tpu.vector_store_idx %arg6[%sub3A_1102, %add3A_1097], %broadcast_in_dim3A_18 masked %and3A_1109 : memref<504x128xf32, #tpu.memory_space<vmem>>[vector<16xi32>, vector<16xi32>], vector<16xf32>, vector<16xi1>
    %add3A_1110 = arith.constant 32 : i32
    %add3A_1111 = vector.broadcast %add3A_1110 : i32 to vector<16xi32>
    %add3A_1112 = arith.addi %iota3A, %add3A_1111 : vector<16xi32>
    %get3A_1113 = arith.constant 160 : index
    %get3A_1114 = tpu.vector_load %arg4[%get3A_1113] {strides = array<i32>} : memref<512xi32, #tpu.memory_space<vmem>>, vector<16xi32>,
    %sub3A_1115 = arith.constant 504 : i32
    %sub3A_1116 = vector.broadcast %sub3A_1115 : i32 to vector<16xi32>
    %sub3A_1117 = arith.subi %get3A_1114, %sub3A_1116 : vector<16xi32>
    %ge3A_1118 = arith.constant 0 : i32
    %ge3A_1119 = vector.broadcast %ge3A_1118 : i32 to vector<16xi32>
    %ge3A_1120 = arith.cmpi sge, %sub3A_1117, %ge3A_1119 : vector<16xi32>
    %lt3A_1121 = arith.constant 496 : i32
    %lt3A_1122 = vector.broadcast %lt3A_1121 : i32 to vector<16xi32>
    %lt3A_1123 = arith.cmpi slt, %sub3A_1117, %lt3A_1122 : vector<16xi32>
    %and3A_1124 = arith.andi %ge3A_1120, %lt3A_1123 : vector<16xi1>
    tpu.vector_store_idx %arg6[%sub3A_1117, %add3A_1112], %broadcast_in_dim3A_18 masked %and3A_1124 : memref<504x128xf32, #tpu.memory_space<vmem>>[vector<16xi32>, vector<16xi32>], vector<16xf32>, vector<16xi1>
    %add3A_1125 = arith.constant 48 : i32
    %add3A_1126 = vector.broadcast %add3A_1125 : i32 to vector<16xi32>
    %add3A_1127 = arith.addi %iota3A, %add3A_1126 : vector<16xi32>
    %get3A_1128 = arith.constant 176 : index
    %get3A_1129 = tpu.vector_load %arg4[%get3A_1128] {strides = array<i32>} : memref<512xi32, #tpu.memory_space<vmem>>, vector<16xi32>,
    %sub3A_1130 = arith.constant 504 : i32
    %sub3A_1131 = vector.broadcast %sub3A_1130 : i32 to vector<16xi32>
    %sub3A_1132 = arith.subi %get3A_1129, %sub3A_1131 : vector<16xi32>
    %ge3A_1133 = arith.constant 0 : i32
    %ge3A_1134 = vector.broadcast %ge3A_1133 : i32 to vector<16xi32>
    %ge3A_1135 = arith.cmpi sge, %sub3A_1132, %ge3A_1134 : vector<16xi32>
    %lt3A_1136 = arith.constant 496 : i32
    %lt3A_1137 = vector.broadcast %lt3A_1136 : i32 to vector<16xi32>
    %lt3A_1138 = arith.cmpi slt, %sub3A_1132, %lt3A_1137 : vector<16xi32>
    %and3A_1139 = arith.andi %ge3A_1135, %lt3A_1138 : vector<16xi1>
    tpu.vector_store_idx %arg6[%sub3A_1132, %add3A_1127], %broadcast_in_dim3A_18 masked %and3A_1139 : memref<504x128xf32, #tpu.memory_space<vmem>>[vector<16xi32>, vector<16xi32>], vector<16xf32>, vector<16xi1>
    %add3A_1140 = arith.constant 64 : i32
    %add3A_1141 = vector.broadcast %add3A_1140 : i32 to vector<16xi32>
    %add3A_1142 = arith.addi %iota3A, %add3A_1141 : vector<16xi32>
    %get3A_1143 = arith.constant 192 : index
    %get3A_1144 = tpu.vector_load %arg4[%get3A_1143] {strides = array<i32>} : memref<512xi32, #tpu.memory_space<vmem>>, vector<16xi32>,
    %sub3A_1145 = arith.constant 504 : i32
    %sub3A_1146 = vector.broadcast %sub3A_1145 : i32 to vector<16xi32>
    %sub3A_1147 = arith.subi %get3A_1144, %sub3A_1146 : vector<16xi32>
    %ge3A_1148 = arith.constant 0 : i32
    %ge3A_1149 = vector.broadcast %ge3A_1148 : i32 to vector<16xi32>
    %ge3A_1150 = arith.cmpi sge, %sub3A_1147, %ge3A_1149 : vector<16xi32>
    %lt3A_1151 = arith.constant 496 : i32
    %lt3A_1152 = vector.broadcast %lt3A_1151 : i32 to vector<16xi32>
    %lt3A_1153 = arith.cmpi slt, %sub3A_1147, %lt3A_1152 : vector<16xi32>
    %and3A_1154 = arith.andi %ge3A_1150, %lt3A_1153 : vector<16xi1>
    tpu.vector_store_idx %arg6[%sub3A_1147, %add3A_1142], %broadcast_in_dim3A_18 masked %and3A_1154 : memref<504x128xf32, #tpu.memory_space<vmem>>[vector<16xi32>, vector<16xi32>], vector<16xf32>, vector<16xi1>
    %add3A_1155 = arith.constant 80 : i32
    %add3A_1156 = vector.broadcast %add3A_1155 : i32 to vector<16xi32>
    %add3A_1157 = arith.addi %iota3A, %add3A_1156 : vector<16xi32>
    %get3A_1158 = arith.constant 208 : index
    %get3A_1159 = tpu.vector_load %arg4[%get3A_1158] {strides = array<i32>} : memref<512xi32, #tpu.memory_space<vmem>>, vector<16xi32>,
    %sub3A_1160 = arith.constant 504 : i32
    %sub3A_1161 = vector.broadcast %sub3A_1160 : i32 to vector<16xi32>
    %sub3A_1162 = arith.subi %get3A_1159, %sub3A_1161 : vector<16xi32>
    %ge3A_1163 = arith.constant 0 : i32
    %ge3A_1164 = vector.broadcast %ge3A_1163 : i32 to vector<16xi32>
    %ge3A_1165 = arith.cmpi sge, %sub3A_1162, %ge3A_1164 : vector<16xi32>
    %lt3A_1166 = arith.constant 496 : i32
    %lt3A_1167 = vector.broadcast %lt3A_1166 : i32 to vector<16xi32>
    %lt3A_1168 = arith.cmpi slt, %sub3A_1162, %lt3A_1167 : vector<16xi32>
    %and3A_1169 = arith.andi %ge3A_1165, %lt3A_1168 : vector<16xi1>
    tpu.vector_store_idx %arg6[%sub3A_1162, %add3A_1157], %broadcast_in_dim3A_18 masked %and3A_1169 : memref<504x128xf32, #tpu.memory_space<vmem>>[vector<16xi32>, vector<16xi32>], vector<16xf32>, vector<16xi1>
    %add3A_1170 = arith.constant 96 : i32
    %add3A_1171 = vector.broadcast %add3A_1170 : i32 to vector<16xi32>
    %add3A_1172 = arith.addi %iota3A, %add3A_1171 : vector<16xi32>
    %get3A_1173 = arith.constant 224 : index
    %get3A_1174 = tpu.vector_load %arg4[%get3A_1173] {strides = array<i32>} : memref<512xi32, #tpu.memory_space<vmem>>, vector<16xi32>,
    %sub3A_1175 = arith.constant 504 : i32
    %sub3A_1176 = vector.broadcast %sub3A_1175 : i32 to vector<16xi32>
    %sub3A_1177 = arith.subi %get3A_1174, %sub3A_1176 : vector<16xi32>
    %ge3A_1178 = arith.constant 0 : i32
    %ge3A_1179 = vector.broadcast %ge3A_1178 : i32 to vector<16xi32>
    %ge3A_1180 = arith.cmpi sge, %sub3A_1177, %ge3A_1179 : vector<16xi32>
    %lt3A_1181 = arith.constant 496 : i32
    %lt3A_1182 = vector.broadcast %lt3A_1181 : i32 to vector<16xi32>
    %lt3A_1183 = arith.cmpi slt, %sub3A_1177, %lt3A_1182 : vector<16xi32>
    %and3A_1184 = arith.andi %ge3A_1180, %lt3A_1183 : vector<16xi1>
    tpu.vector_store_idx %arg6[%sub3A_1177, %add3A_1172], %broadcast_in_dim3A_18 masked %and3A_1184 : memref<504x128xf32, #tpu.memory_space<vmem>>[vector<16xi32>, vector<16xi32>], vector<16xf32>, vector<16xi1>
    %add3A_1185 = arith.constant 112 : i32
    %add3A_1186 = vector.broadcast %add3A_1185 : i32 to vector<16xi32>
    %add3A_1187 = arith.addi %iota3A, %add3A_1186 : vector<16xi32>
    %get3A_1188 = arith.constant 240 : index
    %get3A_1189 = tpu.vector_load %arg4[%get3A_1188] {strides = array<i32>} : memref<512xi32, #tpu.memory_space<vmem>>, vector<16xi32>,
    %sub3A_1190 = arith.constant 504 : i32
    %sub3A_1191 = vector.broadcast %sub3A_1190 : i32 to vector<16xi32>
    %sub3A_1192 = arith.subi %get3A_1189, %sub3A_1191 : vector<16xi32>
    %ge3A_1193 = arith.constant 0 : i32
    %ge3A_1194 = vector.broadcast %ge3A_1193 : i32 to vector<16xi32>
    %ge3A_1195 = arith.cmpi sge, %sub3A_1192, %ge3A_1194 : vector<16xi32>
    %lt3A_1196 = arith.constant 496 : i32
    %lt3A_1197 = vector.broadcast %lt3A_1196 : i32 to vector<16xi32>
    %lt3A_1198 = arith.cmpi slt, %sub3A_1192, %lt3A_1197 : vector<16xi32>
    %and3A_1199 = arith.andi %ge3A_1195, %lt3A_1198 : vector<16xi1>
    tpu.vector_store_idx %arg6[%sub3A_1192, %add3A_1187], %broadcast_in_dim3A_18 masked %and3A_1199 : memref<504x128xf32, #tpu.memory_space<vmem>>[vector<16xi32>, vector<16xi32>], vector<16xf32>, vector<16xi1>
    %add3A_1200 = arith.constant 0 : i32
    %add3A_1201 = vector.broadcast %add3A_1200 : i32 to vector<16xi32>
    %add3A_1202 = arith.addi %iota3A, %add3A_1201 : vector<16xi32>
    %get3A_1203 = arith.constant 256 : index
    %get3A_1204 = tpu.vector_load %arg4[%get3A_1203] {strides = array<i32>} : memref<512xi32, #tpu.memory_space<vmem>>, vector<16xi32>,
    %sub3A_1205 = arith.constant 504 : i32
    %sub3A_1206 = vector.broadcast %sub3A_1205 : i32 to vector<16xi32>
    %sub3A_1207 = arith.subi %get3A_1204, %sub3A_1206 : vector<16xi32>
    %ge3A_1208 = arith.constant 0 : i32
    %ge3A_1209 = vector.broadcast %ge3A_1208 : i32 to vector<16xi32>
    %ge3A_1210 = arith.cmpi sge, %sub3A_1207, %ge3A_1209 : vector<16xi32>
    %lt3A_1211 = arith.constant 496 : i32
    %lt3A_1212 = vector.broadcast %lt3A_1211 : i32 to vector<16xi32>
    %lt3A_1213 = arith.cmpi slt, %sub3A_1207, %lt3A_1212 : vector<16xi32>
    %and3A_1214 = arith.andi %ge3A_1210, %lt3A_1213 : vector<16xi1>
    tpu.vector_store_idx %arg6[%sub3A_1207, %add3A_1202], %broadcast_in_dim3A_16 masked %and3A_1214 : memref<504x128xf32, #tpu.memory_space<vmem>>[vector<16xi32>, vector<16xi32>], vector<16xf32>, vector<16xi1>
    %add3A_1215 = arith.constant 16 : i32
    %add3A_1216 = vector.broadcast %add3A_1215 : i32 to vector<16xi32>
    %add3A_1217 = arith.addi %iota3A, %add3A_1216 : vector<16xi32>
    %get3A_1218 = arith.constant 272 : index
    %get3A_1219 = tpu.vector_load %arg4[%get3A_1218] {strides = array<i32>} : memref<512xi32, #tpu.memory_space<vmem>>, vector<16xi32>,
    %sub3A_1220 = arith.constant 504 : i32
    %sub3A_1221 = vector.broadcast %sub3A_1220 : i32 to vector<16xi32>
    %sub3A_1222 = arith.subi %get3A_1219, %sub3A_1221 : vector<16xi32>
    %ge3A_1223 = arith.constant 0 : i32
    %ge3A_1224 = vector.broadcast %ge3A_1223 : i32 to vector<16xi32>
    %ge3A_1225 = arith.cmpi sge, %sub3A_1222, %ge3A_1224 : vector<16xi32>
    %lt3A_1226 = arith.constant 496 : i32
    %lt3A_1227 = vector.broadcast %lt3A_1226 : i32 to vector<16xi32>
    %lt3A_1228 = arith.cmpi slt, %sub3A_1222, %lt3A_1227 : vector<16xi32>
    %and3A_1229 = arith.andi %ge3A_1225, %lt3A_1228 : vector<16xi1>
    tpu.vector_store_idx %arg6[%sub3A_1222, %add3A_1217], %broadcast_in_dim3A_16 masked %and3A_1229 : memref<504x128xf32, #tpu.memory_space<vmem>>[vector<16xi32>, vector<16xi32>], vector<16xf32>, vector<16xi1>
    %add3A_1230 = arith.constant 32 : i32
    %add3A_1231 = vector.broadcast %add3A_1230 : i32 to vector<16xi32>
    %add3A_1232 = arith.addi %iota3A, %add3A_1231 : vector<16xi32>
    %get3A_1233 = arith.constant 288 : index
    %get3A_1234 = tpu.vector_load %arg4[%get3A_1233] {strides = array<i32>} : memref<512xi32, #tpu.memory_space<vmem>>, vector<16xi32>,
    %sub3A_1235 = arith.constant 504 : i32
    %sub3A_1236 = vector.broadcast %sub3A_1235 : i32 to vector<16xi32>
    %sub3A_1237 = arith.subi %get3A_1234, %sub3A_1236 : vector<16xi32>
    %ge3A_1238 = arith.constant 0 : i32
    %ge3A_1239 = vector.broadcast %ge3A_1238 : i32 to vector<16xi32>
    %ge3A_1240 = arith.cmpi sge, %sub3A_1237, %ge3A_1239 : vector<16xi32>
    %lt3A_1241 = arith.constant 496 : i32
    %lt3A_1242 = vector.broadcast %lt3A_1241 : i32 to vector<16xi32>
    %lt3A_1243 = arith.cmpi slt, %sub3A_1237, %lt3A_1242 : vector<16xi32>
    %and3A_1244 = arith.andi %ge3A_1240, %lt3A_1243 : vector<16xi1>
    tpu.vector_store_idx %arg6[%sub3A_1237, %add3A_1232], %broadcast_in_dim3A_16 masked %and3A_1244 : memref<504x128xf32, #tpu.memory_space<vmem>>[vector<16xi32>, vector<16xi32>], vector<16xf32>, vector<16xi1>
    %add3A_1245 = arith.constant 48 : i32
    %add3A_1246 = vector.broadcast %add3A_1245 : i32 to vector<16xi32>
    %add3A_1247 = arith.addi %iota3A, %add3A_1246 : vector<16xi32>
    %get3A_1248 = arith.constant 304 : index
    %get3A_1249 = tpu.vector_load %arg4[%get3A_1248] {strides = array<i32>} : memref<512xi32, #tpu.memory_space<vmem>>, vector<16xi32>,
    %sub3A_1250 = arith.constant 504 : i32
    %sub3A_1251 = vector.broadcast %sub3A_1250 : i32 to vector<16xi32>
    %sub3A_1252 = arith.subi %get3A_1249, %sub3A_1251 : vector<16xi32>
    %ge3A_1253 = arith.constant 0 : i32
    %ge3A_1254 = vector.broadcast %ge3A_1253 : i32 to vector<16xi32>
    %ge3A_1255 = arith.cmpi sge, %sub3A_1252, %ge3A_1254 : vector<16xi32>
    %lt3A_1256 = arith.constant 496 : i32
    %lt3A_1257 = vector.broadcast %lt3A_1256 : i32 to vector<16xi32>
    %lt3A_1258 = arith.cmpi slt, %sub3A_1252, %lt3A_1257 : vector<16xi32>
    %and3A_1259 = arith.andi %ge3A_1255, %lt3A_1258 : vector<16xi1>
    tpu.vector_store_idx %arg6[%sub3A_1252, %add3A_1247], %broadcast_in_dim3A_16 masked %and3A_1259 : memref<504x128xf32, #tpu.memory_space<vmem>>[vector<16xi32>, vector<16xi32>], vector<16xf32>, vector<16xi1>
    %add3A_1260 = arith.constant 64 : i32
    %add3A_1261 = vector.broadcast %add3A_1260 : i32 to vector<16xi32>
    %add3A_1262 = arith.addi %iota3A, %add3A_1261 : vector<16xi32>
    %get3A_1263 = arith.constant 320 : index
    %get3A_1264 = tpu.vector_load %arg4[%get3A_1263] {strides = array<i32>} : memref<512xi32, #tpu.memory_space<vmem>>, vector<16xi32>,
    %sub3A_1265 = arith.constant 504 : i32
    %sub3A_1266 = vector.broadcast %sub3A_1265 : i32 to vector<16xi32>
    %sub3A_1267 = arith.subi %get3A_1264, %sub3A_1266 : vector<16xi32>
    %ge3A_1268 = arith.constant 0 : i32
    %ge3A_1269 = vector.broadcast %ge3A_1268 : i32 to vector<16xi32>
    %ge3A_1270 = arith.cmpi sge, %sub3A_1267, %ge3A_1269 : vector<16xi32>
    %lt3A_1271 = arith.constant 496 : i32
    %lt3A_1272 = vector.broadcast %lt3A_1271 : i32 to vector<16xi32>
    %lt3A_1273 = arith.cmpi slt, %sub3A_1267, %lt3A_1272 : vector<16xi32>
    %and3A_1274 = arith.andi %ge3A_1270, %lt3A_1273 : vector<16xi1>
    tpu.vector_store_idx %arg6[%sub3A_1267, %add3A_1262], %broadcast_in_dim3A_16 masked %and3A_1274 : memref<504x128xf32, #tpu.memory_space<vmem>>[vector<16xi32>, vector<16xi32>], vector<16xf32>, vector<16xi1>
    %add3A_1275 = arith.constant 80 : i32
    %add3A_1276 = vector.broadcast %add3A_1275 : i32 to vector<16xi32>
    %add3A_1277 = arith.addi %iota3A, %add3A_1276 : vector<16xi32>
    %get3A_1278 = arith.constant 336 : index
    %get3A_1279 = tpu.vector_load %arg4[%get3A_1278] {strides = array<i32>} : memref<512xi32, #tpu.memory_space<vmem>>, vector<16xi32>,
    %sub3A_1280 = arith.constant 504 : i32
    %sub3A_1281 = vector.broadcast %sub3A_1280 : i32 to vector<16xi32>
    %sub3A_1282 = arith.subi %get3A_1279, %sub3A_1281 : vector<16xi32>
    %ge3A_1283 = arith.constant 0 : i32
    %ge3A_1284 = vector.broadcast %ge3A_1283 : i32 to vector<16xi32>
    %ge3A_1285 = arith.cmpi sge, %sub3A_1282, %ge3A_1284 : vector<16xi32>
    %lt3A_1286 = arith.constant 496 : i32
    %lt3A_1287 = vector.broadcast %lt3A_1286 : i32 to vector<16xi32>
    %lt3A_1288 = arith.cmpi slt, %sub3A_1282, %lt3A_1287 : vector<16xi32>
    %and3A_1289 = arith.andi %ge3A_1285, %lt3A_1288 : vector<16xi1>
    tpu.vector_store_idx %arg6[%sub3A_1282, %add3A_1277], %broadcast_in_dim3A_16 masked %and3A_1289 : memref<504x128xf32, #tpu.memory_space<vmem>>[vector<16xi32>, vector<16xi32>], vector<16xf32>, vector<16xi1>
    %add3A_1290 = arith.constant 96 : i32
    %add3A_1291 = vector.broadcast %add3A_1290 : i32 to vector<16xi32>
    %add3A_1292 = arith.addi %iota3A, %add3A_1291 : vector<16xi32>
    %get3A_1293 = arith.constant 352 : index
    %get3A_1294 = tpu.vector_load %arg4[%get3A_1293] {strides = array<i32>} : memref<512xi32, #tpu.memory_space<vmem>>, vector<16xi32>,
    %sub3A_1295 = arith.constant 504 : i32
    %sub3A_1296 = vector.broadcast %sub3A_1295 : i32 to vector<16xi32>
    %sub3A_1297 = arith.subi %get3A_1294, %sub3A_1296 : vector<16xi32>
    %ge3A_1298 = arith.constant 0 : i32
    %ge3A_1299 = vector.broadcast %ge3A_1298 : i32 to vector<16xi32>
    %ge3A_1300 = arith.cmpi sge, %sub3A_1297, %ge3A_1299 : vector<16xi32>
    %lt3A_1301 = arith.constant 496 : i32
    %lt3A_1302 = vector.broadcast %lt3A_1301 : i32 to vector<16xi32>
    %lt3A_1303 = arith.cmpi slt, %sub3A_1297, %lt3A_1302 : vector<16xi32>
    %and3A_1304 = arith.andi %ge3A_1300, %lt3A_1303 : vector<16xi1>
    tpu.vector_store_idx %arg6[%sub3A_1297, %add3A_1292], %broadcast_in_dim3A_16 masked %and3A_1304 : memref<504x128xf32, #tpu.memory_space<vmem>>[vector<16xi32>, vector<16xi32>], vector<16xf32>, vector<16xi1>
    %add3A_1305 = arith.constant 112 : i32
    %add3A_1306 = vector.broadcast %add3A_1305 : i32 to vector<16xi32>
    %add3A_1307 = arith.addi %iota3A, %add3A_1306 : vector<16xi32>
    %get3A_1308 = arith.constant 368 : index
    %get3A_1309 = tpu.vector_load %arg4[%get3A_1308] {strides = array<i32>} : memref<512xi32, #tpu.memory_space<vmem>>, vector<16xi32>,
    %sub3A_1310 = arith.constant 504 : i32
    %sub3A_1311 = vector.broadcast %sub3A_1310 : i32 to vector<16xi32>
    %sub3A_1312 = arith.subi %get3A_1309, %sub3A_1311 : vector<16xi32>
    %ge3A_1313 = arith.constant 0 : i32
    %ge3A_1314 = vector.broadcast %ge3A_1313 : i32 to vector<16xi32>
    %ge3A_1315 = arith.cmpi sge, %sub3A_1312, %ge3A_1314 : vector<16xi32>
    %lt3A_1316 = arith.constant 496 : i32
    %lt3A_1317 = vector.broadcast %lt3A_1316 : i32 to vector<16xi32>
    %lt3A_1318 = arith.cmpi slt, %sub3A_1312, %lt3A_1317 : vector<16xi32>
    %and3A_1319 = arith.andi %ge3A_1315, %lt3A_1318 : vector<16xi1>
    tpu.vector_store_idx %arg6[%sub3A_1312, %add3A_1307], %broadcast_in_dim3A_16 masked %and3A_1319 : memref<504x128xf32, #tpu.memory_space<vmem>>[vector<16xi32>, vector<16xi32>], vector<16xf32>, vector<16xi1>
    %add3A_1320 = arith.constant 256 : i32
    %add3A_1321 = arith.addi %mul3A_2, %add3A_1320 : i32
    %dma_start3A_1322 = arith.constant 0 : i32
    %dma_start3A_1323 = arith.constant 0 : i32
    %dma_start3A_1324 = tpu.memref_slice %arg6[%dma_start3A_1322, %dma_start3A_1323] : memref<504x128xf32, #tpu.memory_space<vmem>> -> memref<496x128xf32, #tpu.memory_space<vmem>>
    %dma_start3A_1325 = arith.constant 504 : i32
    %dma_start3A_1326 = tpu.memref_slice %arg3[%dma_start3A_1325, %add3A_1321] : memref<1000x16384xf32, #tpu.memory_space<hbm>> -> memref<496x128xf32, #tpu.memory_space<hbm>>
    %dma_start3A_1327 = arith.constant 504 : i32
    %dma_start3A_1328 = tpu.memref_slice %arg3[%dma_start3A_1327, %add3A_1321] : memref<1000x16384xf32, #tpu.memory_space<hbm>> -> memref<496x128xf32, #tpu.memory_space<hbm>>
    %dma_start3A_1329 = arith.constant 0 : i32
    %dma_start3A_1330 = arith.constant 0 : i32
    %dma_start3A_1331 = tpu.memref_slice %arg6[%dma_start3A_1329, %dma_start3A_1330] : memref<504x128xf32, #tpu.memory_space<vmem>> -> memref<496x128xf32, #tpu.memory_space<vmem>>
    tpu.enqueue_dma source(%dma_start3A_1331 : memref<496x128xf32, #tpu.memory_space<vmem>>) target(%dma_start3A_1328 : memref<496x128xf32, #tpu.memory_space<hbm>>) target_semaphore(%arg8 : memref<!tpu.dma_semaphore, #tpu.memory_space<semaphore_mem>>)
    %dma_wait3A_1332 = arith.constant 0 : i32
    %dma_wait3A_1333 = arith.constant 0 : i32
    %dma_wait3A_1334 = tpu.memref_slice %arg5[%dma_wait3A_1332, %dma_wait3A_1333] : memref<504x128xf32, #tpu.memory_space<vmem>> -> memref<504x128xf32, #tpu.memory_space<vmem>>
    %dma_wait3A_1335 = arith.constant 0 : i32
    %dma_wait3A_1336 = tpu.memref_slice %arg3[%dma_wait3A_1335, %add3A_1059] : memref<1000x16384xf32, #tpu.memory_space<hbm>> -> memref<504x128xf32, #tpu.memory_space<hbm>>
    %dma_wait3A_1337 = arith.constant 0 : i32
    %dma_wait3A_1338 = tpu.memref_slice %arg3[%dma_wait3A_1337, %add3A_1059] : memref<1000x16384xf32, #tpu.memory_space<hbm>> -> memref<504x128xf32, #tpu.memory_space<hbm>>
    %dma_wait3A_1339 = arith.constant 0 : i32
    %dma_wait3A_1340 = arith.constant 0 : i32
    %dma_wait3A_1341 = tpu.memref_slice %arg5[%dma_wait3A_1339, %dma_wait3A_1340] : memref<504x128xf32, #tpu.memory_space<vmem>> -> memref<504x128xf32, #tpu.memory_space<vmem>>
    tpu.wait_dma2 semaphore(%arg7 : memref<!tpu.dma_semaphore, #tpu.memory_space<semaphore_mem>>) src(%dma_wait3A_1341 : memref<504x128xf32, #tpu.memory_space<vmem>>) dst(%dma_wait3A_1338 : memref<504x128xf32, #tpu.memory_space<hbm>>)
    %add3A_1342 = arith.constant 0 : i32
    %add3A_1343 = vector.broadcast %add3A_1342 : i32 to vector<16xi32>
    %add3A_1344 = arith.addi %iota3A, %add3A_1343 : vector<16xi32>
    %get3A_1345 = arith.constant 256 : index
    %get3A_1346 = tpu.vector_load %arg4[%get3A_1345] {strides = array<i32>} : memref<512xi32, #tpu.memory_space<vmem>>, vector<16xi32>,
    %sub3A_1347 = arith.constant 0 : i32
    %sub3A_1348 = vector.broadcast %sub3A_1347 : i32 to vector<16xi32>
    %sub3A_1349 = arith.subi %get3A_1346, %sub3A_1348 : vector<16xi32>
    %ge3A_1350 = arith.constant 0 : i32
    %ge3A_1351 = vector.broadcast %ge3A_1350 : i32 to vector<16xi32>
    %ge3A_1352 = arith.cmpi sge, %sub3A_1349, %ge3A_1351 : vector<16xi32>
    %lt3A_1353 = arith.constant 504 : i32
    %lt3A_1354 = vector.broadcast %lt3A_1353 : i32 to vector<16xi32>
    %lt3A_1355 = arith.cmpi slt, %sub3A_1349, %lt3A_1354 : vector<16xi32>
    %and3A_1356 = arith.andi %ge3A_1352, %lt3A_1355 : vector<16xi1>
    tpu.vector_store_idx %arg5[%sub3A_1349, %add3A_1344], %broadcast_in_dim3A_18 masked %and3A_1356 : memref<504x128xf32, #tpu.memory_space<vmem>>[vector<16xi32>, vector<16xi32>], vector<16xf32>, vector<16xi1>
    %add3A_1357 = arith.constant 16 : i32
    %add3A_1358 = vector.broadcast %add3A_1357 : i32 to vector<16xi32>
    %add3A_1359 = arith.addi %iota3A, %add3A_1358 : vector<16xi32>
    %get3A_1360 = arith.constant 272 : index
    %get3A_1361 = tpu.vector_load %arg4[%get3A_1360] {strides = array<i32>} : memref<512xi32, #tpu.memory_space<vmem>>, vector<16xi32>,
    %sub3A_1362 = arith.constant 0 : i32
    %sub3A_1363 = vector.broadcast %sub3A_1362 : i32 to vector<16xi32>
    %sub3A_1364 = arith.subi %get3A_1361, %sub3A_1363 : vector<16xi32>
    %ge3A_1365 = arith.constant 0 : i32
    %ge3A_1366 = vector.broadcast %ge3A_1365 : i32 to vector<16xi32>
    %ge3A_1367 = arith.cmpi sge, %sub3A_1364, %ge3A_1366 : vector<16xi32>
    %lt3A_1368 = arith.constant 504 : i32
    %lt3A_1369 = vector.broadcast %lt3A_1368 : i32 to vector<16xi32>
    %lt3A_1370 = arith.cmpi slt, %sub3A_1364, %lt3A_1369 : vector<16xi32>
    %and3A_1371 = arith.andi %ge3A_1367, %lt3A_1370 : vector<16xi1>
    tpu.vector_store_idx %arg5[%sub3A_1364, %add3A_1359], %broadcast_in_dim3A_18 masked %and3A_1371 : memref<504x128xf32, #tpu.memory_space<vmem>>[vector<16xi32>, vector<16xi32>], vector<16xf32>, vector<16xi1>
    %add3A_1372 = arith.constant 32 : i32
    %add3A_1373 = vector.broadcast %add3A_1372 : i32 to vector<16xi32>
    %add3A_1374 = arith.addi %iota3A, %add3A_1373 : vector<16xi32>
    %get3A_1375 = arith.constant 288 : index
    %get3A_1376 = tpu.vector_load %arg4[%get3A_1375] {strides = array<i32>} : memref<512xi32, #tpu.memory_space<vmem>>, vector<16xi32>,
    %sub3A_1377 = arith.constant 0 : i32
    %sub3A_1378 = vector.broadcast %sub3A_1377 : i32 to vector<16xi32>
    %sub3A_1379 = arith.subi %get3A_1376, %sub3A_1378 : vector<16xi32>
    %ge3A_1380 = arith.constant 0 : i32
    %ge3A_1381 = vector.broadcast %ge3A_1380 : i32 to vector<16xi32>
    %ge3A_1382 = arith.cmpi sge, %sub3A_1379, %ge3A_1381 : vector<16xi32>
    %lt3A_1383 = arith.constant 504 : i32
    %lt3A_1384 = vector.broadcast %lt3A_1383 : i32 to vector<16xi32>
    %lt3A_1385 = arith.cmpi slt, %sub3A_1379, %lt3A_1384 : vector<16xi32>
    %and3A_1386 = arith.andi %ge3A_1382, %lt3A_1385 : vector<16xi1>
    tpu.vector_store_idx %arg5[%sub3A_1379, %add3A_1374], %broadcast_in_dim3A_18 masked %and3A_1386 : memref<504x128xf32, #tpu.memory_space<vmem>>[vector<16xi32>, vector<16xi32>], vector<16xf32>, vector<16xi1>
    %add3A_1387 = arith.constant 48 : i32
    %add3A_1388 = vector.broadcast %add3A_1387 : i32 to vector<16xi32>
    %add3A_1389 = arith.addi %iota3A, %add3A_1388 : vector<16xi32>
    %get3A_1390 = arith.constant 304 : index
    %get3A_1391 = tpu.vector_load %arg4[%get3A_1390] {strides = array<i32>} : memref<512xi32, #tpu.memory_space<vmem>>, vector<16xi32>,
    %sub3A_1392 = arith.constant 0 : i32
    %sub3A_1393 = vector.broadcast %sub3A_1392 : i32 to vector<16xi32>
    %sub3A_1394 = arith.subi %get3A_1391, %sub3A_1393 : vector<16xi32>
    %ge3A_1395 = arith.constant 0 : i32
    %ge3A_1396 = vector.broadcast %ge3A_1395 : i32 to vector<16xi32>
    %ge3A_1397 = arith.cmpi sge, %sub3A_1394, %ge3A_1396 : vector<16xi32>
    %lt3A_1398 = arith.constant 504 : i32
    %lt3A_1399 = vector.broadcast %lt3A_1398 : i32 to vector<16xi32>
    %lt3A_1400 = arith.cmpi slt, %sub3A_1394, %lt3A_1399 : vector<16xi32>
    %and3A_1401 = arith.andi %ge3A_1397, %lt3A_1400 : vector<16xi1>
    tpu.vector_store_idx %arg5[%sub3A_1394, %add3A_1389], %broadcast_in_dim3A_18 masked %and3A_1401 : memref<504x128xf32, #tpu.memory_space<vmem>>[vector<16xi32>, vector<16xi32>], vector<16xf32>, vector<16xi1>
    %add3A_1402 = arith.constant 64 : i32
    %add3A_1403 = vector.broadcast %add3A_1402 : i32 to vector<16xi32>
    %add3A_1404 = arith.addi %iota3A, %add3A_1403 : vector<16xi32>
    %get3A_1405 = arith.constant 320 : index
    %get3A_1406 = tpu.vector_load %arg4[%get3A_1405] {strides = array<i32>} : memref<512xi32, #tpu.memory_space<vmem>>, vector<16xi32>,
    %sub3A_1407 = arith.constant 0 : i32
    %sub3A_1408 = vector.broadcast %sub3A_1407 : i32 to vector<16xi32>
    %sub3A_1409 = arith.subi %get3A_1406, %sub3A_1408 : vector<16xi32>
    %ge3A_1410 = arith.constant 0 : i32
    %ge3A_1411 = vector.broadcast %ge3A_1410 : i32 to vector<16xi32>
    %ge3A_1412 = arith.cmpi sge, %sub3A_1409, %ge3A_1411 : vector<16xi32>
    %lt3A_1413 = arith.constant 504 : i32
    %lt3A_1414 = vector.broadcast %lt3A_1413 : i32 to vector<16xi32>
    %lt3A_1415 = arith.cmpi slt, %sub3A_1409, %lt3A_1414 : vector<16xi32>
    %and3A_1416 = arith.andi %ge3A_1412, %lt3A_1415 : vector<16xi1>
    tpu.vector_store_idx %arg5[%sub3A_1409, %add3A_1404], %broadcast_in_dim3A_18 masked %and3A_1416 : memref<504x128xf32, #tpu.memory_space<vmem>>[vector<16xi32>, vector<16xi32>], vector<16xf32>, vector<16xi1>
    %add3A_1417 = arith.constant 80 : i32
    %add3A_1418 = vector.broadcast %add3A_1417 : i32 to vector<16xi32>
    %add3A_1419 = arith.addi %iota3A, %add3A_1418 : vector<16xi32>
    %get3A_1420 = arith.constant 336 : index
    %get3A_1421 = tpu.vector_load %arg4[%get3A_1420] {strides = array<i32>} : memref<512xi32, #tpu.memory_space<vmem>>, vector<16xi32>,
    %sub3A_1422 = arith.constant 0 : i32
    %sub3A_1423 = vector.broadcast %sub3A_1422 : i32 to vector<16xi32>
    %sub3A_1424 = arith.subi %get3A_1421, %sub3A_1423 : vector<16xi32>
    %ge3A_1425 = arith.constant 0 : i32
    %ge3A_1426 = vector.broadcast %ge3A_1425 : i32 to vector<16xi32>
    %ge3A_1427 = arith.cmpi sge, %sub3A_1424, %ge3A_1426 : vector<16xi32>
    %lt3A_1428 = arith.constant 504 : i32
    %lt3A_1429 = vector.broadcast %lt3A_1428 : i32 to vector<16xi32>
    %lt3A_1430 = arith.cmpi slt, %sub3A_1424, %lt3A_1429 : vector<16xi32>
    %and3A_1431 = arith.andi %ge3A_1427, %lt3A_1430 : vector<16xi1>
    tpu.vector_store_idx %arg5[%sub3A_1424, %add3A_1419], %broadcast_in_dim3A_18 masked %and3A_1431 : memref<504x128xf32, #tpu.memory_space<vmem>>[vector<16xi32>, vector<16xi32>], vector<16xf32>, vector<16xi1>
    %add3A_1432 = arith.constant 96 : i32
    %add3A_1433 = vector.broadcast %add3A_1432 : i32 to vector<16xi32>
    %add3A_1434 = arith.addi %iota3A, %add3A_1433 : vector<16xi32>
    %get3A_1435 = arith.constant 352 : index
    %get3A_1436 = tpu.vector_load %arg4[%get3A_1435] {strides = array<i32>} : memref<512xi32, #tpu.memory_space<vmem>>, vector<16xi32>,
    %sub3A_1437 = arith.constant 0 : i32
    %sub3A_1438 = vector.broadcast %sub3A_1437 : i32 to vector<16xi32>
    %sub3A_1439 = arith.subi %get3A_1436, %sub3A_1438 : vector<16xi32>
    %ge3A_1440 = arith.constant 0 : i32
    %ge3A_1441 = vector.broadcast %ge3A_1440 : i32 to vector<16xi32>
    %ge3A_1442 = arith.cmpi sge, %sub3A_1439, %ge3A_1441 : vector<16xi32>
    %lt3A_1443 = arith.constant 504 : i32
    %lt3A_1444 = vector.broadcast %lt3A_1443 : i32 to vector<16xi32>
    %lt3A_1445 = arith.cmpi slt, %sub3A_1439, %lt3A_1444 : vector<16xi32>
    %and3A_1446 = arith.andi %ge3A_1442, %lt3A_1445 : vector<16xi1>
    tpu.vector_store_idx %arg5[%sub3A_1439, %add3A_1434], %broadcast_in_dim3A_18 masked %and3A_1446 : memref<504x128xf32, #tpu.memory_space<vmem>>[vector<16xi32>, vector<16xi32>], vector<16xf32>, vector<16xi1>
    %add3A_1447 = arith.constant 112 : i32
    %add3A_1448 = vector.broadcast %add3A_1447 : i32 to vector<16xi32>
    %add3A_1449 = arith.addi %iota3A, %add3A_1448 : vector<16xi32>
    %get3A_1450 = arith.constant 368 : index
    %get3A_1451 = tpu.vector_load %arg4[%get3A_1450] {strides = array<i32>} : memref<512xi32, #tpu.memory_space<vmem>>, vector<16xi32>,
    %sub3A_1452 = arith.constant 0 : i32
    %sub3A_1453 = vector.broadcast %sub3A_1452 : i32 to vector<16xi32>
    %sub3A_1454 = arith.subi %get3A_1451, %sub3A_1453 : vector<16xi32>
    %ge3A_1455 = arith.constant 0 : i32
    %ge3A_1456 = vector.broadcast %ge3A_1455 : i32 to vector<16xi32>
    %ge3A_1457 = arith.cmpi sge, %sub3A_1454, %ge3A_1456 : vector<16xi32>
    %lt3A_1458 = arith.constant 504 : i32
    %lt3A_1459 = vector.broadcast %lt3A_1458 : i32 to vector<16xi32>
    %lt3A_1460 = arith.cmpi slt, %sub3A_1454, %lt3A_1459 : vector<16xi32>
    %and3A_1461 = arith.andi %ge3A_1457, %lt3A_1460 : vector<16xi1>
    tpu.vector_store_idx %arg5[%sub3A_1454, %add3A_1449], %broadcast_in_dim3A_18 masked %and3A_1461 : memref<504x128xf32, #tpu.memory_space<vmem>>[vector<16xi32>, vector<16xi32>], vector<16xf32>, vector<16xi1>
    %add3A_1462 = arith.constant 0 : i32
    %add3A_1463 = vector.broadcast %add3A_1462 : i32 to vector<16xi32>
    %add3A_1464 = arith.addi %iota3A, %add3A_1463 : vector<16xi32>
    %get3A_1465 = arith.constant 384 : index
    %get3A_1466 = tpu.vector_load %arg4[%get3A_1465] {strides = array<i32>} : memref<512xi32, #tpu.memory_space<vmem>>, vector<16xi32>,
    %sub3A_1467 = arith.constant 0 : i32
    %sub3A_1468 = vector.broadcast %sub3A_1467 : i32 to vector<16xi32>
    %sub3A_1469 = arith.subi %get3A_1466, %sub3A_1468 : vector<16xi32>
    %ge3A_1470 = arith.constant 0 : i32
    %ge3A_1471 = vector.broadcast %ge3A_1470 : i32 to vector<16xi32>
    %ge3A_1472 = arith.cmpi sge, %sub3A_1469, %ge3A_1471 : vector<16xi32>
    %lt3A_1473 = arith.constant 504 : i32
    %lt3A_1474 = vector.broadcast %lt3A_1473 : i32 to vector<16xi32>
    %lt3A_1475 = arith.cmpi slt, %sub3A_1469, %lt3A_1474 : vector<16xi32>
    %and3A_1476 = arith.andi %ge3A_1472, %lt3A_1475 : vector<16xi1>
    tpu.vector_store_idx %arg5[%sub3A_1469, %add3A_1464], %broadcast_in_dim3A_16 masked %and3A_1476 : memref<504x128xf32, #tpu.memory_space<vmem>>[vector<16xi32>, vector<16xi32>], vector<16xf32>, vector<16xi1>
    %add3A_1477 = arith.constant 16 : i32
    %add3A_1478 = vector.broadcast %add3A_1477 : i32 to vector<16xi32>
    %add3A_1479 = arith.addi %iota3A, %add3A_1478 : vector<16xi32>
    %get3A_1480 = arith.constant 400 : index
    %get3A_1481 = tpu.vector_load %arg4[%get3A_1480] {strides = array<i32>} : memref<512xi32, #tpu.memory_space<vmem>>, vector<16xi32>,
    %sub3A_1482 = arith.constant 0 : i32
    %sub3A_1483 = vector.broadcast %sub3A_1482 : i32 to vector<16xi32>
    %sub3A_1484 = arith.subi %get3A_1481, %sub3A_1483 : vector<16xi32>
    %ge3A_1485 = arith.constant 0 : i32
    %ge3A_1486 = vector.broadcast %ge3A_1485 : i32 to vector<16xi32>
    %ge3A_1487 = arith.cmpi sge, %sub3A_1484, %ge3A_1486 : vector<16xi32>
    %lt3A_1488 = arith.constant 504 : i32
    %lt3A_1489 = vector.broadcast %lt3A_1488 : i32 to vector<16xi32>
    %lt3A_1490 = arith.cmpi slt, %sub3A_1484, %lt3A_1489 : vector<16xi32>
    %and3A_1491 = arith.andi %ge3A_1487, %lt3A_1490 : vector<16xi1>
    tpu.vector_store_idx %arg5[%sub3A_1484, %add3A_1479], %broadcast_in_dim3A_16 masked %and3A_1491 : memref<504x128xf32, #tpu.memory_space<vmem>>[vector<16xi32>, vector<16xi32>], vector<16xf32>, vector<16xi1>
    %add3A_1492 = arith.constant 32 : i32
    %add3A_1493 = vector.broadcast %add3A_1492 : i32 to vector<16xi32>
    %add3A_1494 = arith.addi %iota3A, %add3A_1493 : vector<16xi32>
    %get3A_1495 = arith.constant 416 : index
    %get3A_1496 = tpu.vector_load %arg4[%get3A_1495] {strides = array<i32>} : memref<512xi32, #tpu.memory_space<vmem>>, vector<16xi32>,
    %sub3A_1497 = arith.constant 0 : i32
    %sub3A_1498 = vector.broadcast %sub3A_1497 : i32 to vector<16xi32>
    %sub3A_1499 = arith.subi %get3A_1496, %sub3A_1498 : vector<16xi32>
    %ge3A_1500 = arith.constant 0 : i32
    %ge3A_1501 = vector.broadcast %ge3A_1500 : i32 to vector<16xi32>
    %ge3A_1502 = arith.cmpi sge, %sub3A_1499, %ge3A_1501 : vector<16xi32>
    %lt3A_1503 = arith.constant 504 : i32
    %lt3A_1504 = vector.broadcast %lt3A_1503 : i32 to vector<16xi32>
    %lt3A_1505 = arith.cmpi slt, %sub3A_1499, %lt3A_1504 : vector<16xi32>
    %and3A_1506 = arith.andi %ge3A_1502, %lt3A_1505 : vector<16xi1>
    tpu.vector_store_idx %arg5[%sub3A_1499, %add3A_1494], %broadcast_in_dim3A_16 masked %and3A_1506 : memref<504x128xf32, #tpu.memory_space<vmem>>[vector<16xi32>, vector<16xi32>], vector<16xf32>, vector<16xi1>
    %add3A_1507 = arith.constant 48 : i32
    %add3A_1508 = vector.broadcast %add3A_1507 : i32 to vector<16xi32>
    %add3A_1509 = arith.addi %iota3A, %add3A_1508 : vector<16xi32>
    %get3A_1510 = arith.constant 432 : index
    %get3A_1511 = tpu.vector_load %arg4[%get3A_1510] {strides = array<i32>} : memref<512xi32, #tpu.memory_space<vmem>>, vector<16xi32>,
    %sub3A_1512 = arith.constant 0 : i32
    %sub3A_1513 = vector.broadcast %sub3A_1512 : i32 to vector<16xi32>
    %sub3A_1514 = arith.subi %get3A_1511, %sub3A_1513 : vector<16xi32>
    %ge3A_1515 = arith.constant 0 : i32
    %ge3A_1516 = vector.broadcast %ge3A_1515 : i32 to vector<16xi32>
    %ge3A_1517 = arith.cmpi sge, %sub3A_1514, %ge3A_1516 : vector<16xi32>
    %lt3A_1518 = arith.constant 504 : i32
    %lt3A_1519 = vector.broadcast %lt3A_1518 : i32 to vector<16xi32>
    %lt3A_1520 = arith.cmpi slt, %sub3A_1514, %lt3A_1519 : vector<16xi32>
    %and3A_1521 = arith.andi %ge3A_1517, %lt3A_1520 : vector<16xi1>
    tpu.vector_store_idx %arg5[%sub3A_1514, %add3A_1509], %broadcast_in_dim3A_16 masked %and3A_1521 : memref<504x128xf32, #tpu.memory_space<vmem>>[vector<16xi32>, vector<16xi32>], vector<16xf32>, vector<16xi1>
    %add3A_1522 = arith.constant 64 : i32
    %add3A_1523 = vector.broadcast %add3A_1522 : i32 to vector<16xi32>
    %add3A_1524 = arith.addi %iota3A, %add3A_1523 : vector<16xi32>
    %get3A_1525 = arith.constant 448 : index
    %get3A_1526 = tpu.vector_load %arg4[%get3A_1525] {strides = array<i32>} : memref<512xi32, #tpu.memory_space<vmem>>, vector<16xi32>,
    %sub3A_1527 = arith.constant 0 : i32
    %sub3A_1528 = vector.broadcast %sub3A_1527 : i32 to vector<16xi32>
    %sub3A_1529 = arith.subi %get3A_1526, %sub3A_1528 : vector<16xi32>
    %ge3A_1530 = arith.constant 0 : i32
    %ge3A_1531 = vector.broadcast %ge3A_1530 : i32 to vector<16xi32>
    %ge3A_1532 = arith.cmpi sge, %sub3A_1529, %ge3A_1531 : vector<16xi32>
    %lt3A_1533 = arith.constant 504 : i32
    %lt3A_1534 = vector.broadcast %lt3A_1533 : i32 to vector<16xi32>
    %lt3A_1535 = arith.cmpi slt, %sub3A_1529, %lt3A_1534 : vector<16xi32>
    %and3A_1536 = arith.andi %ge3A_1532, %lt3A_1535 : vector<16xi1>
    tpu.vector_store_idx %arg5[%sub3A_1529, %add3A_1524], %broadcast_in_dim3A_16 masked %and3A_1536 : memref<504x128xf32, #tpu.memory_space<vmem>>[vector<16xi32>, vector<16xi32>], vector<16xf32>, vector<16xi1>
    %add3A_1537 = arith.constant 80 : i32
    %add3A_1538 = vector.broadcast %add3A_1537 : i32 to vector<16xi32>
    %add3A_1539 = arith.addi %iota3A, %add3A_1538 : vector<16xi32>
    %get3A_1540 = arith.constant 464 : index
    %get3A_1541 = tpu.vector_load %arg4[%get3A_1540] {strides = array<i32>} : memref<512xi32, #tpu.memory_space<vmem>>, vector<16xi32>,
    %sub3A_1542 = arith.constant 0 : i32
    %sub3A_1543 = vector.broadcast %sub3A_1542 : i32 to vector<16xi32>
    %sub3A_1544 = arith.subi %get3A_1541, %sub3A_1543 : vector<16xi32>
    %ge3A_1545 = arith.constant 0 : i32
    %ge3A_1546 = vector.broadcast %ge3A_1545 : i32 to vector<16xi32>
    %ge3A_1547 = arith.cmpi sge, %sub3A_1544, %ge3A_1546 : vector<16xi32>
    %lt3A_1548 = arith.constant 504 : i32
    %lt3A_1549 = vector.broadcast %lt3A_1548 : i32 to vector<16xi32>
    %lt3A_1550 = arith.cmpi slt, %sub3A_1544, %lt3A_1549 : vector<16xi32>
    %and3A_1551 = arith.andi %ge3A_1547, %lt3A_1550 : vector<16xi1>
    tpu.vector_store_idx %arg5[%sub3A_1544, %add3A_1539], %broadcast_in_dim3A_16 masked %and3A_1551 : memref<504x128xf32, #tpu.memory_space<vmem>>[vector<16xi32>, vector<16xi32>], vector<16xf32>, vector<16xi1>
    %add3A_1552 = arith.constant 96 : i32
    %add3A_1553 = vector.broadcast %add3A_1552 : i32 to vector<16xi32>
    %add3A_1554 = arith.addi %iota3A, %add3A_1553 : vector<16xi32>
    %get3A_1555 = arith.constant 480 : index
    %get3A_1556 = tpu.vector_load %arg4[%get3A_1555] {strides = array<i32>} : memref<512xi32, #tpu.memory_space<vmem>>, vector<16xi32>,
    %sub3A_1557 = arith.constant 0 : i32
    %sub3A_1558 = vector.broadcast %sub3A_1557 : i32 to vector<16xi32>
    %sub3A_1559 = arith.subi %get3A_1556, %sub3A_1558 : vector<16xi32>
    %ge3A_1560 = arith.constant 0 : i32
    %ge3A_1561 = vector.broadcast %ge3A_1560 : i32 to vector<16xi32>
    %ge3A_1562 = arith.cmpi sge, %sub3A_1559, %ge3A_1561 : vector<16xi32>
    %lt3A_1563 = arith.constant 504 : i32
    %lt3A_1564 = vector.broadcast %lt3A_1563 : i32 to vector<16xi32>
    %lt3A_1565 = arith.cmpi slt, %sub3A_1559, %lt3A_1564 : vector<16xi32>
    %and3A_1566 = arith.andi %ge3A_1562, %lt3A_1565 : vector<16xi1>
    tpu.vector_store_idx %arg5[%sub3A_1559, %add3A_1554], %broadcast_in_dim3A_16 masked %and3A_1566 : memref<504x128xf32, #tpu.memory_space<vmem>>[vector<16xi32>, vector<16xi32>], vector<16xf32>, vector<16xi1>
    %add3A_1567 = arith.constant 112 : i32
    %add3A_1568 = vector.broadcast %add3A_1567 : i32 to vector<16xi32>
    %add3A_1569 = arith.addi %iota3A, %add3A_1568 : vector<16xi32>
    %get3A_1570 = arith.constant 496 : index
    %get3A_1571 = tpu.vector_load %arg4[%get3A_1570] {strides = array<i32>} : memref<512xi32, #tpu.memory_space<vmem>>, vector<16xi32>,
    %sub3A_1572 = arith.constant 0 : i32
    %sub3A_1573 = vector.broadcast %sub3A_1572 : i32 to vector<16xi32>
    %sub3A_1574 = arith.subi %get3A_1571, %sub3A_1573 : vector<16xi32>
    %ge3A_1575 = arith.constant 0 : i32
    %ge3A_1576 = vector.broadcast %ge3A_1575 : i32 to vector<16xi32>
    %ge3A_1577 = arith.cmpi sge, %sub3A_1574, %ge3A_1576 : vector<16xi32>
    %lt3A_1578 = arith.constant 504 : i32
    %lt3A_1579 = vector.broadcast %lt3A_1578 : i32 to vector<16xi32>
    %lt3A_1580 = arith.cmpi slt, %sub3A_1574, %lt3A_1579 : vector<16xi32>
    %and3A_1581 = arith.andi %ge3A_1577, %lt3A_1580 : vector<16xi1>
    tpu.vector_store_idx %arg5[%sub3A_1574, %add3A_1569], %broadcast_in_dim3A_16 masked %and3A_1581 : memref<504x128xf32, #tpu.memory_space<vmem>>[vector<16xi32>, vector<16xi32>], vector<16xf32>, vector<16xi1>
    %add3A_1582 = arith.constant 384 : i32
    %add3A_1583 = arith.addi %mul3A_2, %add3A_1582 : i32
    %dma_start3A_1584 = arith.constant 0 : i32
    %dma_start3A_1585 = arith.constant 0 : i32
    %dma_start3A_1586 = tpu.memref_slice %arg5[%dma_start3A_1584, %dma_start3A_1585] : memref<504x128xf32, #tpu.memory_space<vmem>> -> memref<504x128xf32, #tpu.memory_space<vmem>>
    %dma_start3A_1587 = arith.constant 0 : i32
    %dma_start3A_1588 = tpu.memref_slice %arg3[%dma_start3A_1587, %add3A_1583] : memref<1000x16384xf32, #tpu.memory_space<hbm>> -> memref<504x128xf32, #tpu.memory_space<hbm>>
    %dma_start3A_1589 = arith.constant 0 : i32
    %dma_start3A_1590 = tpu.memref_slice %arg3[%dma_start3A_1589, %add3A_1583] : memref<1000x16384xf32, #tpu.memory_space<hbm>> -> memref<504x128xf32, #tpu.memory_space<hbm>>
    %dma_start3A_1591 = arith.constant 0 : i32
    %dma_start3A_1592 = arith.constant 0 : i32
    %dma_start3A_1593 = tpu.memref_slice %arg5[%dma_start3A_1591, %dma_start3A_1592] : memref<504x128xf32, #tpu.memory_space<vmem>> -> memref<504x128xf32, #tpu.memory_space<vmem>>
    tpu.enqueue_dma source(%dma_start3A_1593 : memref<504x128xf32, #tpu.memory_space<vmem>>) target(%dma_start3A_1590 : memref<504x128xf32, #tpu.memory_space<hbm>>) target_semaphore(%arg7 : memref<!tpu.dma_semaphore, #tpu.memory_space<semaphore_mem>>)
    %dma_wait3A_1594 = arith.constant 0 : i32
    %dma_wait3A_1595 = arith.constant 0 : i32
    %dma_wait3A_1596 = tpu.memref_slice %arg6[%dma_wait3A_1594, %dma_wait3A_1595] : memref<504x128xf32, #tpu.memory_space<vmem>> -> memref<496x128xf32, #tpu.memory_space<vmem>>
    %dma_wait3A_1597 = arith.constant 504 : i32
    %dma_wait3A_1598 = tpu.memref_slice %arg3[%dma_wait3A_1597, %add3A_1321] : memref<1000x16384xf32, #tpu.memory_space<hbm>> -> memref<496x128xf32, #tpu.memory_space<hbm>>
    %dma_wait3A_1599 = arith.constant 504 : i32
    %dma_wait3A_1600 = tpu.memref_slice %arg3[%dma_wait3A_1599, %add3A_1321] : memref<1000x16384xf32, #tpu.memory_space<hbm>> -> memref<496x128xf32, #tpu.memory_space<hbm>>
    %dma_wait3A_1601 = arith.constant 0 : i32
    %dma_wait3A_1602 = arith.constant 0 : i32
    %dma_wait3A_1603 = tpu.memref_slice %arg6[%dma_wait3A_1601, %dma_wait3A_1602] : memref<504x128xf32, #tpu.memory_space<vmem>> -> memref<496x128xf32, #tpu.memory_space<vmem>>
    tpu.wait_dma2 semaphore(%arg8 : memref<!tpu.dma_semaphore, #tpu.memory_space<semaphore_mem>>) src(%dma_wait3A_1603 : memref<496x128xf32, #tpu.memory_space<vmem>>) dst(%dma_wait3A_1600 : memref<496x128xf32, #tpu.memory_space<hbm>>)
    %add3A_1604 = arith.constant 0 : i32
    %add3A_1605 = vector.broadcast %add3A_1604 : i32 to vector<16xi32>
    %add3A_1606 = arith.addi %iota3A, %add3A_1605 : vector<16xi32>
    %get3A_1607 = arith.constant 256 : index
    %get3A_1608 = tpu.vector_load %arg4[%get3A_1607] {strides = array<i32>} : memref<512xi32, #tpu.memory_space<vmem>>, vector<16xi32>,
    %sub3A_1609 = arith.constant 504 : i32
    %sub3A_1610 = vector.broadcast %sub3A_1609 : i32 to vector<16xi32>
    %sub3A_1611 = arith.subi %get3A_1608, %sub3A_1610 : vector<16xi32>
    %ge3A_1612 = arith.constant 0 : i32
    %ge3A_1613 = vector.broadcast %ge3A_1612 : i32 to vector<16xi32>
    %ge3A_1614 = arith.cmpi sge, %sub3A_1611, %ge3A_1613 : vector<16xi32>
    %lt3A_1615 = arith.constant 496 : i32
    %lt3A_1616 = vector.broadcast %lt3A_1615 : i32 to vector<16xi32>
    %lt3A_1617 = arith.cmpi slt, %sub3A_1611, %lt3A_1616 : vector<16xi32>
    %and3A_1618 = arith.andi %ge3A_1614, %lt3A_1617 : vector<16xi1>
    tpu.vector_store_idx %arg6[%sub3A_1611, %add3A_1606], %broadcast_in_dim3A_18 masked %and3A_1618 : memref<504x128xf32, #tpu.memory_space<vmem>>[vector<16xi32>, vector<16xi32>], vector<16xf32>, vector<16xi1>
    %add3A_1619 = arith.constant 16 : i32
    %add3A_1620 = vector.broadcast %add3A_1619 : i32 to vector<16xi32>
    %add3A_1621 = arith.addi %iota3A, %add3A_1620 : vector<16xi32>
    %get3A_1622 = arith.constant 272 : index
    %get3A_1623 = tpu.vector_load %arg4[%get3A_1622] {strides = array<i32>} : memref<512xi32, #tpu.memory_space<vmem>>, vector<16xi32>,
    %sub3A_1624 = arith.constant 504 : i32
    %sub3A_1625 = vector.broadcast %sub3A_1624 : i32 to vector<16xi32>
    %sub3A_1626 = arith.subi %get3A_1623, %sub3A_1625 : vector<16xi32>
    %ge3A_1627 = arith.constant 0 : i32
    %ge3A_1628 = vector.broadcast %ge3A_1627 : i32 to vector<16xi32>
    %ge3A_1629 = arith.cmpi sge, %sub3A_1626, %ge3A_1628 : vector<16xi32>
    %lt3A_1630 = arith.constant 496 : i32
    %lt3A_1631 = vector.broadcast %lt3A_1630 : i32 to vector<16xi32>
    %lt3A_1632 = arith.cmpi slt, %sub3A_1626, %lt3A_1631 : vector<16xi32>
    %and3A_1633 = arith.andi %ge3A_1629, %lt3A_1632 : vector<16xi1>
    tpu.vector_store_idx %arg6[%sub3A_1626, %add3A_1621], %broadcast_in_dim3A_18 masked %and3A_1633 : memref<504x128xf32, #tpu.memory_space<vmem>>[vector<16xi32>, vector<16xi32>], vector<16xf32>, vector<16xi1>
    %add3A_1634 = arith.constant 32 : i32
    %add3A_1635 = vector.broadcast %add3A_1634 : i32 to vector<16xi32>
    %add3A_1636 = arith.addi %iota3A, %add3A_1635 : vector<16xi32>
    %get3A_1637 = arith.constant 288 : index
    %get3A_1638 = tpu.vector_load %arg4[%get3A_1637] {strides = array<i32>} : memref<512xi32, #tpu.memory_space<vmem>>, vector<16xi32>,
    %sub3A_1639 = arith.constant 504 : i32
    %sub3A_1640 = vector.broadcast %sub3A_1639 : i32 to vector<16xi32>
    %sub3A_1641 = arith.subi %get3A_1638, %sub3A_1640 : vector<16xi32>
    %ge3A_1642 = arith.constant 0 : i32
    %ge3A_1643 = vector.broadcast %ge3A_1642 : i32 to vector<16xi32>
    %ge3A_1644 = arith.cmpi sge, %sub3A_1641, %ge3A_1643 : vector<16xi32>
    %lt3A_1645 = arith.constant 496 : i32
    %lt3A_1646 = vector.broadcast %lt3A_1645 : i32 to vector<16xi32>
    %lt3A_1647 = arith.cmpi slt, %sub3A_1641, %lt3A_1646 : vector<16xi32>
    %and3A_1648 = arith.andi %ge3A_1644, %lt3A_1647 : vector<16xi1>
    tpu.vector_store_idx %arg6[%sub3A_1641, %add3A_1636], %broadcast_in_dim3A_18 masked %and3A_1648 : memref<504x128xf32, #tpu.memory_space<vmem>>[vector<16xi32>, vector<16xi32>], vector<16xf32>, vector<16xi1>
    %add3A_1649 = arith.constant 48 : i32
    %add3A_1650 = vector.broadcast %add3A_1649 : i32 to vector<16xi32>
    %add3A_1651 = arith.addi %iota3A, %add3A_1650 : vector<16xi32>
    %get3A_1652 = arith.constant 304 : index
    %get3A_1653 = tpu.vector_load %arg4[%get3A_1652] {strides = array<i32>} : memref<512xi32, #tpu.memory_space<vmem>>, vector<16xi32>,
    %sub3A_1654 = arith.constant 504 : i32
    %sub3A_1655 = vector.broadcast %sub3A_1654 : i32 to vector<16xi32>
    %sub3A_1656 = arith.subi %get3A_1653, %sub3A_1655 : vector<16xi32>
    %ge3A_1657 = arith.constant 0 : i32
    %ge3A_1658 = vector.broadcast %ge3A_1657 : i32 to vector<16xi32>
    %ge3A_1659 = arith.cmpi sge, %sub3A_1656, %ge3A_1658 : vector<16xi32>
    %lt3A_1660 = arith.constant 496 : i32
    %lt3A_1661 = vector.broadcast %lt3A_1660 : i32 to vector<16xi32>
    %lt3A_1662 = arith.cmpi slt, %sub3A_1656, %lt3A_1661 : vector<16xi32>
    %and3A_1663 = arith.andi %ge3A_1659, %lt3A_1662 : vector<16xi1>
    tpu.vector_store_idx %arg6[%sub3A_1656, %add3A_1651], %broadcast_in_dim3A_18 masked %and3A_1663 : memref<504x128xf32, #tpu.memory_space<vmem>>[vector<16xi32>, vector<16xi32>], vector<16xf32>, vector<16xi1>
    %add3A_1664 = arith.constant 64 : i32
    %add3A_1665 = vector.broadcast %add3A_1664 : i32 to vector<16xi32>
    %add3A_1666 = arith.addi %iota3A, %add3A_1665 : vector<16xi32>
    %get3A_1667 = arith.constant 320 : index
    %get3A_1668 = tpu.vector_load %arg4[%get3A_1667] {strides = array<i32>} : memref<512xi32, #tpu.memory_space<vmem>>, vector<16xi32>,
    %sub3A_1669 = arith.constant 504 : i32
    %sub3A_1670 = vector.broadcast %sub3A_1669 : i32 to vector<16xi32>
    %sub3A_1671 = arith.subi %get3A_1668, %sub3A_1670 : vector<16xi32>
    %ge3A_1672 = arith.constant 0 : i32
    %ge3A_1673 = vector.broadcast %ge3A_1672 : i32 to vector<16xi32>
    %ge3A_1674 = arith.cmpi sge, %sub3A_1671, %ge3A_1673 : vector<16xi32>
    %lt3A_1675 = arith.constant 496 : i32
    %lt3A_1676 = vector.broadcast %lt3A_1675 : i32 to vector<16xi32>
    %lt3A_1677 = arith.cmpi slt, %sub3A_1671, %lt3A_1676 : vector<16xi32>
    %and3A_1678 = arith.andi %ge3A_1674, %lt3A_1677 : vector<16xi1>
    tpu.vector_store_idx %arg6[%sub3A_1671, %add3A_1666], %broadcast_in_dim3A_18 masked %and3A_1678 : memref<504x128xf32, #tpu.memory_space<vmem>>[vector<16xi32>, vector<16xi32>], vector<16xf32>, vector<16xi1>
    %add3A_1679 = arith.constant 80 : i32
    %add3A_1680 = vector.broadcast %add3A_1679 : i32 to vector<16xi32>
    %add3A_1681 = arith.addi %iota3A, %add3A_1680 : vector<16xi32>
    %get3A_1682 = arith.constant 336 : index
    %get3A_1683 = tpu.vector_load %arg4[%get3A_1682] {strides = array<i32>} : memref<512xi32, #tpu.memory_space<vmem>>, vector<16xi32>,
    %sub3A_1684 = arith.constant 504 : i32
    %sub3A_1685 = vector.broadcast %sub3A_1684 : i32 to vector<16xi32>
    %sub3A_1686 = arith.subi %get3A_1683, %sub3A_1685 : vector<16xi32>
    %ge3A_1687 = arith.constant 0 : i32
    %ge3A_1688 = vector.broadcast %ge3A_1687 : i32 to vector<16xi32>
    %ge3A_1689 = arith.cmpi sge, %sub3A_1686, %ge3A_1688 : vector<16xi32>
    %lt3A_1690 = arith.constant 496 : i32
    %lt3A_1691 = vector.broadcast %lt3A_1690 : i32 to vector<16xi32>
    %lt3A_1692 = arith.cmpi slt, %sub3A_1686, %lt3A_1691 : vector<16xi32>
    %and3A_1693 = arith.andi %ge3A_1689, %lt3A_1692 : vector<16xi1>
    tpu.vector_store_idx %arg6[%sub3A_1686, %add3A_1681], %broadcast_in_dim3A_18 masked %and3A_1693 : memref<504x128xf32, #tpu.memory_space<vmem>>[vector<16xi32>, vector<16xi32>], vector<16xf32>, vector<16xi1>
    %add3A_1694 = arith.constant 96 : i32
    %add3A_1695 = vector.broadcast %add3A_1694 : i32 to vector<16xi32>
    %add3A_1696 = arith.addi %iota3A, %add3A_1695 : vector<16xi32>
    %get3A_1697 = arith.constant 352 : index
    %get3A_1698 = tpu.vector_load %arg4[%get3A_1697] {strides = array<i32>} : memref<512xi32, #tpu.memory_space<vmem>>, vector<16xi32>,
    %sub3A_1699 = arith.constant 504 : i32
    %sub3A_1700 = vector.broadcast %sub3A_1699 : i32 to vector<16xi32>
    %sub3A_1701 = arith.subi %get3A_1698, %sub3A_1700 : vector<16xi32>
    %ge3A_1702 = arith.constant 0 : i32
    %ge3A_1703 = vector.broadcast %ge3A_1702 : i32 to vector<16xi32>
    %ge3A_1704 = arith.cmpi sge, %sub3A_1701, %ge3A_1703 : vector<16xi32>
    %lt3A_1705 = arith.constant 496 : i32
    %lt3A_1706 = vector.broadcast %lt3A_1705 : i32 to vector<16xi32>
    %lt3A_1707 = arith.cmpi slt, %sub3A_1701, %lt3A_1706 : vector<16xi32>
    %and3A_1708 = arith.andi %ge3A_1704, %lt3A_1707 : vector<16xi1>
    tpu.vector_store_idx %arg6[%sub3A_1701, %add3A_1696], %broadcast_in_dim3A_18 masked %and3A_1708 : memref<504x128xf32, #tpu.memory_space<vmem>>[vector<16xi32>, vector<16xi32>], vector<16xf32>, vector<16xi1>
    %add3A_1709 = arith.constant 112 : i32
    %add3A_1710 = vector.broadcast %add3A_1709 : i32 to vector<16xi32>
    %add3A_1711 = arith.addi %iota3A, %add3A_1710 : vector<16xi32>
    %get3A_1712 = arith.constant 368 : index
    %get3A_1713 = tpu.vector_load %arg4[%get3A_1712] {strides = array<i32>} : memref<512xi32, #tpu.memory_space<vmem>>, vector<16xi32>,
    %sub3A_1714 = arith.constant 504 : i32
    %sub3A_1715 = vector.broadcast %sub3A_1714 : i32 to vector<16xi32>
    %sub3A_1716 = arith.subi %get3A_1713, %sub3A_1715 : vector<16xi32>
    %ge3A_1717 = arith.constant 0 : i32
    %ge3A_1718 = vector.broadcast %ge3A_1717 : i32 to vector<16xi32>
    %ge3A_1719 = arith.cmpi sge, %sub3A_1716, %ge3A_1718 : vector<16xi32>
    %lt3A_1720 = arith.constant 496 : i32
    %lt3A_1721 = vector.broadcast %lt3A_1720 : i32 to vector<16xi32>
    %lt3A_1722 = arith.cmpi slt, %sub3A_1716, %lt3A_1721 : vector<16xi32>
    %and3A_1723 = arith.andi %ge3A_1719, %lt3A_1722 : vector<16xi1>
    tpu.vector_store_idx %arg6[%sub3A_1716, %add3A_1711], %broadcast_in_dim3A_18 masked %and3A_1723 : memref<504x128xf32, #tpu.memory_space<vmem>>[vector<16xi32>, vector<16xi32>], vector<16xf32>, vector<16xi1>
    %add3A_1724 = arith.constant 0 : i32
    %add3A_1725 = vector.broadcast %add3A_1724 : i32 to vector<16xi32>
    %add3A_1726 = arith.addi %iota3A, %add3A_1725 : vector<16xi32>
    %get3A_1727 = arith.constant 384 : index
    %get3A_1728 = tpu.vector_load %arg4[%get3A_1727] {strides = array<i32>} : memref<512xi32, #tpu.memory_space<vmem>>, vector<16xi32>,
    %sub3A_1729 = arith.constant 504 : i32
    %sub3A_1730 = vector.broadcast %sub3A_1729 : i32 to vector<16xi32>
    %sub3A_1731 = arith.subi %get3A_1728, %sub3A_1730 : vector<16xi32>
    %ge3A_1732 = arith.constant 0 : i32
    %ge3A_1733 = vector.broadcast %ge3A_1732 : i32 to vector<16xi32>
    %ge3A_1734 = arith.cmpi sge, %sub3A_1731, %ge3A_1733 : vector<16xi32>
    %lt3A_1735 = arith.constant 496 : i32
    %lt3A_1736 = vector.broadcast %lt3A_1735 : i32 to vector<16xi32>
    %lt3A_1737 = arith.cmpi slt, %sub3A_1731, %lt3A_1736 : vector<16xi32>
    %and3A_1738 = arith.andi %ge3A_1734, %lt3A_1737 : vector<16xi1>
    tpu.vector_store_idx %arg6[%sub3A_1731, %add3A_1726], %broadcast_in_dim3A_16 masked %and3A_1738 : memref<504x128xf32, #tpu.memory_space<vmem>>[vector<16xi32>, vector<16xi32>], vector<16xf32>, vector<16xi1>
    %add3A_1739 = arith.constant 16 : i32
    %add3A_1740 = vector.broadcast %add3A_1739 : i32 to vector<16xi32>
    %add3A_1741 = arith.addi %iota3A, %add3A_1740 : vector<16xi32>
    %get3A_1742 = arith.constant 400 : index
    %get3A_1743 = tpu.vector_load %arg4[%get3A_1742] {strides = array<i32>} : memref<512xi32, #tpu.memory_space<vmem>>, vector<16xi32>,
    %sub3A_1744 = arith.constant 504 : i32
    %sub3A_1745 = vector.broadcast %sub3A_1744 : i32 to vector<16xi32>
    %sub3A_1746 = arith.subi %get3A_1743, %sub3A_1745 : vector<16xi32>
    %ge3A_1747 = arith.constant 0 : i32
    %ge3A_1748 = vector.broadcast %ge3A_1747 : i32 to vector<16xi32>
    %ge3A_1749 = arith.cmpi sge, %sub3A_1746, %ge3A_1748 : vector<16xi32>
    %lt3A_1750 = arith.constant 496 : i32
    %lt3A_1751 = vector.broadcast %lt3A_1750 : i32 to vector<16xi32>
    %lt3A_1752 = arith.cmpi slt, %sub3A_1746, %lt3A_1751 : vector<16xi32>
    %and3A_1753 = arith.andi %ge3A_1749, %lt3A_1752 : vector<16xi1>
    tpu.vector_store_idx %arg6[%sub3A_1746, %add3A_1741], %broadcast_in_dim3A_16 masked %and3A_1753 : memref<504x128xf32, #tpu.memory_space<vmem>>[vector<16xi32>, vector<16xi32>], vector<16xf32>, vector<16xi1>
    %add3A_1754 = arith.constant 32 : i32
    %add3A_1755 = vector.broadcast %add3A_1754 : i32 to vector<16xi32>
    %add3A_1756 = arith.addi %iota3A, %add3A_1755 : vector<16xi32>
    %get3A_1757 = arith.constant 416 : index
    %get3A_1758 = tpu.vector_load %arg4[%get3A_1757] {strides = array<i32>} : memref<512xi32, #tpu.memory_space<vmem>>, vector<16xi32>,
    %sub3A_1759 = arith.constant 504 : i32
    %sub3A_1760 = vector.broadcast %sub3A_1759 : i32 to vector<16xi32>
    %sub3A_1761 = arith.subi %get3A_1758, %sub3A_1760 : vector<16xi32>
    %ge3A_1762 = arith.constant 0 : i32
    %ge3A_1763 = vector.broadcast %ge3A_1762 : i32 to vector<16xi32>
    %ge3A_1764 = arith.cmpi sge, %sub3A_1761, %ge3A_1763 : vector<16xi32>
    %lt3A_1765 = arith.constant 496 : i32
    %lt3A_1766 = vector.broadcast %lt3A_1765 : i32 to vector<16xi32>
    %lt3A_1767 = arith.cmpi slt, %sub3A_1761, %lt3A_1766 : vector<16xi32>
    %and3A_1768 = arith.andi %ge3A_1764, %lt3A_1767 : vector<16xi1>
    tpu.vector_store_idx %arg6[%sub3A_1761, %add3A_1756], %broadcast_in_dim3A_16 masked %and3A_1768 : memref<504x128xf32, #tpu.memory_space<vmem>>[vector<16xi32>, vector<16xi32>], vector<16xf32>, vector<16xi1>
    %add3A_1769 = arith.constant 48 : i32
    %add3A_1770 = vector.broadcast %add3A_1769 : i32 to vector<16xi32>
    %add3A_1771 = arith.addi %iota3A, %add3A_1770 : vector<16xi32>
    %get3A_1772 = arith.constant 432 : index
    %get3A_1773 = tpu.vector_load %arg4[%get3A_1772] {strides = array<i32>} : memref<512xi32, #tpu.memory_space<vmem>>, vector<16xi32>,
    %sub3A_1774 = arith.constant 504 : i32
    %sub3A_1775 = vector.broadcast %sub3A_1774 : i32 to vector<16xi32>
    %sub3A_1776 = arith.subi %get3A_1773, %sub3A_1775 : vector<16xi32>
    %ge3A_1777 = arith.constant 0 : i32
    %ge3A_1778 = vector.broadcast %ge3A_1777 : i32 to vector<16xi32>
    %ge3A_1779 = arith.cmpi sge, %sub3A_1776, %ge3A_1778 : vector<16xi32>
    %lt3A_1780 = arith.constant 496 : i32
    %lt3A_1781 = vector.broadcast %lt3A_1780 : i32 to vector<16xi32>
    %lt3A_1782 = arith.cmpi slt, %sub3A_1776, %lt3A_1781 : vector<16xi32>
    %and3A_1783 = arith.andi %ge3A_1779, %lt3A_1782 : vector<16xi1>
    tpu.vector_store_idx %arg6[%sub3A_1776, %add3A_1771], %broadcast_in_dim3A_16 masked %and3A_1783 : memref<504x128xf32, #tpu.memory_space<vmem>>[vector<16xi32>, vector<16xi32>], vector<16xf32>, vector<16xi1>
    %add3A_1784 = arith.constant 64 : i32
    %add3A_1785 = vector.broadcast %add3A_1784 : i32 to vector<16xi32>
    %add3A_1786 = arith.addi %iota3A, %add3A_1785 : vector<16xi32>
    %get3A_1787 = arith.constant 448 : index
    %get3A_1788 = tpu.vector_load %arg4[%get3A_1787] {strides = array<i32>} : memref<512xi32, #tpu.memory_space<vmem>>, vector<16xi32>,
    %sub3A_1789 = arith.constant 504 : i32
    %sub3A_1790 = vector.broadcast %sub3A_1789 : i32 to vector<16xi32>
    %sub3A_1791 = arith.subi %get3A_1788, %sub3A_1790 : vector<16xi32>
    %ge3A_1792 = arith.constant 0 : i32
    %ge3A_1793 = vector.broadcast %ge3A_1792 : i32 to vector<16xi32>
    %ge3A_1794 = arith.cmpi sge, %sub3A_1791, %ge3A_1793 : vector<16xi32>
    %lt3A_1795 = arith.constant 496 : i32
    %lt3A_1796 = vector.broadcast %lt3A_1795 : i32 to vector<16xi32>
    %lt3A_1797 = arith.cmpi slt, %sub3A_1791, %lt3A_1796 : vector<16xi32>
    %and3A_1798 = arith.andi %ge3A_1794, %lt3A_1797 : vector<16xi1>
    tpu.vector_store_idx %arg6[%sub3A_1791, %add3A_1786], %broadcast_in_dim3A_16 masked %and3A_1798 : memref<504x128xf32, #tpu.memory_space<vmem>>[vector<16xi32>, vector<16xi32>], vector<16xf32>, vector<16xi1>
    %add3A_1799 = arith.constant 80 : i32
    %add3A_1800 = vector.broadcast %add3A_1799 : i32 to vector<16xi32>
    %add3A_1801 = arith.addi %iota3A, %add3A_1800 : vector<16xi32>
    %get3A_1802 = arith.constant 464 : index
    %get3A_1803 = tpu.vector_load %arg4[%get3A_1802] {strides = array<i32>} : memref<512xi32, #tpu.memory_space<vmem>>, vector<16xi32>,
    %sub3A_1804 = arith.constant 504 : i32
    %sub3A_1805 = vector.broadcast %sub3A_1804 : i32 to vector<16xi32>
    %sub3A_1806 = arith.subi %get3A_1803, %sub3A_1805 : vector<16xi32>
    %ge3A_1807 = arith.constant 0 : i32
    %ge3A_1808 = vector.broadcast %ge3A_1807 : i32 to vector<16xi32>
    %ge3A_1809 = arith.cmpi sge, %sub3A_1806, %ge3A_1808 : vector<16xi32>
    %lt3A_1810 = arith.constant 496 : i32
    %lt3A_1811 = vector.broadcast %lt3A_1810 : i32 to vector<16xi32>
    %lt3A_1812 = arith.cmpi slt, %sub3A_1806, %lt3A_1811 : vector<16xi32>
    %and3A_1813 = arith.andi %ge3A_1809, %lt3A_1812 : vector<16xi1>
    tpu.vector_store_idx %arg6[%sub3A_1806, %add3A_1801], %broadcast_in_dim3A_16 masked %and3A_1813 : memref<504x128xf32, #tpu.memory_space<vmem>>[vector<16xi32>, vector<16xi32>], vector<16xf32>, vector<16xi1>
    %add3A_1814 = arith.constant 96 : i32
    %add3A_1815 = vector.broadcast %add3A_1814 : i32 to vector<16xi32>
    %add3A_1816 = arith.addi %iota3A, %add3A_1815 : vector<16xi32>
    %get3A_1817 = arith.constant 480 : index
    %get3A_1818 = tpu.vector_load %arg4[%get3A_1817] {strides = array<i32>} : memref<512xi32, #tpu.memory_space<vmem>>, vector<16xi32>,
    %sub3A_1819 = arith.constant 504 : i32
    %sub3A_1820 = vector.broadcast %sub3A_1819 : i32 to vector<16xi32>
    %sub3A_1821 = arith.subi %get3A_1818, %sub3A_1820 : vector<16xi32>
    %ge3A_1822 = arith.constant 0 : i32
    %ge3A_1823 = vector.broadcast %ge3A_1822 : i32 to vector<16xi32>
    %ge3A_1824 = arith.cmpi sge, %sub3A_1821, %ge3A_1823 : vector<16xi32>
    %lt3A_1825 = arith.constant 496 : i32
    %lt3A_1826 = vector.broadcast %lt3A_1825 : i32 to vector<16xi32>
    %lt3A_1827 = arith.cmpi slt, %sub3A_1821, %lt3A_1826 : vector<16xi32>
    %and3A_1828 = arith.andi %ge3A_1824, %lt3A_1827 : vector<16xi1>
    tpu.vector_store_idx %arg6[%sub3A_1821, %add3A_1816], %broadcast_in_dim3A_16 masked %and3A_1828 : memref<504x128xf32, #tpu.memory_space<vmem>>[vector<16xi32>, vector<16xi32>], vector<16xf32>, vector<16xi1>
    %add3A_1829 = arith.constant 112 : i32
    %add3A_1830 = vector.broadcast %add3A_1829 : i32 to vector<16xi32>
    %add3A_1831 = arith.addi %iota3A, %add3A_1830 : vector<16xi32>
    %get3A_1832 = arith.constant 496 : index
    %get3A_1833 = tpu.vector_load %arg4[%get3A_1832] {strides = array<i32>} : memref<512xi32, #tpu.memory_space<vmem>>, vector<16xi32>,
    %sub3A_1834 = arith.constant 504 : i32
    %sub3A_1835 = vector.broadcast %sub3A_1834 : i32 to vector<16xi32>
    %sub3A_1836 = arith.subi %get3A_1833, %sub3A_1835 : vector<16xi32>
    %ge3A_1837 = arith.constant 0 : i32
    %ge3A_1838 = vector.broadcast %ge3A_1837 : i32 to vector<16xi32>
    %ge3A_1839 = arith.cmpi sge, %sub3A_1836, %ge3A_1838 : vector<16xi32>
    %lt3A_1840 = arith.constant 496 : i32
    %lt3A_1841 = vector.broadcast %lt3A_1840 : i32 to vector<16xi32>
    %lt3A_1842 = arith.cmpi slt, %sub3A_1836, %lt3A_1841 : vector<16xi32>
    %and3A_1843 = arith.andi %ge3A_1839, %lt3A_1842 : vector<16xi1>
    tpu.vector_store_idx %arg6[%sub3A_1836, %add3A_1831], %broadcast_in_dim3A_16 masked %and3A_1843 : memref<504x128xf32, #tpu.memory_space<vmem>>[vector<16xi32>, vector<16xi32>], vector<16xf32>, vector<16xi1>
    %add3A_1844 = arith.constant 384 : i32
    %add3A_1845 = arith.addi %mul3A_2, %add3A_1844 : i32
    %dma_start3A_1846 = arith.constant 0 : i32
    %dma_start3A_1847 = arith.constant 0 : i32
    %dma_start3A_1848 = tpu.memref_slice %arg6[%dma_start3A_1846, %dma_start3A_1847] : memref<504x128xf32, #tpu.memory_space<vmem>> -> memref<496x128xf32, #tpu.memory_space<vmem>>
    %dma_start3A_1849 = arith.constant 504 : i32
    %dma_start3A_1850 = tpu.memref_slice %arg3[%dma_start3A_1849, %add3A_1845] : memref<1000x16384xf32, #tpu.memory_space<hbm>> -> memref<496x128xf32, #tpu.memory_space<hbm>>
    %dma_start3A_1851 = arith.constant 504 : i32
    %dma_start3A_1852 = tpu.memref_slice %arg3[%dma_start3A_1851, %add3A_1845] : memref<1000x16384xf32, #tpu.memory_space<hbm>> -> memref<496x128xf32, #tpu.memory_space<hbm>>
    %dma_start3A_1853 = arith.constant 0 : i32
    %dma_start3A_1854 = arith.constant 0 : i32
    %dma_start3A_1855 = tpu.memref_slice %arg6[%dma_start3A_1853, %dma_start3A_1854] : memref<504x128xf32, #tpu.memory_space<vmem>> -> memref<496x128xf32, #tpu.memory_space<vmem>>
    tpu.enqueue_dma source(%dma_start3A_1855 : memref<496x128xf32, #tpu.memory_space<vmem>>) target(%dma_start3A_1852 : memref<496x128xf32, #tpu.memory_space<hbm>>) target_semaphore(%arg8 : memref<!tpu.dma_semaphore, #tpu.memory_space<semaphore_mem>>)
    %dma_wait3A_1856 = arith.constant 0 : i32
    %dma_wait3A_1857 = arith.constant 0 : i32
    %dma_wait3A_1858 = tpu.memref_slice %arg5[%dma_wait3A_1856, %dma_wait3A_1857] : memref<504x128xf32, #tpu.memory_space<vmem>> -> memref<504x128xf32, #tpu.memory_space<vmem>>
    %dma_wait3A_1859 = arith.constant 0 : i32
    %dma_wait3A_1860 = tpu.memref_slice %arg3[%dma_wait3A_1859, %add3A_1583] : memref<1000x16384xf32, #tpu.memory_space<hbm>> -> memref<504x128xf32, #tpu.memory_space<hbm>>
    %dma_wait3A_1861 = arith.constant 0 : i32
    %dma_wait3A_1862 = tpu.memref_slice %arg3[%dma_wait3A_1861, %add3A_1583] : memref<1000x16384xf32, #tpu.memory_space<hbm>> -> memref<504x128xf32, #tpu.memory_space<hbm>>
    %dma_wait3A_1863 = arith.constant 0 : i32
    %dma_wait3A_1864 = arith.constant 0 : i32
    %dma_wait3A_1865 = tpu.memref_slice %arg5[%dma_wait3A_1863, %dma_wait3A_1864] : memref<504x128xf32, #tpu.memory_space<vmem>> -> memref<504x128xf32, #tpu.memory_space<vmem>>
    tpu.wait_dma2 semaphore(%arg7 : memref<!tpu.dma_semaphore, #tpu.memory_space<semaphore_mem>>) src(%dma_wait3A_1865 : memref<504x128xf32, #tpu.memory_space<vmem>>) dst(%dma_wait3A_1862 : memref<504x128xf32, #tpu.memory_space<hbm>>)
    %dma_wait3A_1866 = arith.constant 0 : i32
    %dma_wait3A_1867 = arith.constant 0 : i32
    %dma_wait3A_1868 = tpu.memref_slice %arg6[%dma_wait3A_1866, %dma_wait3A_1867] : memref<504x128xf32, #tpu.memory_space<vmem>> -> memref<496x128xf32, #tpu.memory_space<vmem>>
    %dma_wait3A_1869 = arith.constant 504 : i32
    %dma_wait3A_1870 = tpu.memref_slice %arg3[%dma_wait3A_1869, %add3A_1845] : memref<1000x16384xf32, #tpu.memory_space<hbm>> -> memref<496x128xf32, #tpu.memory_space<hbm>>
    %dma_wait3A_1871 = arith.constant 504 : i32
    %dma_wait3A_1872 = tpu.memref_slice %arg3[%dma_wait3A_1871, %add3A_1845] : memref<1000x16384xf32, #tpu.memory_space<hbm>> -> memref<496x128xf32, #tpu.memory_space<hbm>>
    %dma_wait3A_1873 = arith.constant 0 : i32
    %dma_wait3A_1874 = arith.constant 0 : i32
    %dma_wait3A_1875 = tpu.memref_slice %arg6[%dma_wait3A_1873, %dma_wait3A_1874] : memref<504x128xf32, #tpu.memory_space<vmem>> -> memref<496x128xf32, #tpu.memory_space<vmem>>
    tpu.wait_dma2 semaphore(%arg8 : memref<!tpu.dma_semaphore, #tpu.memory_space<semaphore_mem>>) src(%dma_wait3A_1875 : memref<496x128xf32, #tpu.memory_space<vmem>>) dst(%dma_wait3A_1872 : memref<496x128xf32, #tpu.memory_space<hbm>>)
    return
  }
}

</mosaic_0001>

<sc_bundles>
// kernel: _onehot_sc.3.cloned.1.call-start
scs
__scs_entry_jumppad:
0x0: {  	(pc) =	sbr.rel $0x88, $3  }
0x1: {  	(tag) =	ssettag $0x0;
	lr =	simm.s32 $0x1  }
0x2: {  	[smem:$0x3FA0] =	sst lr;
	_ =	strace $0xD0000000  }
0x3: {  	_ = 	snop  }
0x4: {  	_ = 	snop  }
0x5: {  	_ = 	snop  }
0x6: {  	_ = 	snop  }
0x7: {  	_ = 	snop  }
__scs_overlays_trampoline_lowered:
0x8: {  	[smem:$0x3FAF] =	sst s0  }
0x9: {  	[smem:$0x3FB0] =	sst s1  }
0xa: {  	[smem:$0x3FB1] =	sst s2  }
0xb: {  	[smem:$0x3FB2] =	sst s3  }
0xc: {  	[smem:$0x3FB3] =	sst s4  }
0xd: {  	[smem:$0x3FB4] =	sst s5  }
0xe: {  	[smem:$0x3FB5] =	sst s6  }
0xf: {  	[smem:$0x3FB6] =	sst s7  }
0x10: {  	[smem:$0x3FB7] =	sst s8  }
0x11: {  	[smem:$0x3FB8] =	sst s9;
	s0 =	simm.s32 @!p0 $0x0  }
0x12: {  	s1 =	sld [smem:$0x3F9E];
	s0 =	simm.s32 @p0 $0x1  }
0x13: {  	[smem:$0x3FB9] =	sst s0;
	s0 =	simm.s32 @!p1 $0x0  }
0x14: {  	s2 =	sld [smem:$0x3F9D];
	s0 =	simm.s32 @p1 $0x1  }
0x15: {  	[smem:$0x3FBA] =	sst s0;
	s0 =	simm.s32 @!p2 $0x0  }
0x16: {  	s3 =	sld [smem:$0x3FDB];
	s0 =	simm.s32 @p2 $0x1  }
0x17: {  	s4 =	simm.s32 $0x1BF5;
	[smem:$0x3FBC] =	sst s0  }
0x18: {  	s0 =	sld [smem:$0x3F9F];
	_ =	swait.ge [sflag:s4], $0x0  }
0x19: {  	s7 =	sld [smem:$0x3FA0]  }
0x1a: {  	s8 =	sadd.s32 $0xFFFFE003, lr  }
0x1b: {  	s9 =	sadd.s32 $0xFFFFFEF7, lr;
	s5 =	simm.s32 $0xFFFFFFFF;
	p2 =	slt.u32 s8, $0xFFFFF086  }
0x1c: {  	p1 =	slt.u32 s9, $0xF7A;
	s5 =	simm.s32 @!p2 $0x0  }
0x1d: {  	s5 =	simm.s32 @p1 $0x1;
	p0 =	seq.s32 s7, s2  }
0x1e: {  	s7 =	smul.u32 @!p0 $0xF7A, s2;
	p2 =	seq.s32 @!p0 s5, $0x0  }
0x1f: {  	s9 =	smul.u32 $0xF7A, s1;
	s8 =	simm.s32 @!p0 $0x1BF5;
	p2 =	por !p2, p0  }
0x20: {  	[sflag:s8] =	ssyncset.s32 @!p0 $0xFFFFF086;
	s6 =	sadd.s32 @!p0 s3, s7;
	s7 =	simm.s32 @!p0 $0x108  }
0x21: {  	s3 =	sadd.s32 s3, s9;
	s6 =	sadd.s32 @!p0 $0x88, s6;
	s7 =	simm.s32 @p2 $0x1082  }
0x22: {  	[simem:s7], [sflag:s8] =	dma.local @!p0 [hbm:s6], $0xF7A  }
0x23: {  	s9 =	sor.u32 $0xD0000000, s2;
	s6 =	simm.s32 $0x108;
	_ =	swait.ge @!p0 [sflag:s8], $0x0  }
0x24: {  	s3 =	sadd.s32 $0x88, s3;
	s6 =	simm.s32 @!p1 $0x1082;
	[sflag:s4] =	ssyncset.s32 $0xFFFFF086  }
0x25: {  	[simem:s6], [sflag:s4] =	dma.local [hbm:s3], $0xF7A  }
0x26: {  	[smem:$0x3FA0] =	sst s1;
	(tag) =	ssettag s2;
	_ =	strace s9  }
0x27: {  	s1 =	sld [smem:$0x3FB0]  }
0x28: {  	s2 =	sld [smem:$0x3FB1]  }
0x29: {  	s4 =	sld [smem:$0x3FB3]  }
0x2a: {  	p0 =	seq.s32 s5, $0x0;
	s5 =	sld [smem:$0x3FB4]  }
0x2b: {  	s6 =	sld [smem:$0x3FB5]  }
0x2c: {  	s7 =	sld [smem:$0x3FB6]  }
0x2d: {  	s3 =	simm.s32 $0x108;
	s8 =	sld [smem:$0x3FB7]  }
0x2e: {  	s3 =	simm.s32 @!p0 $0x1082;
	s9 =	sld [smem:$0x3FB8]  }
0x2f: {  	lr =	sadd.s32 s0, s3;
	s0 =	sld [smem:$0x3FAF]  }
0x30: {  	s3 =	sld [smem:$0x3FB2]  }
0x31: {  	[smem:$0x3FBB] =	sst s10  }
0x32: {  	s10 =	sld [smem:$0x3FB9];
	_ =	sdelay $0x3  }
0x33: {  	p0 =	seq.s32 s10, $0x1;
	s10 =	sld [smem:$0x3FBB];
	_ =	sdelay $0x3  }
0x34: {  	[smem:$0x3FBB] =	sst s10  }
0x35: {  	s10 =	sld [smem:$0x3FBA];
	_ =	sdelay $0x3  }
0x36: {  	p1 =	seq.s32 s10, $0x1;
	s10 =	sld [smem:$0x3FBB];
	_ =	sdelay $0x3  }
0x37: {  	[smem:$0x3FBB] =	sst s10  }
0x38: {  	s10 =	sld [smem:$0x3FBC]  }
0x39: {  	_ = 	snop;
	(pc) =	sbr.ind lr, $3  }
0x3a: {  	_ = 	snop  }
0x3b: {  	_ = 	snop  }
0x3c: {  	p2 =	seq.s32 s10, $0x1;
	s10 =	sld [smem:$0x3FBB]  }
0x3d: {  	_ =	shalt  }
0x3e: {  	_ =	shalt  }
0x3f: {  	_ =	shalt  }
0x40: {  	_ =	shalt  }
0x41: {  	_ =	shalt  }
0x42: {  	_ =	shalt  }
0x43: {  	_ =	shalt  }
0x44: {  	_ =	shalt  }
0x45: {  	_ =	shalt  }
0x46: {  	_ =	shalt  }
0x47: {  	_ =	shalt  }
0x48: {  	_ =	shalt  }
0x49: {  	_ =	shalt  }
0x4a: {  	_ =	shalt  }
0x4b: {  	_ =	shalt  }
0x4c: {  	_ =	shalt  }
0x4d: {  	_ =	shalt  }
0x4e: {  	_ =	shalt  }
0x4f: {  	_ =	shalt  }
0x50: {  	_ =	shalt  }
0x51: {  	_ =	shalt  }
0x52: {  	_ =	shalt  }
0x53: {  	_ =	shalt  }
0x54: {  	_ =	shalt  }
0x55: {  	_ =	shalt  }
0x56: {  	_ =	shalt  }
0x57: {  	_ =	shalt  }
0x58: {  	_ =	shalt  }
0x59: {  	_ =	shalt  }
0x5a: {  	_ =	shalt  }
0x5b: {  	_ =	shalt  }
0x5c: {  	_ =	shalt  }
0x5d: {  	_ =	shalt  }
0x5e: {  	_ =	shalt  }
0x5f: {  	_ =	shalt  }
0x60: {  	_ =	shalt  }
0x61: {  	_ =	shalt  }
0x62: {  	_ =	shalt  }
0x63: {  	_ =	shalt  }
0x64: {  	_ =	shalt  }
0x65: {  	_ =	shalt  }
0x66: {  	_ =	shalt  }
0x67: {  	_ =	shalt  }
0x68: {  	_ =	shalt  }
0x69: {  	_ =	shalt  }
0x6a: {  	_ =	shalt  }
0x6b: {  	_ =	shalt  }
0x6c: {  	_ =	shalt  }
0x6d: {  	_ =	shalt  }
0x6e: {  	_ =	shalt  }
0x6f: {  	_ =	shalt  }
0x70: {  	_ =	shalt  }
0x71: {  	_ =	shalt  }
0x72: {  	_ =	shalt  }
0x73: {  	_ =	shalt  }
0x74: {  	_ =	shalt  }
0x75: {  	_ =	shalt  }
0x76: {  	_ =	shalt  }
0x77: {  	_ =	shalt  }
0x78: {  	_ =	shalt  }
0x79: {  	_ =	shalt  }
0x7a: {  	_ =	shalt  }
0x7b: {  	_ =	shalt  }
0x7c: {  	_ =	shalt  }
0x7d: {  	_ =	shalt  }
0x7e: {  	_ =	shalt  }
0x7f: {  	_ =	shalt  }
0x80: {  	_ =	shalt  }
0x81: {  	_ =	shalt  }
0x82: {  	_ =	shalt  }
0x83: {  	_ =	shalt  }
0x84: {  	_ =	shalt  }
0x85: {  	_ =	shalt  }
0x86: {  	_ =	shalt  }
0x87: {  	_ =	shalt  }
.Lfunc_end0:
.L_simem_size_0:
called_computation_lowered:
.L_overlay_start_0:
0x88: {  	s2 =	sld [smem:$0x3FD9]  }
0x89: {  	s3 =	sld [smem:$0x3FFE];
	_ =	sdelay $0x1  }
0x8a: {  	s1 =	srdreg.scid  }
0x8b: {  	s0 =	sand.u32 $0x1, s1  }
0x8c: {  	s18 =	sshll.u32 s0, $0xA;
	s2 =	sadd.s32 s3, s2  }
0x8d: {  	s2 =	sadd.s32 s2, s18  }
0x8e: {  	[smem:$0x3FC7] =	sst s2  }
0x8f: {  	_ = 	snop  }
0x90: {  	s2 =	sld [smem:$0x3FC9]  }
0x91: {  	s19 =	sld [smem:$0x3FD0];
	(tm) =	ssettm $0x1  }
0x92: {  	s4 =	sld [smem:$0x3FFB];
	_ =	sdelay $0x3  }
0x93: {  	_ =	strace s4  }
0x94: {  	s4 =	sld [smem:$0x3FFC];
	_ =	sdelay $0x3  }
0x95: {  	_ =	strace s4  }
0x96: {  	s4 =	sld [smem:$0x3FFD];
	_ =	sdelay $0x3  }
0x97: {  	_ =	strace s4  }
0x98: {  	_ =	strace $0x8FFFFFFF  }
0x99: {  	s20 =	sld [smem:$0x3FDB];
	_ =	sdelay $0x1  }
0x9a: {  	s5 =	simm.s32 $_scs_section_size  }
0x9b: {  	s6 =	simm.s32 $_size__tile_overlayer_lowered;
	s7 =	simm.s32 $_tile_overlayer_lowered  }
0x9c: {  	s23 =	simm.s32 $0x1BFF;
	s22 =	sshll.u32 s7, $0x1;
	s4 =	sadd.s32 s5, s20  }
0x9d: {  	s8 =	simm.s32 $0x0;
	s21 =	sshll.u32 s6, $0x1;
	s6 =	sadd.s32 s22, s4  }
0x9e: {  	[timem:s8], [sflag:s23] =	dma.local [hbm:s6], s21  }
0x9f: {  	_ =	swait.ge [sflag:s23], s21  }
0xa0: {  	s5 =	ssub.s32 $0x0, s21;
	[sflag:s23] =	ssyncset.done $0x0  }
0xa1: {  	[sflag:s23] =	ssyncadd.s32 s5;
	_ =	sdelay $0x1  }
0xa2: {  	s24 =	simm.s32 $0x1B8B  }
0xa3: {  	_ =	swait.ge [sflag:s24], $0x1  }
0xa4: {  	[sflag:s24] =	ssyncset.done $0x0  }
0xa5: {  	s25 =	simm.s32 $0x1B8E;
	[sflag:s24] =	ssyncadd.s32 $0xFFFFFFFF  }
0xa6: {  	s26 =	simm.s32 $execute0_lowered;
	[smem:$0x3FD2] =	sst s25  }
0xa7: {  	s5 =	sshll.u32 s26, $0x1;
	_ =	strace $0x80000046;
	[dreg:$0x1] =	wrdreg $0xFFFFFFFF  }
0xa8: {  	s28 =	simm.s32 $_size_execute0_lowered;
	s4 =	sadd.s32 s4, s5;
	[dreg:$0x0] =	wrdreg $0x0  }
0xa9: {  	s5 =	sshll.u32 s28, $0x1;
	[dreg:$0x2] =	wrdreg s4  }
0xaa: {  	[dreg:$0x3] =	wrdreg s5  }
0xab: {  	[dreg:$0x4] =	wrdreg $0xC0  }
0xac: {  	_ =	task [dreg:s8], $0x5FFFF  }
0xad: {  	[dreg:$0x1] =	wrdreg $0xFFFFFFFF  }
0xae: {  	[dreg:$0x0] =	wrdreg $0x60  }
0xaf: {  	[dreg:$0x2] =	wrdreg s2  }
0xb0: {  	[dreg:$0x3] =	wrdreg s19  }
0xb1: {  	[dreg:$0x4] =	wrdreg $0x9  }
0xb2: {  	_ =	task.clear_ibuf [dreg:s8], $0x5FFFF;
	_ =	strace $0x90000046  }
0xb3: {  	s29 =	simm.s32 $0x9;
	_ =	strace $0x80000048  }
0xb4: {  	_ =	swait.ge [sflag:s29], $0x1  }
0xb5: {  	[sflag:s29] =	ssyncadd.s32 $0xFFFFFFFF  }
0xb6: {  	_ =	strace $0x90000048  }
0xb7: {  	_ =	sfence  }
0xb8: {  	s30 =	sld [smem:$0x0];
	_ =	sdelay $0x2  }
0xb9: {  	s31 =	sshll.u32 s1, $0xD;
	s1 =	sshrl.u32 s1, $0x2  }
0xba: {  	s3 =	sand.u32 $0x4000, s31;
	s1 =	sadd.s32 s1, s30  }
0xbb: {  	s0 =	sor.u32 s3, s0;
	s1 =	sshll.u32 s1, $0x11  }
0xbc: {  	s0 =	sor.u32 s1, s0  }
0xbd: {  	s0 =	sadd.s32 $0x8F2B, s0  }
0xbe: {  	[sflag:s0] =	ssyncadd.remote.s32 $0x1  }
0xbf: {  	_ =	sfence.sel $0xFFFF  }
0xc0: {  	[dreg:$0x0] =	wrdreg $0xFFFFFFFF;
	(pc) =	sbr.abs _section_cstart, $3  }
0xc1: {  	[dreg:$0x1] =	wrdreg $0xFFFFFFFF  }
0xc2: {  	_ =	task.clear_ibuf [dreg:s8], $0x2FFFF;
	_ =	strace $0x9FFFFFFF  }
0xc3: {  	(tm) =	ssettm $0x7FFFFFFF  }
tec
execute0_lowered:
.L_overlay_start_1:
0x0: {  	(tag) =	ssettag $0x1  }
0x1: {  	s4 =	rddreg [dreg:$0x0]  }
0x2: {  	s3 =	rddreg [dreg:$0x1]  }
0x3: {  	s0 =	rddreg [dreg:$0x2];
	s5 =	srdreg.scid  }
0x4: {  	s2 =	simm.s32 $0x0;
	s1 =	stileid.u32;
	s13 =	simm.s32 $0x3  }
0x5: {  	s14 =	simm.s32 $0x200;
	s15 =	simm.s32 $0x400;
	s16 =	simm.s32 $0x20000  }
0x6: {  	s17 =	simm.s32 $0xFE00;
	s18 =	simm.s32 $0x1;
	s19 =	simm.s32 $0x2  }
0x7: {  	s20 =	simm.s32 $0x0;
	s5 =	sand.u32 $0x1, s5;
	[smem:$0x7FF] =	sst s2  }
0x8: {  	v0 =	vimm.f32 $0.0e+00;
	v1 =	vlaneseq.u32;
	v2 =	vimm.f32 $1.000000000e+00;
	s6 =	sshll.u32 s1, $0xA;
	s7 =	sshll.u32 s5, $0x9;
	s5 =	ssub.s32 $0x2, s5  }
0x9: {  	v3 =	vor.u32 $0x10, v1;
	v4 =	vor.u32 $0x20, v1;
	v5 =	vor.u32 $0x30, v1;
	_ =	strace $0x80000047;
	s6 =	sor.u32 s7, s6;
	s31 =	sshrl.u32 s5, $0x1  }
0xa: {  	v6 =	vor.u32 $0x40, v1;
	v7 =	vor.u32 $0x50, v1;
	v8 =	vor.u32 $0x60, v1;
	s8 =	sshrl.u32 s6, $0x3;
	s3 =	sadd.s32 s3, s6;
	s12 =	ssub.s32 s5, s31  }
0xb: {  	v9 =	vor.u32 $0x70, v1;
	v10 =	vor.u32 $0xFFFF0400, v1;
	v11 =	vor.u32 $0xFFFF0410, v1;
	s4 =	sadd.s32 s4, s8;
	s5 =	sadd.s32 $0xFC000, s3;
	s6 =	sadd.s32 $0x80, s3  }
0xc: {  	v12 =	vor.u32 $0xFFFF0420, v1;
	v13 =	vor.u32 $0xFFFF0430, v1;
	v14 =	vor.u32 $0xFFFF0440, v1;
	s7 =	sadd.s32 $0xFC080, s3;
	s8 =	sadd.s32 $0x100, s3;
	s9 =	sadd.s32 $0xFC100, s3  }
0xd: {  	v15 =	vor.u32 $0xFFFF0450, v1;
	v16 =	vor.u32 $0xFFFF0460, v1;
	v17 =	vor.u32 $0xFFFF0470, v1;
	s10 =	sadd.s32 $0x180, s3;
	s11 =	sadd.s32 $0xFC180, s3;
	s12 =	smax.u32 s12, $0x1  }
.LBB2_1:
0xe: {  	[tilespmem:s2], [sflag:$0x3] =	stream.linear.gather [hbm4b:s4+s2], $0x200, $0x38;
	[tilespmem:$0x1FA00] =	vst v63  }
0xf: {  	s21 =	simm.s32 $0x0;
	s22 =	simm.s32 $0x1000  }
.LBB2_2:
0x10: {  	p0 =	sne.s32 s22, $0x3E000;
	[tilespmem:s21+$0x5F0] =	vst v0  }
0x11: {  	[tilespmem:s21+$0x200] =	vst v0  }
0x12: {  	[tilespmem:s21+$0x210] =	vst v0  }
0x13: {  	[tilespmem:s21+$0x220] =	vst v0  }
0x14: {  	[tilespmem:s21+$0x230] =	vst v0  }
0x15: {  	[tilespmem:s21+$0x240] =	vst v0  }
0x16: {  	[tilespmem:s21+$0x250] =	vst v0  }
0x17: {  	[tilespmem:s21+$0x260] =	vst v0  }
0x18: {  	[tilespmem:s21+$0x270] =	vst v0  }
0x19: {  	[tilespmem:s21+$0x280] =	vst v0  }
0x1a: {  	[tilespmem:s21+$0x290] =	vst v0  }
0x1b: {  	[tilespmem:s21+$0x2A0] =	vst v0  }
0x1c: {  	[tilespmem:s21+$0x2B0] =	vst v0  }
0x1d: {  	[tilespmem:s21+$0x2C0] =	vst v0  }
0x1e: {  	[tilespmem:s21+$0x2D0] =	vst v0  }
0x1f: {  	[tilespmem:s21+$0x2E0] =	vst v0  }
0x20: {  	[tilespmem:s21+$0x2F0] =	vst v0  }
0x21: {  	[tilespmem:s21+$0x300] =	vst v0  }
0x22: {  	[tilespmem:s21+$0x310] =	vst v0  }
0x23: {  	[tilespmem:s21+$0x320] =	vst v0  }
0x24: {  	[tilespmem:s21+$0x330] =	vst v0  }
0x25: {  	[tilespmem:s21+$0x340] =	vst v0  }
0x26: {  	[tilespmem:s21+$0x350] =	vst v0  }
0x27: {  	[tilespmem:s21+$0x360] =	vst v0  }
0x28: {  	[tilespmem:s21+$0x370] =	vst v0  }
0x29: {  	[tilespmem:s21+$0x380] =	vst v0  }
0x2a: {  	[tilespmem:s21+$0x390] =	vst v0  }
0x2b: {  	[tilespmem:s21+$0x3A0] =	vst v0  }
0x2c: {  	[tilespmem:s21+$0x3B0] =	vst v0  }
0x2d: {  	[tilespmem:s21+$0x3C0] =	vst v0  }
0x2e: {  	[tilespmem:s21+$0x3D0] =	vst v0  }
0x2f: {  	[tilespmem:s21+$0x3E0] =	vst v0  }
0x30: {  	[tilespmem:s21+$0x3F0] =	vst v0  }
0x31: {  	[tilespmem:s21+$0x400] =	vst v0  }
0x32: {  	[tilespmem:s21+$0x410] =	vst v0  }
0x33: {  	[tilespmem:s21+$0x420] =	vst v0  }
0x34: {  	[tilespmem:s21+$0x430] =	vst v0  }
0x35: {  	[tilespmem:s21+$0x440] =	vst v0  }
0x36: {  	[tilespmem:s21+$0x450] =	vst v0  }
0x37: {  	[tilespmem:s21+$0x460] =	vst v0  }
0x38: {  	[tilespmem:s21+$0x470] =	vst v0  }
0x39: {  	[tilespmem:s21+$0x480] =	vst v0  }
0x3a: {  	[tilespmem:s21+$0x490] =	vst v0  }
0x3b: {  	[tilespmem:s21+$0x4A0] =	vst v0  }
0x3c: {  	[tilespmem:s21+$0x4B0] =	vst v0  }
0x3d: {  	[tilespmem:s21+$0x4C0] =	vst v0  }
0x3e: {  	[tilespmem:s21+$0x4D0] =	vst v0  }
0x3f: {  	[tilespmem:s21+$0x4E0] =	vst v0  }
0x40: {  	[tilespmem:s21+$0x4F0] =	vst v0  }
0x41: {  	[tilespmem:s21+$0x500] =	vst v0  }
0x42: {  	[tilespmem:s21+$0x510] =	vst v0  }
0x43: {  	[tilespmem:s21+$0x520] =	vst v0  }
0x44: {  	[tilespmem:s21+$0x530] =	vst v0  }
0x45: {  	[tilespmem:s21+$0x540] =	vst v0  }
0x46: {  	[tilespmem:s21+$0x550] =	vst v0  }
0x47: {  	[tilespmem:s21+$0x560] =	vst v0  }
0x48: {  	[tilespmem:s21+$0x570] =	vst v0  }
0x49: {  	[tilespmem:s21+$0x580] =	vst v0  }
0x4a: {  	[tilespmem:s21+$0x590] =	vst v0  }
.Ltmp0:
0x4b: {  	[tilespmem:s21+$0x5A0] =	vst v0;
	(pc) =	sbr.rel @p0 .LBB2_2-.Ltmp0, $4  }
0x4c: {  	[tilespmem:s21+$0x5B0] =	vst v0  }
0x4d: {  	[tilespmem:s21+$0x5C0] =	vst v0  }
0x4e: {  	[tilespmem:s21+$0x5D0] =	vst v0  }
0x4f: {  	[tilespmem:s21+$0x5E0] =	vst v0;
	s21 =	sshra.s32 s22, $0x2;
	s22 =	sadd.s32 $0x1000, s22  }
0x50: {  	[tilespmem:s21+$0x5F0] =	vst v0  }
0x51: {  	[tilespmem:s21+$0x200] =	vst v0  }
0x52: {  	[tilespmem:s21+$0x210] =	vst v0  }
0x53: {  	[tilespmem:s21+$0x220] =	vst v0  }
0x54: {  	[tilespmem:s21+$0x230] =	vst v0  }
0x55: {  	[tilespmem:s21+$0x240] =	vst v0  }
0x56: {  	[tilespmem:s21+$0x250] =	vst v0  }
0x57: {  	[tilespmem:s21+$0x260] =	vst v0  }
0x58: {  	[tilespmem:s21+$0x270] =	vst v0  }
0x59: {  	[tilespmem:s21+$0x280] =	vst v0  }
0x5a: {  	[tilespmem:s21+$0x290] =	vst v0  }
0x5b: {  	[tilespmem:s21+$0x2A0] =	vst v0  }
0x5c: {  	[tilespmem:s21+$0x2B0] =	vst v0  }
0x5d: {  	[tilespmem:s21+$0x2C0] =	vst v0  }
0x5e: {  	[tilespmem:s21+$0x2D0] =	vst v0  }
0x5f: {  	[tilespmem:s21+$0x2E0] =	vst v0  }
0x60: {  	[tilespmem:s21+$0x2F0] =	vst v0  }
0x61: {  	[tilespmem:s21+$0x300] =	vst v0  }
0x62: {  	[tilespmem:s21+$0x310] =	vst v0  }
0x63: {  	[tilespmem:s21+$0x320] =	vst v0  }
0x64: {  	[tilespmem:s21+$0x330] =	vst v0  }
0x65: {  	[tilespmem:s21+$0x340] =	vst v0  }
0x66: {  	[tilespmem:s21+$0x350] =	vst v0  }
0x67: {  	[tilespmem:s21+$0x360] =	vst v0  }
0x68: {  	[tilespmem:s21+$0x370] =	vst v0  }
0x69: {  	[tilespmem:s21+$0x380] =	vst v0  }
0x6a: {  	[tilespmem:s21+$0x390] =	vst v0  }
0x6b: {  	[tilespmem:s21+$0x3A0] =	vst v0  }
0x6c: {  	[tilespmem:s21+$0x3B0] =	vst v0  }
0x6d: {  	[tilespmem:s21+$0x3C0] =	vst v0  }
0x6e: {  	[tilespmem:s21+$0x3D0] =	vst v0  }
0x6f: {  	[tilespmem:s21+$0x3E0] =	vst v0  }
0x70: {  	[tilespmem:s21+$0x3F0] =	vst v0  }
0x71: {  	[tilespmem:s21+$0x400] =	vst v0  }
0x72: {  	[tilespmem:s21+$0x410] =	vst v0  }
0x73: {  	[tilespmem:s21+$0x420] =	vst v0  }
0x74: {  	[tilespmem:s21+$0x430] =	vst v0  }
0x75: {  	[tilespmem:s21+$0x440] =	vst v0  }
0x76: {  	[tilespmem:s21+$0x450] =	vst v0  }
0x77: {  	[tilespmem:s21+$0x460] =	vst v0  }
0x78: {  	[tilespmem:s21+$0x470] =	vst v0  }
0x79: {  	[tilespmem:s21+$0x480] =	vst v0  }
0x7a: {  	[tilespmem:s21+$0x490] =	vst v0  }
0x7b: {  	[tilespmem:s21+$0x4A0] =	vst v0  }
0x7c: {  	[tilespmem:s21+$0x4B0] =	vst v0  }
0x7d: {  	[tilespmem:s21+$0x4C0] =	vst v0  }
0x7e: {  	[tilespmem:s21+$0x4D0] =	vst v0  }
0x7f: {  	[tilespmem:s21+$0x4E0] =	vst v0  }
0x80: {  	[tilespmem:s21+$0x4F0] =	vst v0  }
0x81: {  	[tilespmem:s21+$0x500] =	vst v0  }
0x82: {  	[tilespmem:s21+$0x510] =	vst v0  }
0x83: {  	[tilespmem:s21+$0x520] =	vst v0  }
0x84: {  	[tilespmem:s21+$0x530] =	vst v0  }
0x85: {  	[tilespmem:s21+$0x540] =	vst v0  }
0x86: {  	[tilespmem:s21+$0x550] =	vst v0  }
0x87: {  	[tilespmem:s21+$0x560] =	vst v0  }
0x88: {  	[tilespmem:s21+$0x570] =	vst v0  }
0x89: {  	[tilespmem:s21+$0x580] =	vst v0  }
0x8a: {  	[tilespmem:s21+$0x590] =	vst v0  }
0x8b: {  	[tilespmem:s21+$0x5A0] =	vst v0  }
0x8c: {  	[tilespmem:s21+$0x5B0] =	vst v0  }
0x8d: {  	[tilespmem:s21+$0x5C0] =	vst v0  }
0x8e: {  	[tilespmem:s21+$0x5D0] =	vst v0  }
0x8f: {  	[tilespmem:s21+$0x5E0] =	vst v0  }
0x90: {  	_ =	swait.ge [sflag:s13], $0x200  }
0x91: {  	[sflag:s13] =	ssyncset.done $0x0  }
0x92: {  	[sflag:s13] =	ssyncadd.s32 $0xFFFFFE00  }
0x93: {  	v18 =	vld [tilespmem:$0x0];
	_ =	sdelay $0x4  }
0x94: {  	vm0 =	vlt.u32 v18, $0x1F8;
	v18 =	vshll.u32 v18, $0x7  }
0x95: {  	v18 =	vor.u32 v1, v18;
	_ =	sdelay $0x4  }
0x96: {  	[tilespmem:v18+s14+$0x0] =	vst.idx.msk vm0, v2  }
0x97: {  	v18 =	vld [tilespmem:$0x10];
	_ =	sdelay $0x4  }
0x98: {  	vm9 =	vlt.u32 v18, $0x1F8;
	v18 =	vshll.u32 v18, $0x7  }
0x99: {  	v18 =	vor.u32 v3, v18;
	_ =	sdelay $0x4  }
0x9a: {  	[tilespmem:v18+s14+$0x0] =	vst.idx.msk vm9, v2  }
0x9b: {  	v18 =	vld [tilespmem:$0x20];
	_ =	sdelay $0x4  }
0x9c: {  	vm10 =	vlt.u32 v18, $0x1F8;
	v18 =	vshll.u32 v18, $0x7  }
0x9d: {  	v18 =	vor.u32 v4, v18;
	_ =	sdelay $0x4  }
0x9e: {  	[tilespmem:v18+s14+$0x0] =	vst.idx.msk vm10, v2  }
0x9f: {  	v18 =	vld [tilespmem:$0x30];
	_ =	sdelay $0x4  }
0xa0: {  	vm11 =	vlt.u32 v18, $0x1F8;
	v18 =	vshll.u32 v18, $0x7  }
0xa1: {  	v18 =	vor.u32 v5, v18;
	_ =	sdelay $0x4  }
0xa2: {  	[tilespmem:v18+s14+$0x0] =	vst.idx.msk vm11, v2  }
0xa3: {  	v18 =	vld [tilespmem:$0x40];
	_ =	sdelay $0x4  }
0xa4: {  	vm12 =	vlt.u32 v18, $0x1F8;
	v18 =	vshll.u32 v18, $0x7  }
0xa5: {  	v18 =	vor.u32 v6, v18;
	_ =	sdelay $0x4  }
0xa6: {  	[tilespmem:v18+s14+$0x0] =	vst.idx.msk vm12, v2  }
0xa7: {  	v18 =	vld [tilespmem:$0x50];
	_ =	sdelay $0x4  }
0xa8: {  	vm13 =	vlt.u32 v18, $0x1F8;
	v18 =	vshll.u32 v18, $0x7  }
0xa9: {  	v18 =	vor.u32 v7, v18;
	_ =	sdelay $0x4  }
0xaa: {  	[tilespmem:v18+s14+$0x0] =	vst.idx.msk vm13, v2  }
0xab: {  	v18 =	vld [tilespmem:$0x60];
	_ =	sdelay $0x4  }
0xac: {  	vm14 =	vlt.u32 v18, $0x1F8;
	v18 =	vshll.u32 v18, $0x7  }
0xad: {  	v18 =	vor.u32 v8, v18;
	_ =	sdelay $0x4  }
0xae: {  	[tilespmem:v18+s14+$0x0] =	vst.idx.msk vm14, v2  }
0xaf: {  	v18 =	vld [tilespmem:$0x70];
	_ =	sdelay $0x4  }
0xb0: {  	vm15 =	vlt.u32 v18, $0x1F8;
	v18 =	vshll.u32 v18, $0x7  }
0xb1: {  	v18 =	vor.u32 v9, v18;
	_ =	sdelay $0x4  }
0xb2: {  	s21 =	simm.s32 $0x0;
	s22 =	simm.s32 $0x1000;
	[tilespmem:v18+s14+$0x0] =	vst.idx.msk vm15, v2  }
0xb3: {  	[hbm4b:s3+s15] =	stream.strided.scatter [tilespmem:s14], [sflag:$0x1], $0xFC00, s16, s15, $0x38;
	[tilespmem:$0x1FA00] =	vst v63  }
.LBB2_4:
0xb4: {  	p0 =	sne.s32 s22, $0x3E000;
	[tilespmem:s21+$0x101F0] =	vst v0  }
0xb5: {  	[tilespmem:s21+$0xFE00] =	vst v0  }
0xb6: {  	[tilespmem:s21+$0xFE10] =	vst v0  }
0xb7: {  	[tilespmem:s21+$0xFE20] =	vst v0  }
0xb8: {  	[tilespmem:s21+$0xFE30] =	vst v0  }
0xb9: {  	[tilespmem:s21+$0xFE40] =	vst v0  }
0xba: {  	[tilespmem:s21+$0xFE50] =	vst v0  }
0xbb: {  	[tilespmem:s21+$0xFE60] =	vst v0  }
0xbc: {  	[tilespmem:s21+$0xFE70] =	vst v0  }
0xbd: {  	[tilespmem:s21+$0xFE80] =	vst v0  }
0xbe: {  	[tilespmem:s21+$0xFE90] =	vst v0  }
0xbf: {  	[tilespmem:s21+$0xFEA0] =	vst v0  }
0xc0: {  	[tilespmem:s21+$0xFEB0] =	vst v0  }
0xc1: {  	[tilespmem:s21+$0xFEC0] =	vst v0  }
0xc2: {  	[tilespmem:s21+$0xFED0] =	vst v0  }
0xc3: {  	[tilespmem:s21+$0xFEE0] =	vst v0  }
0xc4: {  	[tilespmem:s21+$0xFEF0] =	vst v0  }
0xc5: {  	[tilespmem:s21+$0xFF00] =	vst v0  }
0xc6: {  	[tilespmem:s21+$0xFF10] =	vst v0  }
0xc7: {  	[tilespmem:s21+$0xFF20] =	vst v0  }
0xc8: {  	[tilespmem:s21+$0xFF30] =	vst v0  }
0xc9: {  	[tilespmem:s21+$0xFF40] =	vst v0  }
0xca: {  	[tilespmem:s21+$0xFF50] =	vst v0  }
0xcb: {  	[tilespmem:s21+$0xFF60] =	vst v0  }
0xcc: {  	[tilespmem:s21+$0xFF70] =	vst v0  }
0xcd: {  	[tilespmem:s21+$0xFF80] =	vst v0  }
0xce: {  	[tilespmem:s21+$0xFF90] =	vst v0  }
0xcf: {  	[tilespmem:s21+$0xFFA0] =	vst v0  }
0xd0: {  	[tilespmem:s21+$0xFFB0] =	vst v0  }
0xd1: {  	[tilespmem:s21+$0xFFC0] =	vst v0  }
0xd2: {  	[tilespmem:s21+$0xFFD0] =	vst v0  }
0xd3: {  	[tilespmem:s21+$0xFFE0] =	vst v0  }
0xd4: {  	[tilespmem:s21+$0xFFF0] =	vst v0  }
0xd5: {  	[tilespmem:s21+$0x10000] =	vst v0  }
0xd6: {  	[tilespmem:s21+$0x10010] =	vst v0  }
0xd7: {  	[tilespmem:s21+$0x10020] =	vst v0  }
0xd8: {  	[tilespmem:s21+$0x10030] =	vst v0  }
0xd9: {  	[tilespmem:s21+$0x10040] =	vst v0  }
0xda: {  	[tilespmem:s21+$0x10050] =	vst v0  }
0xdb: {  	[tilespmem:s21+$0x10060] =	vst v0  }
0xdc: {  	[tilespmem:s21+$0x10070] =	vst v0  }
0xdd: {  	[tilespmem:s21+$0x10080] =	vst v0  }
0xde: {  	[tilespmem:s21+$0x10090] =	vst v0  }
0xdf: {  	[tilespmem:s21+$0x100A0] =	vst v0  }
0xe0: {  	[tilespmem:s21+$0x100B0] =	vst v0  }
0xe1: {  	[tilespmem:s21+$0x100C0] =	vst v0  }
0xe2: {  	[tilespmem:s21+$0x100D0] =	vst v0  }
0xe3: {  	[tilespmem:s21+$0x100E0] =	vst v0  }
0xe4: {  	[tilespmem:s21+$0x100F0] =	vst v0  }
0xe5: {  	[tilespmem:s21+$0x10100] =	vst v0  }
0xe6: {  	[tilespmem:s21+$0x10110] =	vst v0  }
0xe7: {  	[tilespmem:s21+$0x10120] =	vst v0  }
0xe8: {  	[tilespmem:s21+$0x10130] =	vst v0  }
0xe9: {  	[tilespmem:s21+$0x10140] =	vst v0  }
0xea: {  	[tilespmem:s21+$0x10150] =	vst v0  }
0xeb: {  	[tilespmem:s21+$0x10160] =	vst v0  }
0xec: {  	[tilespmem:s21+$0x10170] =	vst v0  }
0xed: {  	[tilespmem:s21+$0x10180] =	vst v0  }
0xee: {  	[tilespmem:s21+$0x10190] =	vst v0  }
.Ltmp1:
0xef: {  	[tilespmem:s21+$0x101A0] =	vst v0;
	(pc) =	sbr.rel @p0 .LBB2_4-.Ltmp1, $4  }
0xf0: {  	[tilespmem:s21+$0x101B0] =	vst v0  }
0xf1: {  	[tilespmem:s21+$0x101C0] =	vst v0  }
0xf2: {  	[tilespmem:s21+$0x101D0] =	vst v0  }
0xf3: {  	[tilespmem:s21+$0x101E0] =	vst v0;
	s21 =	sshra.s32 s22, $0x2;
	s22 =	sadd.s32 $0x1000, s22  }
0xf4: {  	[tilespmem:s21+$0x101F0] =	vst v0  }
0xf5: {  	[tilespmem:s21+$0xFE00] =	vst v0  }
0xf6: {  	[tilespmem:s21+$0xFE10] =	vst v0  }
0xf7: {  	[tilespmem:s21+$0xFE20] =	vst v0  }
0xf8: {  	[tilespmem:s21+$0xFE30] =	vst v0  }
0xf9: {  	[tilespmem:s21+$0xFE40] =	vst v0  }
0xfa: {  	[tilespmem:s21+$0xFE50] =	vst v0  }
0xfb: {  	[tilespmem:s21+$0xFE60] =	vst v0  }
0xfc: {  	[tilespmem:s21+$0xFE70] =	vst v0  }
0xfd: {  	[tilespmem:s21+$0xFE80] =	vst v0  }
0xfe: {  	[tilespmem:s21+$0xFE90] =	vst v0  }
0xff: {  	[tilespmem:s21+$0xFEA0] =	vst v0  }
0x100: {  	[tilespmem:s21+$0xFEB0] =	vst v0  }
0x101: {  	[tilespmem:s21+$0xFEC0] =	vst v0  }
0x102: {  	[tilespmem:s21+$0xFED0] =	vst v0  }
0x103: {  	[tilespmem:s21+$0xFEE0] =	vst v0  }
0x104: {  	[tilespmem:s21+$0xFEF0] =	vst v0  }
0x105: {  	[tilespmem:s21+$0xFF00] =	vst v0  }
0x106: {  	[tilespmem:s21+$0xFF10] =	vst v0  }
0x107: {  	[tilespmem:s21+$0xFF20] =	vst v0  }
0x108: {  	[tilespmem:s21+$0xFF30] =	vst v0  }
0x109: {  	[tilespmem:s21+$0xFF40] =	vst v0  }
0x10a: {  	[tilespmem:s21+$0xFF50] =	vst v0  }
0x10b: {  	[tilespmem:s21+$0xFF60] =	vst v0  }
0x10c: {  	[tilespmem:s21+$0xFF70] =	vst v0  }
0x10d: {  	[tilespmem:s21+$0xFF80] =	vst v0  }
0x10e: {  	[tilespmem:s21+$0xFF90] =	vst v0  }
0x10f: {  	[tilespmem:s21+$0xFFA0] =	vst v0  }
0x110: {  	[tilespmem:s21+$0xFFB0] =	vst v0  }
0x111: {  	[tilespmem:s21+$0xFFC0] =	vst v0  }
0x112: {  	[tilespmem:s21+$0xFFD0] =	vst v0  }
0x113: {  	[tilespmem:s21+$0xFFE0] =	vst v0  }
0x114: {  	[tilespmem:s21+$0xFFF0] =	vst v0  }
0x115: {  	[tilespmem:s21+$0x10000] =	vst v0  }
0x116: {  	[tilespmem:s21+$0x10010] =	vst v0  }
0x117: {  	[tilespmem:s21+$0x10020] =	vst v0  }
0x118: {  	[tilespmem:s21+$0x10030] =	vst v0  }
0x119: {  	[tilespmem:s21+$0x10040] =	vst v0  }
0x11a: {  	[tilespmem:s21+$0x10050] =	vst v0  }
0x11b: {  	[tilespmem:s21+$0x10060] =	vst v0  }
0x11c: {  	[tilespmem:s21+$0x10070] =	vst v0  }
0x11d: {  	[tilespmem:s21+$0x10080] =	vst v0  }
0x11e: {  	[tilespmem:s21+$0x10090] =	vst v0  }
0x11f: {  	[tilespmem:s21+$0x100A0] =	vst v0  }
0x120: {  	[tilespmem:s21+$0x100B0] =	vst v0  }
0x121: {  	[tilespmem:s21+$0x100C0] =	vst v0  }
0x122: {  	[tilespmem:s21+$0x100D0] =	vst v0  }
0x123: {  	[tilespmem:s21+$0x100E0] =	vst v0  }
0x124: {  	[tilespmem:s21+$0x100F0] =	vst v0  }
0x125: {  	[tilespmem:s21+$0x10100] =	vst v0  }
0x126: {  	[tilespmem:s21+$0x10110] =	vst v0  }
0x127: {  	[tilespmem:s21+$0x10120] =	vst v0  }
0x128: {  	[tilespmem:s21+$0x10130] =	vst v0  }
0x129: {  	[tilespmem:s21+$0x10140] =	vst v0  }
0x12a: {  	[tilespmem:s21+$0x10150] =	vst v0  }
0x12b: {  	[tilespmem:s21+$0x10160] =	vst v0  }
0x12c: {  	[tilespmem:s21+$0x10170] =	vst v0  }
0x12d: {  	[tilespmem:s21+$0x10180] =	vst v0  }
0x12e: {  	[tilespmem:s21+$0x10190] =	vst v0  }
0x12f: {  	[tilespmem:s21+$0x101A0] =	vst v0  }
0x130: {  	[tilespmem:s21+$0x101B0] =	vst v0  }
0x131: {  	[tilespmem:s21+$0x101C0] =	vst v0  }
0x132: {  	[tilespmem:s21+$0x101D0] =	vst v0  }
0x133: {  	[tilespmem:s21+$0x101E0] =	vst v0  }
0x134: {  	v18 =	vld [tilespmem:$0x0];
	_ =	sdelay $0x4  }
0x135: {  	v19 =	vadd.s32 $0xFFFFFE08, v18  }
0x136: {  	v18 =	vshll.u32 v18, $0x7;
	vm0 =	vlt.u32 v19, $0x1F0  }
0x137: {  	v18 =	vadd.s32 v10, v18;
	_ =	sdelay $0x4  }
0x138: {  	[tilespmem:v18+s17+$0x0] =	vst.idx.msk vm0, v2  }
0x139: {  	v18 =	vld [tilespmem:$0x10];
	_ =	sdelay $0x4  }
0x13a: {  	v19 =	vadd.s32 $0xFFFFFE08, v18  }
0x13b: {  	v18 =	vshll.u32 v18, $0x7;
	vm9 =	vlt.u32 v19, $0x1F0  }
0x13c: {  	v18 =	vadd.s32 v11, v18;
	_ =	sdelay $0x4  }
0x13d: {  	[tilespmem:v18+s17+$0x0] =	vst.idx.msk vm9, v2  }
0x13e: {  	v18 =	vld [tilespmem:$0x20];
	_ =	sdelay $0x4  }
0x13f: {  	v19 =	vadd.s32 $0xFFFFFE08, v18  }
0x140: {  	v18 =	vshll.u32 v18, $0x7;
	vm10 =	vlt.u32 v19, $0x1F0  }
0x141: {  	v18 =	vadd.s32 v12, v18;
	_ =	sdelay $0x4  }
0x142: {  	[tilespmem:v18+s17+$0x0] =	vst.idx.msk vm10, v2  }
0x143: {  	v18 =	vld [tilespmem:$0x30];
	_ =	sdelay $0x4  }
0x144: {  	v19 =	vadd.s32 $0xFFFFFE08, v18  }
0x145: {  	v18 =	vshll.u32 v18, $0x7;
	vm11 =	vlt.u32 v19, $0x1F0  }
0x146: {  	v18 =	vadd.s32 v13, v18;
	_ =	sdelay $0x4  }
0x147: {  	[tilespmem:v18+s17+$0x0] =	vst.idx.msk vm11, v2  }
0x148: {  	v18 =	vld [tilespmem:$0x40];
	_ =	sdelay $0x4  }
0x149: {  	v19 =	vadd.s32 $0xFFFFFE08, v18  }
0x14a: {  	v18 =	vshll.u32 v18, $0x7;
	vm12 =	vlt.u32 v19, $0x1F0  }
0x14b: {  	v18 =	vadd.s32 v14, v18;
	_ =	sdelay $0x4  }
0x14c: {  	[tilespmem:v18+s17+$0x0] =	vst.idx.msk vm12, v2  }
0x14d: {  	v18 =	vld [tilespmem:$0x50];
	_ =	sdelay $0x4  }
0x14e: {  	v19 =	vadd.s32 $0xFFFFFE08, v18  }
0x14f: {  	v18 =	vshll.u32 v18, $0x7;
	vm13 =	vlt.u32 v19, $0x1F0  }
0x150: {  	v18 =	vadd.s32 v15, v18;
	_ =	sdelay $0x4  }
0x151: {  	[tilespmem:v18+s17+$0x0] =	vst.idx.msk vm13, v2  }
0x152: {  	v18 =	vld [tilespmem:$0x60];
	_ =	sdelay $0x4  }
0x153: {  	v19 =	vadd.s32 $0xFFFFFE08, v18  }
0x154: {  	v18 =	vshll.u32 v18, $0x7;
	vm14 =	vlt.u32 v19, $0x1F0  }
0x155: {  	v18 =	vadd.s32 v16, v18;
	_ =	sdelay $0x4  }
0x156: {  	[tilespmem:v18+s17+$0x0] =	vst.idx.msk vm14, v2  }
0x157: {  	v18 =	vld [tilespmem:$0x70];
	_ =	sdelay $0x4  }
0x158: {  	v19 =	vadd.s32 $0xFFFFFE08, v18  }
0x159: {  	v18 =	vshll.u32 v18, $0x7;
	vm15 =	vlt.u32 v19, $0x1F0  }
0x15a: {  	v18 =	vadd.s32 v17, v18;
	_ =	sdelay $0x4  }
0x15b: {  	[tilespmem:v18+s17+$0x0] =	vst.idx.msk vm15, v2  }
0x15c: {  	[hbm4b:s5+s15] =	stream.strided.scatter [tilespmem:s17], [sflag:$0x2], $0xF800, s16, s15, $0x38;
	[tilespmem:$0x1FA00] =	vst v63  }
0x15d: {  	_ =	swait.ge [sflag:s18], $0xFC00  }
0x15e: {  	[sflag:s18] =	ssyncset.done $0x0  }
0x15f: {  	[sflag:s18] =	ssyncadd.s32 $0xFFFF0400  }
0x160: {  	v18 =	vld [tilespmem:$0x0];
	_ =	sdelay $0x4  }
0x161: {  	vm4 =	vlt.u32 v18, $0x1F8;
	v18 =	vshll.u32 v18, $0x7  }
0x162: {  	v18 =	vor.u32 v1, v18;
	_ =	sdelay $0x4  }
0x163: {  	[tilespmem:v18+s14+$0x0] =	vst.idx.msk vm4, v0  }
0x164: {  	v18 =	vld [tilespmem:$0x10];
	_ =	sdelay $0x4  }
0x165: {  	vm5 =	vlt.u32 v18, $0x1F8;
	v18 =	vshll.u32 v18, $0x7  }
0x166: {  	v18 =	vor.u32 v3, v18;
	_ =	sdelay $0x4  }
0x167: {  	[tilespmem:v18+s14+$0x0] =	vst.idx.msk vm5, v0  }
0x168: {  	v18 =	vld [tilespmem:$0x20];
	_ =	sdelay $0x4  }
0x169: {  	vm6 =	vlt.u32 v18, $0x1F8;
	v18 =	vshll.u32 v18, $0x7  }
0x16a: {  	v18 =	vor.u32 v4, v18;
	_ =	sdelay $0x4  }
0x16b: {  	[tilespmem:v18+s14+$0x0] =	vst.idx.msk vm6, v0  }
0x16c: {  	v18 =	vld [tilespmem:$0x30];
	_ =	sdelay $0x4  }
0x16d: {  	vm7 =	vlt.u32 v18, $0x1F8;
	v18 =	vshll.u32 v18, $0x7  }
0x16e: {  	v18 =	vor.u32 v5, v18;
	_ =	sdelay $0x4  }
0x16f: {  	[tilespmem:v18+s14+$0x0] =	vst.idx.msk vm7, v0  }
0x170: {  	v18 =	vld [tilespmem:$0x40];
	_ =	sdelay $0x4  }
0x171: {  	vm8 =	vlt.u32 v18, $0x1F8;
	v18 =	vshll.u32 v18, $0x7  }
0x172: {  	v18 =	vor.u32 v6, v18;
	_ =	sdelay $0x4  }
0x173: {  	[tilespmem:v18+s14+$0x0] =	vst.idx.msk vm8, v0  }
0x174: {  	v18 =	vld [tilespmem:$0x50];
	_ =	sdelay $0x4  }
0x175: {  	vm9 =	vlt.u32 v18, $0x1F8;
	v18 =	vshll.u32 v18, $0x7  }
0x176: {  	v18 =	vor.u32 v7, v18;
	_ =	sdelay $0x4  }
0x177: {  	[tilespmem:v18+s14+$0x0] =	vst.idx.msk vm9, v0  }
0x178: {  	v18 =	vld [tilespmem:$0x60];
	_ =	sdelay $0x4  }
0x179: {  	vm10 =	vlt.u32 v18, $0x1F8;
	v18 =	vshll.u32 v18, $0x7  }
0x17a: {  	v18 =	vor.u32 v8, v18;
	_ =	sdelay $0x4  }
0x17b: {  	[tilespmem:v18+s14+$0x0] =	vst.idx.msk vm10, v0  }
0x17c: {  	v18 =	vld [tilespmem:$0x70];
	_ =	sdelay $0x4  }
0x17d: {  	vm11 =	vlt.u32 v18, $0x1F8;
	v18 =	vshll.u32 v18, $0x7  }
0x17e: {  	v18 =	vor.u32 v9, v18;
	_ =	sdelay $0x4  }
0x17f: {  	[tilespmem:v18+s14+$0x0] =	vst.idx.msk vm11, v0  }
0x180: {  	v18 =	vld [tilespmem:$0x80];
	_ =	sdelay $0x4  }
0x181: {  	vm12 =	vlt.u32 v18, $0x1F8;
	v18 =	vshll.u32 v18, $0x7  }
0x182: {  	v18 =	vor.u32 v1, v18;
	_ =	sdelay $0x4  }
0x183: {  	[tilespmem:v18+s14+$0x0] =	vst.idx.msk vm12, v2  }
0x184: {  	v18 =	vld [tilespmem:$0x90];
	_ =	sdelay $0x4  }
0x185: {  	vm13 =	vlt.u32 v18, $0x1F8;
	v18 =	vshll.u32 v18, $0x7  }
0x186: {  	v18 =	vor.u32 v3, v18;
	_ =	sdelay $0x4  }
0x187: {  	[tilespmem:v18+s14+$0x0] =	vst.idx.msk vm13, v2  }
0x188: {  	v18 =	vld [tilespmem:$0xA0];
	_ =	sdelay $0x4  }
0x189: {  	vm14 =	vlt.u32 v18, $0x1F8;
	v18 =	vshll.u32 v18, $0x7  }
0x18a: {  	v18 =	vor.u32 v4, v18;
	_ =	sdelay $0x4  }
0x18b: {  	[tilespmem:v18+s14+$0x0] =	vst.idx.msk vm14, v2  }
0x18c: {  	v18 =	vld [tilespmem:$0xB0];
	_ =	sdelay $0x4  }
0x18d: {  	vm15 =	vlt.u32 v18, $0x1F8;
	v18 =	vshll.u32 v18, $0x7  }
0x18e: {  	v18 =	vor.u32 v5, v18;
	_ =	sdelay $0x4  }
0x18f: {  	[tilespmem:v18+s14+$0x0] =	vst.idx.msk vm15, v2  }
0x190: {  	v18 =	vld [tilespmem:$0xC0];
	_ =	sdelay $0x4  }
0x191: {  	vm4 =	vlt.u32 v18, $0x1F8;
	v18 =	vshll.u32 v18, $0x7  }
0x192: {  	v18 =	vor.u32 v6, v18;
	_ =	sdelay $0x4  }
0x193: {  	[tilespmem:v18+s14+$0x0] =	vst.idx.msk vm4, v2  }
0x194: {  	v18 =	vld [tilespmem:$0xD0];
	_ =	sdelay $0x4  }
0x195: {  	vm5 =	vlt.u32 v18, $0x1F8;
	v18 =	vshll.u32 v18, $0x7  }
0x196: {  	v18 =	vor.u32 v7, v18;
	_ =	sdelay $0x4  }
0x197: {  	[tilespmem:v18+s14+$0x0] =	vst.idx.msk vm5, v2  }
0x198: {  	v18 =	vld [tilespmem:$0xE0];
	_ =	sdelay $0x4  }
0x199: {  	vm6 =	vlt.u32 v18, $0x1F8;
	v18 =	vshll.u32 v18, $0x7  }
0x19a: {  	v18 =	vor.u32 v8, v18;
	_ =	sdelay $0x4  }
0x19b: {  	[tilespmem:v18+s14+$0x0] =	vst.idx.msk vm6, v2  }
0x19c: {  	v18 =	vld [tilespmem:$0xF0];
	_ =	sdelay $0x4  }
0x19d: {  	vm7 =	vlt.u32 v18, $0x1F8;
	v18 =	vshll.u32 v18, $0x7  }
0x19e: {  	v18 =	vor.u32 v9, v18;
	_ =	sdelay $0x4  }
0x19f: {  	[tilespmem:v18+s14+$0x0] =	vst.idx.msk vm7, v2  }
0x1a0: {  	[hbm4b:s6+s15] =	stream.strided.scatter [tilespmem:s14], [sflag:$0x1], $0xFC00, s16, s15, $0x38;
	[tilespmem:$0x1FA00] =	vst v63  }
0x1a1: {  	_ =	swait.ge [sflag:s19], $0xF800  }
0x1a2: {  	[sflag:s19] =	ssyncset.done $0x0  }
0x1a3: {  	[sflag:s19] =	ssyncadd.s32 $0xFFFF0800  }
0x1a4: {  	v18 =	vld [tilespmem:$0x0];
	_ =	sdelay $0x4  }
0x1a5: {  	v19 =	vadd.s32 $0xFFFFFE08, v18  }
0x1a6: {  	v18 =	vshll.u32 v18, $0x7;
	vm8 =	vlt.u32 v19, $0x1F0  }
0x1a7: {  	v18 =	vadd.s32 v10, v18;
	_ =	sdelay $0x4  }
0x1a8: {  	[tilespmem:v18+s17+$0x0] =	vst.idx.msk vm8, v0  }
0x1a9: {  	v18 =	vld [tilespmem:$0x10];
	_ =	sdelay $0x4  }
0x1aa: {  	v19 =	vadd.s32 $0xFFFFFE08, v18  }
0x1ab: {  	v18 =	vshll.u32 v18, $0x7;
	vm9 =	vlt.u32 v19, $0x1F0  }
0x1ac: {  	v18 =	vadd.s32 v11, v18;
	_ =	sdelay $0x4  }
0x1ad: {  	[tilespmem:v18+s17+$0x0] =	vst.idx.msk vm9, v0  }
0x1ae: {  	v18 =	vld [tilespmem:$0x20];
	_ =	sdelay $0x4  }
0x1af: {  	v19 =	vadd.s32 $0xFFFFFE08, v18  }
0x1b0: {  	v18 =	vshll.u32 v18, $0x7;
	vm10 =	vlt.u32 v19, $0x1F0  }
0x1b1: {  	v18 =	vadd.s32 v12, v18;
	_ =	sdelay $0x4  }
0x1b2: {  	[tilespmem:v18+s17+$0x0] =	vst.idx.msk vm10, v0  }
0x1b3: {  	v18 =	vld [tilespmem:$0x30];
	_ =	sdelay $0x4  }
0x1b4: {  	v19 =	vadd.s32 $0xFFFFFE08, v18  }
0x1b5: {  	v18 =	vshll.u32 v18, $0x7;
	vm11 =	vlt.u32 v19, $0x1F0  }
0x1b6: {  	v18 =	vadd.s32 v13, v18;
	_ =	sdelay $0x4  }
0x1b7: {  	[tilespmem:v18+s17+$0x0] =	vst.idx.msk vm11, v0  }
0x1b8: {  	v18 =	vld [tilespmem:$0x40];
	_ =	sdelay $0x4  }
0x1b9: {  	v19 =	vadd.s32 $0xFFFFFE08, v18  }
0x1ba: {  	v18 =	vshll.u32 v18, $0x7;
	vm12 =	vlt.u32 v19, $0x1F0  }
0x1bb: {  	v18 =	vadd.s32 v14, v18;
	_ =	sdelay $0x4  }
0x1bc: {  	[tilespmem:v18+s17+$0x0] =	vst.idx.msk vm12, v0  }
0x1bd: {  	v18 =	vld [tilespmem:$0x50];
	_ =	sdelay $0x4  }
0x1be: {  	v19 =	vadd.s32 $0xFFFFFE08, v18  }
0x1bf: {  	v18 =	vshll.u32 v18, $0x7;
	vm13 =	vlt.u32 v19, $0x1F0  }
0x1c0: {  	v18 =	vadd.s32 v15, v18;
	_ =	sdelay $0x4  }
0x1c1: {  	[tilespmem:v18+s17+$0x0] =	vst.idx.msk vm13, v0  }
0x1c2: {  	v18 =	vld [tilespmem:$0x60];
	_ =	sdelay $0x4  }
0x1c3: {  	v19 =	vadd.s32 $0xFFFFFE08, v18  }
0x1c4: {  	v18 =	vshll.u32 v18, $0x7;
	vm14 =	vlt.u32 v19, $0x1F0  }
0x1c5: {  	v18 =	vadd.s32 v16, v18;
	_ =	sdelay $0x4  }
0x1c6: {  	[tilespmem:v18+s17+$0x0] =	vst.idx.msk vm14, v0  }
0x1c7: {  	v18 =	vld [tilespmem:$0x70];
	_ =	sdelay $0x4  }
0x1c8: {  	v19 =	vadd.s32 $0xFFFFFE08, v18  }
0x1c9: {  	v18 =	vshll.u32 v18, $0x7;
	vm15 =	vlt.u32 v19, $0x1F0  }
0x1ca: {  	v18 =	vadd.s32 v17, v18;
	_ =	sdelay $0x4  }
0x1cb: {  	[tilespmem:v18+s17+$0x0] =	vst.idx.msk vm15, v0  }
0x1cc: {  	v18 =	vld [tilespmem:$0x80];
	_ =	sdelay $0x4  }
0x1cd: {  	v19 =	vadd.s32 $0xFFFFFE08, v18  }
0x1ce: {  	v18 =	vshll.u32 v18, $0x7;
	vm4 =	vlt.u32 v19, $0x1F0  }
0x1cf: {  	v18 =	vadd.s32 v10, v18;
	_ =	sdelay $0x4  }
0x1d0: {  	[tilespmem:v18+s17+$0x0] =	vst.idx.msk vm4, v2  }
0x1d1: {  	v18 =	vld [tilespmem:$0x90];
	_ =	sdelay $0x4  }
0x1d2: {  	v19 =	vadd.s32 $0xFFFFFE08, v18  }
0x1d3: {  	v18 =	vshll.u32 v18, $0x7;
	vm5 =	vlt.u32 v19, $0x1F0  }
0x1d4: {  	v18 =	vadd.s32 v11, v18;
	_ =	sdelay $0x4  }
0x1d5: {  	[tilespmem:v18+s17+$0x0] =	vst.idx.msk vm5, v2  }
0x1d6: {  	v18 =	vld [tilespmem:$0xA0];
	_ =	sdelay $0x4  }
0x1d7: {  	v19 =	vadd.s32 $0xFFFFFE08, v18  }
0x1d8: {  	v18 =	vshll.u32 v18, $0x7;
	vm6 =	vlt.u32 v19, $0x1F0  }
0x1d9: {  	v18 =	vadd.s32 v12, v18;
	_ =	sdelay $0x4  }
0x1da: {  	[tilespmem:v18+s17+$0x0] =	vst.idx.msk vm6, v2  }
0x1db: {  	v18 =	vld [tilespmem:$0xB0];
	_ =	sdelay $0x4  }
0x1dc: {  	v19 =	vadd.s32 $0xFFFFFE08, v18  }
0x1dd: {  	v18 =	vshll.u32 v18, $0x7;
	vm7 =	vlt.u32 v19, $0x1F0  }
0x1de: {  	v18 =	vadd.s32 v13, v18;
	_ =	sdelay $0x4  }
0x1df: {  	[tilespmem:v18+s17+$0x0] =	vst.idx.msk vm7, v2  }
0x1e0: {  	v18 =	vld [tilespmem:$0xC0];
	_ =	sdelay $0x4  }
0x1e1: {  	v19 =	vadd.s32 $0xFFFFFE08, v18  }
0x1e2: {  	v18 =	vshll.u32 v18, $0x7;
	vm8 =	vlt.u32 v19, $0x1F0  }
0x1e3: {  	v18 =	vadd.s32 v14, v18;
	_ =	sdelay $0x4  }
0x1e4: {  	[tilespmem:v18+s17+$0x0] =	vst.idx.msk vm8, v2  }
0x1e5: {  	v18 =	vld [tilespmem:$0xD0];
	_ =	sdelay $0x4  }
0x1e6: {  	v19 =	vadd.s32 $0xFFFFFE08, v18  }
0x1e7: {  	v18 =	vshll.u32 v18, $0x7;
	vm9 =	vlt.u32 v19, $0x1F0  }
0x1e8: {  	v18 =	vadd.s32 v15, v18;
	_ =	sdelay $0x4  }
0x1e9: {  	[tilespmem:v18+s17+$0x0] =	vst.idx.msk vm9, v2  }
0x1ea: {  	v18 =	vld [tilespmem:$0xE0];
	_ =	sdelay $0x4  }
0x1eb: {  	v19 =	vadd.s32 $0xFFFFFE08, v18  }
0x1ec: {  	v18 =	vshll.u32 v18, $0x7;
	vm10 =	vlt.u32 v19, $0x1F0  }
0x1ed: {  	v18 =	vadd.s32 v16, v18;
	_ =	sdelay $0x4  }
0x1ee: {  	[tilespmem:v18+s17+$0x0] =	vst.idx.msk vm10, v2  }
0x1ef: {  	v18 =	vld [tilespmem:$0xF0];
	_ =	sdelay $0x4  }
0x1f0: {  	v19 =	vadd.s32 $0xFFFFFE08, v18  }
0x1f1: {  	v18 =	vshll.u32 v18, $0x7;
	vm11 =	vlt.u32 v19, $0x1F0  }
0x1f2: {  	v18 =	vadd.s32 v17, v18;
	_ =	sdelay $0x4  }
0x1f3: {  	[tilespmem:v18+s17+$0x0] =	vst.idx.msk vm11, v2  }
0x1f4: {  	[hbm4b:s7+s15] =	stream.strided.scatter [tilespmem:s17], [sflag:$0x2], $0xF800, s16, s15, $0x38;
	[tilespmem:$0x1FA00] =	vst v63  }
0x1f5: {  	_ =	swait.ge [sflag:s18], $0xFC00  }
0x1f6: {  	[sflag:s18] =	ssyncset.done $0x0  }
0x1f7: {  	[sflag:s18] =	ssyncadd.s32 $0xFFFF0400  }
0x1f8: {  	v18 =	vld [tilespmem:$0x80];
	_ =	sdelay $0x4  }
0x1f9: {  	vm12 =	vlt.u32 v18, $0x1F8;
	v18 =	vshll.u32 v18, $0x7  }
0x1fa: {  	v18 =	vor.u32 v1, v18;
	_ =	sdelay $0x4  }
0x1fb: {  	[tilespmem:v18+s14+$0x0] =	vst.idx.msk vm12, v0  }
0x1fc: {  	v18 =	vld [tilespmem:$0x90];
	_ =	sdelay $0x4  }
0x1fd: {  	vm13 =	vlt.u32 v18, $0x1F8;
	v18 =	vshll.u32 v18, $0x7  }
0x1fe: {  	v18 =	vor.u32 v3, v18;
	_ =	sdelay $0x4  }
0x1ff: {  	[tilespmem:v18+s14+$0x0] =	vst.idx.msk vm13, v0  }
0x200: {  	v18 =	vld [tilespmem:$0xA0];
	_ =	sdelay $0x4  }
0x201: {  	vm14 =	vlt.u32 v18, $0x1F8;
	v18 =	vshll.u32 v18, $0x7  }
0x202: {  	v18 =	vor.u32 v4, v18;
	_ =	sdelay $0x4  }
0x203: {  	[tilespmem:v18+s14+$0x0] =	vst.idx.msk vm14, v0  }
0x204: {  	v18 =	vld [tilespmem:$0xB0];
	_ =	sdelay $0x4  }
0x205: {  	vm15 =	vlt.u32 v18, $0x1F8;
	v18 =	vshll.u32 v18, $0x7  }
0x206: {  	v18 =	vor.u32 v5, v18;
	_ =	sdelay $0x4  }
0x207: {  	[tilespmem:v18+s14+$0x0] =	vst.idx.msk vm15, v0  }
0x208: {  	v18 =	vld [tilespmem:$0xC0];
	_ =	sdelay $0x4  }
0x209: {  	vm4 =	vlt.u32 v18, $0x1F8;
	v18 =	vshll.u32 v18, $0x7  }
0x20a: {  	v18 =	vor.u32 v6, v18;
	_ =	sdelay $0x4  }
0x20b: {  	[tilespmem:v18+s14+$0x0] =	vst.idx.msk vm4, v0  }
0x20c: {  	v18 =	vld [tilespmem:$0xD0];
	_ =	sdelay $0x4  }
0x20d: {  	vm5 =	vlt.u32 v18, $0x1F8;
	v18 =	vshll.u32 v18, $0x7  }
0x20e: {  	v18 =	vor.u32 v7, v18;
	_ =	sdelay $0x4  }
0x20f: {  	[tilespmem:v18+s14+$0x0] =	vst.idx.msk vm5, v0  }
0x210: {  	v18 =	vld [tilespmem:$0xE0];
	_ =	sdelay $0x4  }
0x211: {  	vm6 =	vlt.u32 v18, $0x1F8;
	v18 =	vshll.u32 v18, $0x7  }
0x212: {  	v18 =	vor.u32 v8, v18;
	_ =	sdelay $0x4  }
0x213: {  	[tilespmem:v18+s14+$0x0] =	vst.idx.msk vm6, v0  }
0x214: {  	v18 =	vld [tilespmem:$0xF0];
	_ =	sdelay $0x4  }
0x215: {  	vm7 =	vlt.u32 v18, $0x1F8;
	v18 =	vshll.u32 v18, $0x7  }
0x216: {  	v18 =	vor.u32 v9, v18;
	_ =	sdelay $0x4  }
0x217: {  	[tilespmem:v18+s14+$0x0] =	vst.idx.msk vm7, v0  }
0x218: {  	v18 =	vld [tilespmem:$0x100];
	_ =	sdelay $0x4  }
0x219: {  	vm8 =	vlt.u32 v18, $0x1F8;
	v18 =	vshll.u32 v18, $0x7  }
0x21a: {  	v18 =	vor.u32 v1, v18;
	_ =	sdelay $0x4  }
0x21b: {  	[tilespmem:v18+s14+$0x0] =	vst.idx.msk vm8, v2  }
0x21c: {  	v18 =	vld [tilespmem:$0x110];
	_ =	sdelay $0x4  }
0x21d: {  	vm9 =	vlt.u32 v18, $0x1F8;
	v18 =	vshll.u32 v18, $0x7  }
0x21e: {  	v18 =	vor.u32 v3, v18;
	_ =	sdelay $0x4  }
0x21f: {  	[tilespmem:v18+s14+$0x0] =	vst.idx.msk vm9, v2  }
0x220: {  	v18 =	vld [tilespmem:$0x120];
	_ =	sdelay $0x4  }
0x221: {  	vm10 =	vlt.u32 v18, $0x1F8;
	v18 =	vshll.u32 v18, $0x7  }
0x222: {  	v18 =	vor.u32 v4, v18;
	_ =	sdelay $0x4  }
0x223: {  	[tilespmem:v18+s14+$0x0] =	vst.idx.msk vm10, v2  }
0x224: {  	v18 =	vld [tilespmem:$0x130];
	_ =	sdelay $0x4  }
0x225: {  	vm11 =	vlt.u32 v18, $0x1F8;
	v18 =	vshll.u32 v18, $0x7  }
0x226: {  	v18 =	vor.u32 v5, v18;
	_ =	sdelay $0x4  }
0x227: {  	[tilespmem:v18+s14+$0x0] =	vst.idx.msk vm11, v2  }
0x228: {  	v18 =	vld [tilespmem:$0x140];
	_ =	sdelay $0x4  }
0x229: {  	vm12 =	vlt.u32 v18, $0x1F8;
	v18 =	vshll.u32 v18, $0x7  }
0x22a: {  	v18 =	vor.u32 v6, v18;
	_ =	sdelay $0x4  }
0x22b: {  	[tilespmem:v18+s14+$0x0] =	vst.idx.msk vm12, v2  }
0x22c: {  	v18 =	vld [tilespmem:$0x150];
	_ =	sdelay $0x4  }
0x22d: {  	vm13 =	vlt.u32 v18, $0x1F8;
	v18 =	vshll.u32 v18, $0x7  }
0x22e: {  	v18 =	vor.u32 v7, v18;
	_ =	sdelay $0x4  }
0x22f: {  	[tilespmem:v18+s14+$0x0] =	vst.idx.msk vm13, v2  }
0x230: {  	v18 =	vld [tilespmem:$0x160];
	_ =	sdelay $0x4  }
0x231: {  	vm14 =	vlt.u32 v18, $0x1F8;
	v18 =	vshll.u32 v18, $0x7  }
0x232: {  	v18 =	vor.u32 v8, v18;
	_ =	sdelay $0x4  }
0x233: {  	[tilespmem:v18+s14+$0x0] =	vst.idx.msk vm14, v2  }
0x234: {  	v18 =	vld [tilespmem:$0x170];
	_ =	sdelay $0x4  }
0x235: {  	vm15 =	vlt.u32 v18, $0x1F8;
	v18 =	vshll.u32 v18, $0x7  }
0x236: {  	v18 =	vor.u32 v9, v18;
	_ =	sdelay $0x4  }
0x237: {  	[tilespmem:v18+s14+$0x0] =	vst.idx.msk vm15, v2  }
0x238: {  	[hbm4b:s8+s15] =	stream.strided.scatter [tilespmem:s14], [sflag:$0x1], $0xFC00, s16, s15, $0x38;
	[tilespmem:$0x1FA00] =	vst v63  }
0x239: {  	_ =	swait.ge [sflag:s19], $0xF800  }
0x23a: {  	[sflag:s19] =	ssyncset.done $0x0  }
0x23b: {  	[sflag:s19] =	ssyncadd.s32 $0xFFFF0800  }
0x23c: {  	v18 =	vld [tilespmem:$0x80];
	_ =	sdelay $0x4  }
0x23d: {  	v19 =	vadd.s32 $0xFFFFFE08, v18  }
0x23e: {  	v18 =	vshll.u32 v18, $0x7;
	vm4 =	vlt.u32 v19, $0x1F0  }
0x23f: {  	v18 =	vadd.s32 v10, v18;
	_ =	sdelay $0x4  }
0x240: {  	[tilespmem:v18+s17+$0x0] =	vst.idx.msk vm4, v0  }
0x241: {  	v18 =	vld [tilespmem:$0x90];
	_ =	sdelay $0x4  }
0x242: {  	v19 =	vadd.s32 $0xFFFFFE08, v18  }
0x243: {  	v18 =	vshll.u32 v18, $0x7;
	vm5 =	vlt.u32 v19, $0x1F0  }
0x244: {  	v18 =	vadd.s32 v11, v18;
	_ =	sdelay $0x4  }
0x245: {  	[tilespmem:v18+s17+$0x0] =	vst.idx.msk vm5, v0  }
0x246: {  	v18 =	vld [tilespmem:$0xA0];
	_ =	sdelay $0x4  }
0x247: {  	v19 =	vadd.s32 $0xFFFFFE08, v18  }
0x248: {  	v18 =	vshll.u32 v18, $0x7;
	vm6 =	vlt.u32 v19, $0x1F0  }
0x249: {  	v18 =	vadd.s32 v12, v18;
	_ =	sdelay $0x4  }
0x24a: {  	[tilespmem:v18+s17+$0x0] =	vst.idx.msk vm6, v0  }
0x24b: {  	v18 =	vld [tilespmem:$0xB0];
	_ =	sdelay $0x4  }
0x24c: {  	v19 =	vadd.s32 $0xFFFFFE08, v18  }
0x24d: {  	v18 =	vshll.u32 v18, $0x7;
	vm7 =	vlt.u32 v19, $0x1F0  }
0x24e: {  	v18 =	vadd.s32 v13, v18;
	_ =	sdelay $0x4  }
0x24f: {  	[tilespmem:v18+s17+$0x0] =	vst.idx.msk vm7, v0  }
0x250: {  	v18 =	vld [tilespmem:$0xC0];
	_ =	sdelay $0x4  }
0x251: {  	v19 =	vadd.s32 $0xFFFFFE08, v18  }
0x252: {  	v18 =	vshll.u32 v18, $0x7;
	vm8 =	vlt.u32 v19, $0x1F0  }
0x253: {  	v18 =	vadd.s32 v14, v18;
	_ =	sdelay $0x4  }
0x254: {  	[tilespmem:v18+s17+$0x0] =	vst.idx.msk vm8, v0  }
0x255: {  	v18 =	vld [tilespmem:$0xD0];
	_ =	sdelay $0x4  }
0x256: {  	v19 =	vadd.s32 $0xFFFFFE08, v18  }
0x257: {  	v18 =	vshll.u32 v18, $0x7;
	vm9 =	vlt.u32 v19, $0x1F0  }
0x258: {  	v18 =	vadd.s32 v15, v18;
	_ =	sdelay $0x4  }
0x259: {  	[tilespmem:v18+s17+$0x0] =	vst.idx.msk vm9, v0  }
0x25a: {  	v18 =	vld [tilespmem:$0xE0];
	_ =	sdelay $0x4  }
0x25b: {  	v19 =	vadd.s32 $0xFFFFFE08, v18  }
0x25c: {  	v18 =	vshll.u32 v18, $0x7;
	vm10 =	vlt.u32 v19, $0x1F0  }
0x25d: {  	v18 =	vadd.s32 v16, v18;
	_ =	sdelay $0x4  }
0x25e: {  	[tilespmem:v18+s17+$0x0] =	vst.idx.msk vm10, v0  }
0x25f: {  	v18 =	vld [tilespmem:$0xF0];
	_ =	sdelay $0x4  }
0x260: {  	v19 =	vadd.s32 $0xFFFFFE08, v18  }
0x261: {  	v18 =	vshll.u32 v18, $0x7;
	vm11 =	vlt.u32 v19, $0x1F0  }
0x262: {  	v18 =	vadd.s32 v17, v18;
	_ =	sdelay $0x4  }
0x263: {  	[tilespmem:v18+s17+$0x0] =	vst.idx.msk vm11, v0  }
0x264: {  	v18 =	vld [tilespmem:$0x100];
	_ =	sdelay $0x4  }
0x265: {  	v19 =	vadd.s32 $0xFFFFFE08, v18  }
0x266: {  	v18 =	vshll.u32 v18, $0x7;
	vm12 =	vlt.u32 v19, $0x1F0  }
0x267: {  	v18 =	vadd.s32 v10, v18;
	_ =	sdelay $0x4  }
0x268: {  	[tilespmem:v18+s17+$0x0] =	vst.idx.msk vm12, v2  }
0x269: {  	v18 =	vld [tilespmem:$0x110];
	_ =	sdelay $0x4  }
0x26a: {  	v19 =	vadd.s32 $0xFFFFFE08, v18  }
0x26b: {  	v18 =	vshll.u32 v18, $0x7;
	vm13 =	vlt.u32 v19, $0x1F0  }
0x26c: {  	v18 =	vadd.s32 v11, v18;
	_ =	sdelay $0x4  }
0x26d: {  	[tilespmem:v18+s17+$0x0] =	vst.idx.msk vm13, v2  }
0x26e: {  	v18 =	vld [tilespmem:$0x120];
	_ =	sdelay $0x4  }
0x26f: {  	v19 =	vadd.s32 $0xFFFFFE08, v18  }
0x270: {  	v18 =	vshll.u32 v18, $0x7;
	vm14 =	vlt.u32 v19, $0x1F0  }
0x271: {  	v18 =	vadd.s32 v12, v18;
	_ =	sdelay $0x4  }
0x272: {  	[tilespmem:v18+s17+$0x0] =	vst.idx.msk vm14, v2  }
0x273: {  	v18 =	vld [tilespmem:$0x130];
	_ =	sdelay $0x4  }
0x274: {  	v19 =	vadd.s32 $0xFFFFFE08, v18  }
0x275: {  	v18 =	vshll.u32 v18, $0x7;
	vm15 =	vlt.u32 v19, $0x1F0  }
0x276: {  	v18 =	vadd.s32 v13, v18;
	_ =	sdelay $0x4  }
0x277: {  	[tilespmem:v18+s17+$0x0] =	vst.idx.msk vm15, v2  }
0x278: {  	v18 =	vld [tilespmem:$0x140];
	_ =	sdelay $0x4  }
0x279: {  	v19 =	vadd.s32 $0xFFFFFE08, v18  }
0x27a: {  	v18 =	vshll.u32 v18, $0x7;
	vm4 =	vlt.u32 v19, $0x1F0  }
0x27b: {  	v18 =	vadd.s32 v14, v18;
	_ =	sdelay $0x4  }
0x27c: {  	[tilespmem:v18+s17+$0x0] =	vst.idx.msk vm4, v2  }
0x27d: {  	v18 =	vld [tilespmem:$0x150];
	_ =	sdelay $0x4  }
0x27e: {  	v19 =	vadd.s32 $0xFFFFFE08, v18  }
0x27f: {  	v18 =	vshll.u32 v18, $0x7;
	vm5 =	vlt.u32 v19, $0x1F0  }
0x280: {  	v18 =	vadd.s32 v15, v18;
	_ =	sdelay $0x4  }
0x281: {  	[tilespmem:v18+s17+$0x0] =	vst.idx.msk vm5, v2  }
0x282: {  	v18 =	vld [tilespmem:$0x160];
	_ =	sdelay $0x4  }
0x283: {  	v19 =	vadd.s32 $0xFFFFFE08, v18  }
0x284: {  	v18 =	vshll.u32 v18, $0x7;
	vm6 =	vlt.u32 v19, $0x1F0  }
0x285: {  	v18 =	vadd.s32 v16, v18;
	_ =	sdelay $0x4  }
0x286: {  	[tilespmem:v18+s17+$0x0] =	vst.idx.msk vm6, v2  }
0x287: {  	v18 =	vld [tilespmem:$0x170];
	_ =	sdelay $0x4  }
0x288: {  	v19 =	vadd.s32 $0xFFFFFE08, v18  }
0x289: {  	v18 =	vshll.u32 v18, $0x7;
	vm7 =	vlt.u32 v19, $0x1F0  }
0x28a: {  	v18 =	vadd.s32 v17, v18;
	_ =	sdelay $0x4  }
0x28b: {  	[tilespmem:v18+s17+$0x0] =	vst.idx.msk vm7, v2  }
0x28c: {  	[hbm4b:s9+s15] =	stream.strided.scatter [tilespmem:s17], [sflag:$0x2], $0xF800, s16, s15, $0x38;
	[tilespmem:$0x1FA00] =	vst v63  }
0x28d: {  	_ =	swait.ge [sflag:s18], $0xFC00  }
0x28e: {  	[sflag:s18] =	ssyncset.done $0x0  }
0x28f: {  	[sflag:s18] =	ssyncadd.s32 $0xFFFF0400  }
0x290: {  	v18 =	vld [tilespmem:$0x100];
	_ =	sdelay $0x4  }
0x291: {  	vm8 =	vlt.u32 v18, $0x1F8;
	v18 =	vshll.u32 v18, $0x7  }
0x292: {  	v18 =	vor.u32 v1, v18;
	_ =	sdelay $0x4  }
0x293: {  	[tilespmem:v18+s14+$0x0] =	vst.idx.msk vm8, v0  }
0x294: {  	v18 =	vld [tilespmem:$0x110];
	_ =	sdelay $0x4  }
0x295: {  	vm9 =	vlt.u32 v18, $0x1F8;
	v18 =	vshll.u32 v18, $0x7  }
0x296: {  	v18 =	vor.u32 v3, v18;
	_ =	sdelay $0x4  }
0x297: {  	[tilespmem:v18+s14+$0x0] =	vst.idx.msk vm9, v0  }
0x298: {  	v18 =	vld [tilespmem:$0x120];
	_ =	sdelay $0x4  }
0x299: {  	vm10 =	vlt.u32 v18, $0x1F8;
	v18 =	vshll.u32 v18, $0x7  }
0x29a: {  	v18 =	vor.u32 v4, v18;
	_ =	sdelay $0x4  }
0x29b: {  	[tilespmem:v18+s14+$0x0] =	vst.idx.msk vm10, v0  }
0x29c: {  	v18 =	vld [tilespmem:$0x130];
	_ =	sdelay $0x4  }
0x29d: {  	vm11 =	vlt.u32 v18, $0x1F8;
	v18 =	vshll.u32 v18, $0x7  }
0x29e: {  	v18 =	vor.u32 v5, v18;
	_ =	sdelay $0x4  }
0x29f: {  	[tilespmem:v18+s14+$0x0] =	vst.idx.msk vm11, v0  }
0x2a0: {  	v18 =	vld [tilespmem:$0x140];
	_ =	sdelay $0x4  }
0x2a1: {  	vm12 =	vlt.u32 v18, $0x1F8;
	v18 =	vshll.u32 v18, $0x7  }
0x2a2: {  	v18 =	vor.u32 v6, v18;
	_ =	sdelay $0x4  }
0x2a3: {  	[tilespmem:v18+s14+$0x0] =	vst.idx.msk vm12, v0  }
0x2a4: {  	v18 =	vld [tilespmem:$0x150];
	_ =	sdelay $0x4  }
0x2a5: {  	vm13 =	vlt.u32 v18, $0x1F8;
	v18 =	vshll.u32 v18, $0x7  }
0x2a6: {  	v18 =	vor.u32 v7, v18;
	_ =	sdelay $0x4  }
0x2a7: {  	[tilespmem:v18+s14+$0x0] =	vst.idx.msk vm13, v0  }
0x2a8: {  	v18 =	vld [tilespmem:$0x160];
	_ =	sdelay $0x4  }
0x2a9: {  	vm14 =	vlt.u32 v18, $0x1F8;
	v18 =	vshll.u32 v18, $0x7  }
0x2aa: {  	v18 =	vor.u32 v8, v18;
	_ =	sdelay $0x4  }
0x2ab: {  	[tilespmem:v18+s14+$0x0] =	vst.idx.msk vm14, v0  }
0x2ac: {  	v18 =	vld [tilespmem:$0x170];
	_ =	sdelay $0x4  }
0x2ad: {  	vm15 =	vlt.u32 v18, $0x1F8;
	v18 =	vshll.u32 v18, $0x7  }
0x2ae: {  	v18 =	vor.u32 v9, v18;
	_ =	sdelay $0x4  }
0x2af: {  	[tilespmem:v18+s14+$0x0] =	vst.idx.msk vm15, v0  }
0x2b0: {  	v18 =	vld [tilespmem:$0x180];
	_ =	sdelay $0x4  }
0x2b1: {  	vm4 =	vlt.u32 v18, $0x1F8;
	v18 =	vshll.u32 v18, $0x7  }
0x2b2: {  	v18 =	vor.u32 v1, v18;
	_ =	sdelay $0x4  }
0x2b3: {  	[tilespmem:v18+s14+$0x0] =	vst.idx.msk vm4, v2  }
0x2b4: {  	v18 =	vld [tilespmem:$0x190];
	_ =	sdelay $0x4  }
0x2b5: {  	vm5 =	vlt.u32 v18, $0x1F8;
	v18 =	vshll.u32 v18, $0x7  }
0x2b6: {  	v18 =	vor.u32 v3, v18;
	_ =	sdelay $0x4  }
0x2b7: {  	[tilespmem:v18+s14+$0x0] =	vst.idx.msk vm5, v2  }
0x2b8: {  	v18 =	vld [tilespmem:$0x1A0];
	_ =	sdelay $0x4  }
0x2b9: {  	vm6 =	vlt.u32 v18, $0x1F8;
	v18 =	vshll.u32 v18, $0x7  }
0x2ba: {  	v18 =	vor.u32 v4, v18;
	_ =	sdelay $0x4  }
0x2bb: {  	[tilespmem:v18+s14+$0x0] =	vst.idx.msk vm6, v2  }
0x2bc: {  	v18 =	vld [tilespmem:$0x1B0];
	_ =	sdelay $0x4  }
0x2bd: {  	vm7 =	vlt.u32 v18, $0x1F8;
	v18 =	vshll.u32 v18, $0x7  }
0x2be: {  	v18 =	vor.u32 v5, v18;
	_ =	sdelay $0x4  }
0x2bf: {  	[tilespmem:v18+s14+$0x0] =	vst.idx.msk vm7, v2  }
0x2c0: {  	v18 =	vld [tilespmem:$0x1C0];
	_ =	sdelay $0x4  }
0x2c1: {  	vm8 =	vlt.u32 v18, $0x1F8;
	v18 =	vshll.u32 v18, $0x7  }
0x2c2: {  	v18 =	vor.u32 v6, v18;
	_ =	sdelay $0x4  }
0x2c3: {  	[tilespmem:v18+s14+$0x0] =	vst.idx.msk vm8, v2  }
0x2c4: {  	v18 =	vld [tilespmem:$0x1D0];
	_ =	sdelay $0x4  }
0x2c5: {  	vm9 =	vlt.u32 v18, $0x1F8;
	v18 =	vshll.u32 v18, $0x7  }
0x2c6: {  	v18 =	vor.u32 v7, v18;
	_ =	sdelay $0x4  }
0x2c7: {  	[tilespmem:v18+s14+$0x0] =	vst.idx.msk vm9, v2  }
0x2c8: {  	v18 =	vld [tilespmem:$0x1E0];
	_ =	sdelay $0x4  }
0x2c9: {  	vm10 =	vlt.u32 v18, $0x1F8;
	v18 =	vshll.u32 v18, $0x7  }
0x2ca: {  	v18 =	vor.u32 v8, v18;
	_ =	sdelay $0x4  }
0x2cb: {  	[tilespmem:v18+s14+$0x0] =	vst.idx.msk vm10, v2  }
0x2cc: {  	v18 =	vld [tilespmem:$0x1F0];
	_ =	sdelay $0x4  }
0x2cd: {  	vm11 =	vlt.u32 v18, $0x1F8;
	v18 =	vshll.u32 v18, $0x7  }
0x2ce: {  	v18 =	vor.u32 v9, v18;
	_ =	sdelay $0x4  }
0x2cf: {  	[tilespmem:v18+s14+$0x0] =	vst.idx.msk vm11, v2  }
0x2d0: {  	[hbm4b:s10+s15] =	stream.strided.scatter [tilespmem:s14], [sflag:$0x1], $0xFC00, s16, s15, $0x38;
	[tilespmem:$0x1FA00] =	vst v63  }
0x2d1: {  	_ =	swait.ge [sflag:s19], $0xF800  }
0x2d2: {  	[sflag:s19] =	ssyncset.done $0x0  }
0x2d3: {  	[sflag:s19] =	ssyncadd.s32 $0xFFFF0800  }
0x2d4: {  	v18 =	vld [tilespmem:$0x100];
	_ =	sdelay $0x4  }
0x2d5: {  	v19 =	vadd.s32 $0xFFFFFE08, v18  }
0x2d6: {  	v18 =	vshll.u32 v18, $0x7;
	vm12 =	vlt.u32 v19, $0x1F0  }
0x2d7: {  	v18 =	vadd.s32 v10, v18;
	_ =	sdelay $0x4  }
0x2d8: {  	[tilespmem:v18+s17+$0x0] =	vst.idx.msk vm12, v0  }
0x2d9: {  	v18 =	vld [tilespmem:$0x110];
	_ =	sdelay $0x4  }
0x2da: {  	v19 =	vadd.s32 $0xFFFFFE08, v18  }
0x2db: {  	v18 =	vshll.u32 v18, $0x7;
	vm13 =	vlt.u32 v19, $0x1F0  }
0x2dc: {  	v18 =	vadd.s32 v11, v18;
	_ =	sdelay $0x4  }
0x2dd: {  	[tilespmem:v18+s17+$0x0] =	vst.idx.msk vm13, v0  }
0x2de: {  	v18 =	vld [tilespmem:$0x120];
	_ =	sdelay $0x4  }
0x2df: {  	v19 =	vadd.s32 $0xFFFFFE08, v18  }
0x2e0: {  	v18 =	vshll.u32 v18, $0x7;
	vm14 =	vlt.u32 v19, $0x1F0  }
0x2e1: {  	v18 =	vadd.s32 v12, v18;
	_ =	sdelay $0x4  }
0x2e2: {  	[tilespmem:v18+s17+$0x0] =	vst.idx.msk vm14, v0  }
0x2e3: {  	v18 =	vld [tilespmem:$0x130];
	_ =	sdelay $0x4  }
0x2e4: {  	v19 =	vadd.s32 $0xFFFFFE08, v18  }
0x2e5: {  	v18 =	vshll.u32 v18, $0x7;
	vm15 =	vlt.u32 v19, $0x1F0  }
0x2e6: {  	v18 =	vadd.s32 v13, v18;
	_ =	sdelay $0x4  }
0x2e7: {  	[tilespmem:v18+s17+$0x0] =	vst.idx.msk vm15, v0  }
0x2e8: {  	v18 =	vld [tilespmem:$0x140];
	_ =	sdelay $0x4  }
0x2e9: {  	v19 =	vadd.s32 $0xFFFFFE08, v18  }
0x2ea: {  	v18 =	vshll.u32 v18, $0x7;
	vm4 =	vlt.u32 v19, $0x1F0  }
0x2eb: {  	v18 =	vadd.s32 v14, v18;
	_ =	sdelay $0x4  }
0x2ec: {  	[tilespmem:v18+s17+$0x0] =	vst.idx.msk vm4, v0  }
0x2ed: {  	v18 =	vld [tilespmem:$0x150];
	_ =	sdelay $0x4  }
0x2ee: {  	v19 =	vadd.s32 $0xFFFFFE08, v18  }
0x2ef: {  	v18 =	vshll.u32 v18, $0x7;
	vm5 =	vlt.u32 v19, $0x1F0  }
0x2f0: {  	v18 =	vadd.s32 v15, v18;
	_ =	sdelay $0x4  }
0x2f1: {  	[tilespmem:v18+s17+$0x0] =	vst.idx.msk vm5, v0  }
0x2f2: {  	v18 =	vld [tilespmem:$0x160];
	_ =	sdelay $0x4  }
0x2f3: {  	v19 =	vadd.s32 $0xFFFFFE08, v18  }
0x2f4: {  	v18 =	vshll.u32 v18, $0x7;
	vm6 =	vlt.u32 v19, $0x1F0  }
0x2f5: {  	v18 =	vadd.s32 v16, v18;
	_ =	sdelay $0x4  }
0x2f6: {  	[tilespmem:v18+s17+$0x0] =	vst.idx.msk vm6, v0  }
0x2f7: {  	v18 =	vld [tilespmem:$0x170];
	_ =	sdelay $0x4  }
0x2f8: {  	v19 =	vadd.s32 $0xFFFFFE08, v18  }
0x2f9: {  	v18 =	vshll.u32 v18, $0x7;
	vm7 =	vlt.u32 v19, $0x1F0  }
0x2fa: {  	v18 =	vadd.s32 v17, v18;
	_ =	sdelay $0x4  }
0x2fb: {  	[tilespmem:v18+s17+$0x0] =	vst.idx.msk vm7, v0  }
0x2fc: {  	v18 =	vld [tilespmem:$0x180];
	_ =	sdelay $0x4  }
0x2fd: {  	v19 =	vadd.s32 $0xFFFFFE08, v18  }
0x2fe: {  	v18 =	vshll.u32 v18, $0x7;
	vm8 =	vlt.u32 v19, $0x1F0  }
0x2ff: {  	v18 =	vadd.s32 v10, v18;
	_ =	sdelay $0x4  }
0x300: {  	[tilespmem:v18+s17+$0x0] =	vst.idx.msk vm8, v2  }
0x301: {  	v18 =	vld [tilespmem:$0x190];
	_ =	sdelay $0x4  }
0x302: {  	v19 =	vadd.s32 $0xFFFFFE08, v18  }
0x303: {  	v18 =	vshll.u32 v18, $0x7;
	vm9 =	vlt.u32 v19, $0x1F0  }
0x304: {  	v18 =	vadd.s32 v11, v18;
	_ =	sdelay $0x4  }
0x305: {  	[tilespmem:v18+s17+$0x0] =	vst.idx.msk vm9, v2  }
0x306: {  	v18 =	vld [tilespmem:$0x1A0];
	_ =	sdelay $0x4  }
0x307: {  	v19 =	vadd.s32 $0xFFFFFE08, v18  }
0x308: {  	v18 =	vshll.u32 v18, $0x7;
	vm10 =	vlt.u32 v19, $0x1F0  }
0x309: {  	v18 =	vadd.s32 v12, v18;
	_ =	sdelay $0x4  }
0x30a: {  	[tilespmem:v18+s17+$0x0] =	vst.idx.msk vm10, v2  }
0x30b: {  	v18 =	vld [tilespmem:$0x1B0];
	_ =	sdelay $0x4  }
0x30c: {  	v19 =	vadd.s32 $0xFFFFFE08, v18  }
0x30d: {  	v18 =	vshll.u32 v18, $0x7;
	vm11 =	vlt.u32 v19, $0x1F0  }
0x30e: {  	v18 =	vadd.s32 v13, v18;
	_ =	sdelay $0x4  }
0x30f: {  	[tilespmem:v18+s17+$0x0] =	vst.idx.msk vm11, v2  }
0x310: {  	v18 =	vld [tilespmem:$0x1C0];
	_ =	sdelay $0x4  }
0x311: {  	v19 =	vadd.s32 $0xFFFFFE08, v18  }
0x312: {  	v18 =	vshll.u32 v18, $0x7;
	vm12 =	vlt.u32 v19, $0x1F0  }
0x313: {  	v18 =	vadd.s32 v14, v18;
	_ =	sdelay $0x4  }
0x314: {  	[tilespmem:v18+s17+$0x0] =	vst.idx.msk vm12, v2  }
0x315: {  	v18 =	vld [tilespmem:$0x1D0];
	_ =	sdelay $0x4  }
0x316: {  	v19 =	vadd.s32 $0xFFFFFE08, v18  }
0x317: {  	v18 =	vshll.u32 v18, $0x7;
	vm13 =	vlt.u32 v19, $0x1F0  }
0x318: {  	v18 =	vadd.s32 v15, v18;
	_ =	sdelay $0x4  }
0x319: {  	[tilespmem:v18+s17+$0x0] =	vst.idx.msk vm13, v2  }
0x31a: {  	v18 =	vld [tilespmem:$0x1E0];
	_ =	sdelay $0x4  }
0x31b: {  	v19 =	vadd.s32 $0xFFFFFE08, v18  }
0x31c: {  	v18 =	vshll.u32 v18, $0x7;
	vm14 =	vlt.u32 v19, $0x1F0  }
0x31d: {  	v18 =	vadd.s32 v16, v18;
	_ =	sdelay $0x4  }
0x31e: {  	[tilespmem:v18+s17+$0x0] =	vst.idx.msk vm14, v2  }
0x31f: {  	v18 =	vld [tilespmem:$0x1F0];
	_ =	sdelay $0x4  }
0x320: {  	v19 =	vadd.s32 $0xFFFFFE08, v18  }
0x321: {  	v18 =	vshll.u32 v18, $0x7;
	vm15 =	vlt.u32 v19, $0x1F0  }
0x322: {  	v18 =	vadd.s32 v17, v18;
	_ =	sdelay $0x4  }
0x323: {  	s20 =	sadd.s32 $0x1, s20;
	[tilespmem:v18+s17+$0x0] =	vst.idx.msk vm15, v2  }
0x324: {  	[hbm4b:s11+s15] =	stream.strided.scatter [tilespmem:s17], [sflag:$0x2], $0xF800, s16, s15, $0x38;
	[tilespmem:$0x1FA00] =	vst v63  }
0x325: {  	p0 =	sne.s32 s20, s12;
	_ =	swait.ge [sflag:s18], $0xFC00  }
.Ltmp2:
0x326: {  	[sflag:s18] =	ssyncset.done $0x0;
	(pc) =	sbr.rel @p0 .LBB2_1-.Ltmp2, $4  }
0x327: {  	[sflag:s18] =	ssyncadd.s32 $0xFFFF0400  }
0x328: {  	_ =	swait.ge [sflag:s19], $0xF800  }
0x329: {  	[sflag:s19] =	ssyncset.done $0x0  }
0x32a: {  	[sflag:s19] =	ssyncadd.s32 $0xFFFF0800  }
0x32b: {  	_ =	sfence.sel $0x180000  }
0x32c: {  	[bflag:$0x0] =	sbarrier.arrive $0xFFFF  }
0x32d: {  	p0 =	sne.s32 s1, $0x0;
	_ =	strace $0x90000047  }
0x32e: {  	s0 =	sadd.s32 @!p0 $0x100000, s0;
	[bflag:$0x2] =	sbarrier.arrive $0xFFFF  }
0x32f: {  	[sflag:s0] =	ssyncadd.tile.s32 @!p0 $0x1;
	_ =	shalt  }
.Lfunc_end2:
_tile_overlayer_lowered:
.L_overlay_start_2:
0x330: {  	(tag) =	ssettag $0x2  }
0x331: {  	s0 =	rddreg [dreg:$0x0];
	s2 =	stileid.u32  }
0x332: {  	s1 =	rddreg [dreg:$0x1];
	p0 =	sne.s32 s2, $0x0  }
0x333: {  	s3 =	rddreg [dreg:$0x2];
	[bflag:$0x3] =	sbarrier.arrive $0xFFFF;
	s2 =	simm.s32 @!p0 $0x1C04  }
0x334: {  	[timem:s3], [sflag:s2] =	dma.local @!p0 [hbm:s0], s1  }
0x335: {  	s0 =	simm.s32 @!p0 $0x4  }
0x336: {  	_ =	swait.ge @!p0 [sflag:s0], s1  }
0x337: {  	s1 =	ssub.s32 @!p0 $0x0, s1;
	[sflag:s0] =	ssyncset.done @!p0 $0x0  }
0x338: {  	[sflag:s0] =	ssyncadd.s32 @!p0 s1  }
0x339: {  	[bflag:$0x3] =	sbarrier.arrive $0xFFFF  }
0x33a: {  	_ =	shalt  }

</sc_bundles>
